<compile_context>
chip_gen: v7x
topology: tpu7x:2x2x1
jax: 0.10.2.dev20260603
libtpu: 0.0.44.dev20260713+nightly
codegen_flags: <defaults>
</compile_context>

<pallas_src>
import functools

import jax
import jax.numpy as jnp
from jax import lax
from jax.experimental import pallas as pl
from jax.experimental.pallas import tpu as pltpu
from jax.experimental.pallas import tpu_sc as plsc

D_MODEL = 1024
NUM_EMB = 4

_NC = 2
_NS = 16
_NW = _NC * _NS

_TOTAL = 4 * 8192
_BPW = _TOTAL // _NW

_GROWS = 512
_RG = 32
_NCHG = _GROWS // _RG

_FROWS = _BPW - _GROWS
_RF = 16
_NCHF = _FROWS // _RF


def _sc_body(ids_hbm, table_hbm, out_hbm, idx_v, table_v, gbuf, fbuf,
             gsemA, gsemB, ssemA, ssemB, fsemA, fsemB):
    sid = lax.axis_index("s")
    wid = sid * _NC + lax.axis_index("c")
    base = wid * _BPW

    pltpu.sync_copy(table_hbm.at[pl.ds(0, NUM_EMB)], table_v)
    pltpu.sync_copy(ids_hbm.at[pl.ds(base, _BPW)], idx_v)
    off = wid * NUM_EMB
    for j in range(_GROWS // 16):
        sl = pl.ds(j * 16, 16)
        idx_v[sl] = idx_v[sl] + off

    iota = lax.iota(jnp.int32, 16)
    gsems = (gsemA, gsemB)
    ssems = (ssemA, ssemB)
    fsems = (fsemA, fsemB)

    def g_gather(g, par):
        return pltpu.make_async_copy(
            table_hbm.at[idx_v.at[pl.ds(g * _RG, _RG)]],
            gbuf.at[par], gsems[par])

    def g_scat(g, par):
        return pltpu.make_async_copy(
            gbuf.at[par], out_hbm.at[pl.ds(base + g * _RG, _RG)], ssems[par])

    def f_scat(i, par):
        return pltpu.make_async_copy(
            fbuf.at[pl.ds(par * _RF, _RF)],
            out_hbm.at[pl.ds(base + _GROWS + i * _RF, _RF)], fsems[par])

    def step(i, carry):
        par_f = i % 2

        @pl.when(i >= 2)
        def _():
            @pl.when(par_f == 0)
            def _():
                f_scat(i - 2, 0).wait()

            @pl.when(par_f == 1)
            def _():
                f_scat(i - 2, 1).wait()

        @pl.when(par_f == 0)
        def _():
            g = i // 2
            par_g = g % 2

            @pl.when(g == 0)
            def _():
                g_gather(0, 0).start()

            @pl.when(par_g == 0)
            def _():
                g_gather(g, 0).wait()
                g_scat(g, 0).start()

            @pl.when(par_g == 1)
            def _():
                g_gather(g, 1).wait()
                g_scat(g, 1).start()

            @pl.when(g >= 1)
            def _():
                @pl.when(par_g == 0)
                def _():
                    g_scat(g - 1, 1).wait()

                @pl.when(par_g == 1)
                def _():
                    g_scat(g - 1, 0).wait()

            @pl.when(g + 1 < _NCHG)
            def _():
                @pl.when(par_g == 0)
                def _():
                    g_gather(g + 1, 1).start()

                @pl.when(par_g == 1)
                def _():
                    g_gather(g + 1, 0).start()

        @plsc.parallel_loop(0, _RF)
        def _(r):
            rid = plsc.load_gather(
                idx_v, [jnp.full((16,), 0, jnp.int32) + (_GROWS + i * _RF + r)])
            row2d = par_f * _RF + r
            for j in range(D_MODEL // 16):
                vals = plsc.load_gather(table_v, [rid, iota + (j * 16)])
                fbuf[row2d, pl.ds(j * 16, 16)] = vals

        @pl.when(par_f == 0)
        def _():
            f_scat(i, 0).start()

        @pl.when(par_f == 1)
        def _():
            f_scat(i, 1).start()

        return carry

    lax.fori_loop(0, _NCHF, step, 0)
    f_scat(_NCHF - 2, 0).wait()
    f_scat(_NCHF - 1, 1).wait()
    g_scat(_NCHG - 1, (_NCHG - 1) % 2).wait()


@jax.jit
def _sc_lookup(ids_flat, table_rep):
    mesh = plsc.VectorSubcoreMesh(
        core_axis_name="c", subcore_axis_name="s",
        num_cores=_NC, num_subcores=_NS)
    f = functools.partial(
        pl.kernel,
        out_type=jax.ShapeDtypeStruct((_TOTAL, D_MODEL), jnp.float32),
        mesh=mesh,
        scratch_types=[
            pltpu.VMEM((_BPW,), jnp.int32),
            pltpu.VMEM((NUM_EMB, D_MODEL), jnp.float32),
            pltpu.VMEM((2, _RG, D_MODEL), jnp.float32),
            pltpu.VMEM((2 * _RF, D_MODEL), jnp.float32),
            pltpu.SemaphoreType.DMA,
            pltpu.SemaphoreType.DMA,
            pltpu.SemaphoreType.DMA,
            pltpu.SemaphoreType.DMA,
            pltpu.SemaphoreType.DMA,
            pltpu.SemaphoreType.DMA,
        ],
        compiler_params=pltpu.CompilerParams(needs_layout_passes=False),
    )(_sc_body)
    return f(ids_flat, table_rep)


def kernel(postion_ids, table):
    B, S = postion_ids.shape
    ids_flat = postion_ids.reshape(B * S).astype(jnp.int32)
    table_rep = jnp.tile(table, (_NW, 1))
    out = _sc_lookup(ids_flat, table_rep)
    return out.reshape(B, S, D_MODEL)

# --- scband reference (transcript-rebuilt; emitter-appended) ---
"""Pipeline reference for scband-relative-positional-encoder-80187039416909 (READ-ONLY COPY).

The authoritative reference and input builder live on the scoring server;
editing this copy changes nothing except your own understanding.
"""

import jax, jax.numpy as jnp
import numpy as np

D_MODEL = 1024
NUM_EMB = 4
PADDING_IDX = 3

def setup_inputs(seed: int = 0) -> dict:
    key = jax.random.key(seed)
    k1, k2 = jax.random.split(key)
    postion_ids = jax.random.randint(k1, (4, 8192), 0, 4, dtype=jnp.int64 if jax.config.jax_enable_x64 else jnp.int32)
    table = jax.random.normal(k2, (NUM_EMB, D_MODEL), dtype=jnp.float32)
    # torch nn.Embedding with padding_idx=3 zeroes that row at init
    table = table.at[PADDING_IDX].set(0.0)
    return {"postion_ids": postion_ids, "table": table}

def reference(postion_ids, table):
    # padding_idx row is forced to zero (torch keeps it zero and frozen)
    pad_mask = (jnp.arange(NUM_EMB) != PADDING_IDX).astype(table.dtype)[:, None]
    pe = table * pad_mask
    return jnp.take(pe, postion_ids, axis=0)

if __name__ == "__main__":
    import jax
    _d = setup_inputs()
    print(jax.jit(kernel)(*tuple(_d.values())))

</pallas_src>

<mosaic_0001>
#map = affine_map<(d0, d1) -> (0)>
#map1 = affine_map<(d0, d1) -> (0, 0)>
module attributes {stable_mosaic.version = 14 : i64} {
  func.func @_sc_body(%arg0: i32, %arg1: i32, %arg2: memref<32768xi32, #tpu.memory_space<hbm>>, %arg3: memref<128x1024xf32, #tpu.memory_space<hbm>>, %arg4: memref<32768x1024xf32, #tpu.memory_space<hbm>>, %arg5: memref<1024xi32, #tpu.memory_space<vmem>>, %arg6: memref<4x1024xf32, #tpu.memory_space<vmem>>, %arg7: memref<2x32x1024xf32, #tpu.memory_space<vmem>>, %arg8: memref<32x1024xf32, #tpu.memory_space<vmem>>, %arg9: memref<!tpu.dma_semaphore, #tpu.memory_space<semaphore_mem>>, %arg10: memref<!tpu.dma_semaphore, #tpu.memory_space<semaphore_mem>>, %arg11: memref<!tpu.dma_semaphore, #tpu.memory_space<semaphore_mem>>, %arg12: memref<!tpu.dma_semaphore, #tpu.memory_space<semaphore_mem>>, %arg13: memref<!tpu.dma_semaphore, #tpu.memory_space<semaphore_mem>>, %arg14: memref<!tpu.dma_semaphore, #tpu.memory_space<semaphore_mem>>) attributes {dimension_semantics = [#tpu.dimension_semantics<core_parallel>, #tpu.dimension_semantics<subcore_parallel>], iteration_bounds = array<i64: 2, 16>, scalar_prefetch = 0 : i64, scratch_operands = 10 : i64, tpu.core_type = #tpu.core_type<sc_vector_subcore>, window_params = [{transform_indices = #map}, {transform_indices = #map1}, {transform_indices = #map1}]} {
    %mul3A = arith.constant 2 : i32
    %mul3A_0 = arith.muli %arg1, %mul3A : i32
    %add3A = arith.addi %mul3A_0, %arg0 : i32
    %mul3A_1 = arith.constant 1024 : i32
    %mul3A_2 = arith.muli %add3A, %mul3A_1 : i32
    "tpu.region"() ({
      %run_scoped3A = tpu.sem_alloc : memref<!tpu.dma_semaphore, #tpu.memory_space<semaphore_mem>>
      %dma_start3A = arith.constant 0 : i32
      %dma_start3A_242 = arith.constant 0 : i32
      %dma_start3A_243 = tpu.memref_slice %arg3[%dma_start3A, %dma_start3A_242] : memref<128x1024xf32, #tpu.memory_space<hbm>> -> memref<4x1024xf32, #tpu.memory_space<hbm>>
      %dma_start3A_244 = arith.constant 0 : i32
      %dma_start3A_245 = arith.constant 0 : i32
      %dma_start3A_246 = tpu.memref_slice %arg3[%dma_start3A_244, %dma_start3A_245] : memref<128x1024xf32, #tpu.memory_space<hbm>> -> memref<4x1024xf32, #tpu.memory_space<hbm>>
      tpu.enqueue_dma source(%dma_start3A_246 : memref<4x1024xf32, #tpu.memory_space<hbm>>) target(%arg6 : memref<4x1024xf32, #tpu.memory_space<vmem>>) target_semaphore(%run_scoped3A : memref<!tpu.dma_semaphore, #tpu.memory_space<semaphore_mem>>)
      %dma_wait3A_247 = arith.constant 0 : i32
      %dma_wait3A_248 = arith.constant 0 : i32
      %dma_wait3A_249 = tpu.memref_slice %arg3[%dma_wait3A_247, %dma_wait3A_248] : memref<128x1024xf32, #tpu.memory_space<hbm>> -> memref<4x1024xf32, #tpu.memory_space<hbm>>
      %dma_wait3A_250 = arith.constant 0 : i32
      %dma_wait3A_251 = arith.constant 0 : i32
      %dma_wait3A_252 = tpu.memref_slice %arg3[%dma_wait3A_250, %dma_wait3A_251] : memref<128x1024xf32, #tpu.memory_space<hbm>> -> memref<4x1024xf32, #tpu.memory_space<hbm>>
      tpu.wait_dma2 semaphore(%run_scoped3A : memref<!tpu.dma_semaphore, #tpu.memory_space<semaphore_mem>>) src(%dma_wait3A_252 : memref<4x1024xf32, #tpu.memory_space<hbm>>) dst(%arg6 : memref<4x1024xf32, #tpu.memory_space<vmem>>)
      tpu.yield
    }) : () -> ()
    "tpu.region"() ({
      %run_scoped3A = tpu.sem_alloc : memref<!tpu.dma_semaphore, #tpu.memory_space<semaphore_mem>>
      %dma_start3A = tpu.memref_slice %arg2[%mul3A_2] : memref<32768xi32, #tpu.memory_space<hbm>> -> memref<1024xi32, #tpu.memory_space<hbm>>
      %dma_start3A_242 = tpu.memref_slice %arg2[%mul3A_2] : memref<32768xi32, #tpu.memory_space<hbm>> -> memref<1024xi32, #tpu.memory_space<hbm>>
      tpu.enqueue_dma source(%dma_start3A_242 : memref<1024xi32, #tpu.memory_space<hbm>>) target(%arg5 : memref<1024xi32, #tpu.memory_space<vmem>>) target_semaphore(%run_scoped3A : memref<!tpu.dma_semaphore, #tpu.memory_space<semaphore_mem>>)
      %dma_wait3A_243 = tpu.memref_slice %arg2[%mul3A_2] : memref<32768xi32, #tpu.memory_space<hbm>> -> memref<1024xi32, #tpu.memory_space<hbm>>
      %dma_wait3A_244 = tpu.memref_slice %arg2[%mul3A_2] : memref<32768xi32, #tpu.memory_space<hbm>> -> memref<1024xi32, #tpu.memory_space<hbm>>
      tpu.wait_dma2 semaphore(%run_scoped3A : memref<!tpu.dma_semaphore, #tpu.memory_space<semaphore_mem>>) src(%dma_wait3A_244 : memref<1024xi32, #tpu.memory_space<hbm>>) dst(%arg5 : memref<1024xi32, #tpu.memory_space<vmem>>)
      tpu.yield
    }) : () -> ()
    %mul3A_3 = arith.constant 4 : i32
    %mul3A_4 = arith.muli %add3A, %mul3A_3 : i32
    %get3A = arith.constant 0 : index
    %get3A_5 = tpu.vector_load %arg5[%get3A] {strides = array<i32>} : memref<1024xi32, #tpu.memory_space<vmem>>, vector<16xi32>,
    %add3A_6 = vector.broadcast %mul3A_4 : i32 to vector<16xi32>
    %add3A_7 = arith.addi %get3A_5, %add3A_6 : vector<16xi32>
    %swap3A = arith.constant 0 : index
    %swap3A_8 = tpu.vector_load %arg5[%swap3A] {strides = array<i32>} : memref<1024xi32, #tpu.memory_space<vmem>>, vector<16xi32>,
    tpu.vector_store %arg5[%swap3A], %add3A_7 {strides = array<i32>} : memref<1024xi32, #tpu.memory_space<vmem>>, vector<16xi32>,
    %get3A_9 = arith.constant 16 : index
    %get3A_10 = tpu.vector_load %arg5[%get3A_9] {strides = array<i32>} : memref<1024xi32, #tpu.memory_space<vmem>>, vector<16xi32>,
    %add3A_11 = vector.broadcast %mul3A_4 : i32 to vector<16xi32>
    %add3A_12 = arith.addi %get3A_10, %add3A_11 : vector<16xi32>
    %swap3A_13 = arith.constant 16 : index
    %swap3A_14 = tpu.vector_load %arg5[%swap3A_13] {strides = array<i32>} : memref<1024xi32, #tpu.memory_space<vmem>>, vector<16xi32>,
    tpu.vector_store %arg5[%swap3A_13], %add3A_12 {strides = array<i32>} : memref<1024xi32, #tpu.memory_space<vmem>>, vector<16xi32>,
    %get3A_15 = arith.constant 32 : index
    %get3A_16 = tpu.vector_load %arg5[%get3A_15] {strides = array<i32>} : memref<1024xi32, #tpu.memory_space<vmem>>, vector<16xi32>,
    %add3A_17 = vector.broadcast %mul3A_4 : i32 to vector<16xi32>
    %add3A_18 = arith.addi %get3A_16, %add3A_17 : vector<16xi32>
    %swap3A_19 = arith.constant 32 : index
    %swap3A_20 = tpu.vector_load %arg5[%swap3A_19] {strides = array<i32>} : memref<1024xi32, #tpu.memory_space<vmem>>, vector<16xi32>,
    tpu.vector_store %arg5[%swap3A_19], %add3A_18 {strides = array<i32>} : memref<1024xi32, #tpu.memory_space<vmem>>, vector<16xi32>,
    %get3A_21 = arith.constant 48 : index
    %get3A_22 = tpu.vector_load %arg5[%get3A_21] {strides = array<i32>} : memref<1024xi32, #tpu.memory_space<vmem>>, vector<16xi32>,
    %add3A_23 = vector.broadcast %mul3A_4 : i32 to vector<16xi32>
    %add3A_24 = arith.addi %get3A_22, %add3A_23 : vector<16xi32>
    %swap3A_25 = arith.constant 48 : index
    %swap3A_26 = tpu.vector_load %arg5[%swap3A_25] {strides = array<i32>} : memref<1024xi32, #tpu.memory_space<vmem>>, vector<16xi32>,
    tpu.vector_store %arg5[%swap3A_25], %add3A_24 {strides = array<i32>} : memref<1024xi32, #tpu.memory_space<vmem>>, vector<16xi32>,
    %get3A_27 = arith.constant 64 : index
    %get3A_28 = tpu.vector_load %arg5[%get3A_27] {strides = array<i32>} : memref<1024xi32, #tpu.memory_space<vmem>>, vector<16xi32>,
    %add3A_29 = vector.broadcast %mul3A_4 : i32 to vector<16xi32>
    %add3A_30 = arith.addi %get3A_28, %add3A_29 : vector<16xi32>
    %swap3A_31 = arith.constant 64 : index
    %swap3A_32 = tpu.vector_load %arg5[%swap3A_31] {strides = array<i32>} : memref<1024xi32, #tpu.memory_space<vmem>>, vector<16xi32>,
    tpu.vector_store %arg5[%swap3A_31], %add3A_30 {strides = array<i32>} : memref<1024xi32, #tpu.memory_space<vmem>>, vector<16xi32>,
    %get3A_33 = arith.constant 80 : index
    %get3A_34 = tpu.vector_load %arg5[%get3A_33] {strides = array<i32>} : memref<1024xi32, #tpu.memory_space<vmem>>, vector<16xi32>,
    %add3A_35 = vector.broadcast %mul3A_4 : i32 to vector<16xi32>
    %add3A_36 = arith.addi %get3A_34, %add3A_35 : vector<16xi32>
    %swap3A_37 = arith.constant 80 : index
    %swap3A_38 = tpu.vector_load %arg5[%swap3A_37] {strides = array<i32>} : memref<1024xi32, #tpu.memory_space<vmem>>, vector<16xi32>,
    tpu.vector_store %arg5[%swap3A_37], %add3A_36 {strides = array<i32>} : memref<1024xi32, #tpu.memory_space<vmem>>, vector<16xi32>,
    %get3A_39 = arith.constant 96 : index
    %get3A_40 = tpu.vector_load %arg5[%get3A_39] {strides = array<i32>} : memref<1024xi32, #tpu.memory_space<vmem>>, vector<16xi32>,
    %add3A_41 = vector.broadcast %mul3A_4 : i32 to vector<16xi32>
    %add3A_42 = arith.addi %get3A_40, %add3A_41 : vector<16xi32>
    %swap3A_43 = arith.constant 96 : index
    %swap3A_44 = tpu.vector_load %arg5[%swap3A_43] {strides = array<i32>} : memref<1024xi32, #tpu.memory_space<vmem>>, vector<16xi32>,
    tpu.vector_store %arg5[%swap3A_43], %add3A_42 {strides = array<i32>} : memref<1024xi32, #tpu.memory_space<vmem>>, vector<16xi32>,
    %get3A_45 = arith.constant 112 : index
    %get3A_46 = tpu.vector_load %arg5[%get3A_45] {strides = array<i32>} : memref<1024xi32, #tpu.memory_space<vmem>>, vector<16xi32>,
    %add3A_47 = vector.broadcast %mul3A_4 : i32 to vector<16xi32>
    %add3A_48 = arith.addi %get3A_46, %add3A_47 : vector<16xi32>
    %swap3A_49 = arith.constant 112 : index
    %swap3A_50 = tpu.vector_load %arg5[%swap3A_49] {strides = array<i32>} : memref<1024xi32, #tpu.memory_space<vmem>>, vector<16xi32>,
    tpu.vector_store %arg5[%swap3A_49], %add3A_48 {strides = array<i32>} : memref<1024xi32, #tpu.memory_space<vmem>>, vector<16xi32>,
    %get3A_51 = arith.constant 128 : index
    %get3A_52 = tpu.vector_load %arg5[%get3A_51] {strides = array<i32>} : memref<1024xi32, #tpu.memory_space<vmem>>, vector<16xi32>,
    %add3A_53 = vector.broadcast %mul3A_4 : i32 to vector<16xi32>
    %add3A_54 = arith.addi %get3A_52, %add3A_53 : vector<16xi32>
    %swap3A_55 = arith.constant 128 : index
    %swap3A_56 = tpu.vector_load %arg5[%swap3A_55] {strides = array<i32>} : memref<1024xi32, #tpu.memory_space<vmem>>, vector<16xi32>,
    tpu.vector_store %arg5[%swap3A_55], %add3A_54 {strides = array<i32>} : memref<1024xi32, #tpu.memory_space<vmem>>, vector<16xi32>,
    %get3A_57 = arith.constant 144 : index
    %get3A_58 = tpu.vector_load %arg5[%get3A_57] {strides = array<i32>} : memref<1024xi32, #tpu.memory_space<vmem>>, vector<16xi32>,
    %add3A_59 = vector.broadcast %mul3A_4 : i32 to vector<16xi32>
    %add3A_60 = arith.addi %get3A_58, %add3A_59 : vector<16xi32>
    %swap3A_61 = arith.constant 144 : index
    %swap3A_62 = tpu.vector_load %arg5[%swap3A_61] {strides = array<i32>} : memref<1024xi32, #tpu.memory_space<vmem>>, vector<16xi32>,
    tpu.vector_store %arg5[%swap3A_61], %add3A_60 {strides = array<i32>} : memref<1024xi32, #tpu.memory_space<vmem>>, vector<16xi32>,
    %get3A_63 = arith.constant 160 : index
    %get3A_64 = tpu.vector_load %arg5[%get3A_63] {strides = array<i32>} : memref<1024xi32, #tpu.memory_space<vmem>>, vector<16xi32>,
    %add3A_65 = vector.broadcast %mul3A_4 : i32 to vector<16xi32>
    %add3A_66 = arith.addi %get3A_64, %add3A_65 : vector<16xi32>
    %swap3A_67 = arith.constant 160 : index
    %swap3A_68 = tpu.vector_load %arg5[%swap3A_67] {strides = array<i32>} : memref<1024xi32, #tpu.memory_space<vmem>>, vector<16xi32>,
    tpu.vector_store %arg5[%swap3A_67], %add3A_66 {strides = array<i32>} : memref<1024xi32, #tpu.memory_space<vmem>>, vector<16xi32>,
    %get3A_69 = arith.constant 176 : index
    %get3A_70 = tpu.vector_load %arg5[%get3A_69] {strides = array<i32>} : memref<1024xi32, #tpu.memory_space<vmem>>, vector<16xi32>,
    %add3A_71 = vector.broadcast %mul3A_4 : i32 to vector<16xi32>
    %add3A_72 = arith.addi %get3A_70, %add3A_71 : vector<16xi32>
    %swap3A_73 = arith.constant 176 : index
    %swap3A_74 = tpu.vector_load %arg5[%swap3A_73] {strides = array<i32>} : memref<1024xi32, #tpu.memory_space<vmem>>, vector<16xi32>,
    tpu.vector_store %arg5[%swap3A_73], %add3A_72 {strides = array<i32>} : memref<1024xi32, #tpu.memory_space<vmem>>, vector<16xi32>,
    %get3A_75 = arith.constant 192 : index
    %get3A_76 = tpu.vector_load %arg5[%get3A_75] {strides = array<i32>} : memref<1024xi32, #tpu.memory_space<vmem>>, vector<16xi32>,
    %add3A_77 = vector.broadcast %mul3A_4 : i32 to vector<16xi32>
    %add3A_78 = arith.addi %get3A_76, %add3A_77 : vector<16xi32>
    %swap3A_79 = arith.constant 192 : index
    %swap3A_80 = tpu.vector_load %arg5[%swap3A_79] {strides = array<i32>} : memref<1024xi32, #tpu.memory_space<vmem>>, vector<16xi32>,
    tpu.vector_store %arg5[%swap3A_79], %add3A_78 {strides = array<i32>} : memref<1024xi32, #tpu.memory_space<vmem>>, vector<16xi32>,
    %get3A_81 = arith.constant 208 : index
    %get3A_82 = tpu.vector_load %arg5[%get3A_81] {strides = array<i32>} : memref<1024xi32, #tpu.memory_space<vmem>>, vector<16xi32>,
    %add3A_83 = vector.broadcast %mul3A_4 : i32 to vector<16xi32>
    %add3A_84 = arith.addi %get3A_82, %add3A_83 : vector<16xi32>
    %swap3A_85 = arith.constant 208 : index
    %swap3A_86 = tpu.vector_load %arg5[%swap3A_85] {strides = array<i32>} : memref<1024xi32, #tpu.memory_space<vmem>>, vector<16xi32>,
    tpu.vector_store %arg5[%swap3A_85], %add3A_84 {strides = array<i32>} : memref<1024xi32, #tpu.memory_space<vmem>>, vector<16xi32>,
    %get3A_87 = arith.constant 224 : index
    %get3A_88 = tpu.vector_load %arg5[%get3A_87] {strides = array<i32>} : memref<1024xi32, #tpu.memory_space<vmem>>, vector<16xi32>,
    %add3A_89 = vector.broadcast %mul3A_4 : i32 to vector<16xi32>
    %add3A_90 = arith.addi %get3A_88, %add3A_89 : vector<16xi32>
    %swap3A_91 = arith.constant 224 : index
    %swap3A_92 = tpu.vector_load %arg5[%swap3A_91] {strides = array<i32>} : memref<1024xi32, #tpu.memory_space<vmem>>, vector<16xi32>,
    tpu.vector_store %arg5[%swap3A_91], %add3A_90 {strides = array<i32>} : memref<1024xi32, #tpu.memory_space<vmem>>, vector<16xi32>,
    %get3A_93 = arith.constant 240 : index
    %get3A_94 = tpu.vector_load %arg5[%get3A_93] {strides = array<i32>} : memref<1024xi32, #tpu.memory_space<vmem>>, vector<16xi32>,
    %add3A_95 = vector.broadcast %mul3A_4 : i32 to vector<16xi32>
    %add3A_96 = arith.addi %get3A_94, %add3A_95 : vector<16xi32>
    %swap3A_97 = arith.constant 240 : index
    %swap3A_98 = tpu.vector_load %arg5[%swap3A_97] {strides = array<i32>} : memref<1024xi32, #tpu.memory_space<vmem>>, vector<16xi32>,
    tpu.vector_store %arg5[%swap3A_97], %add3A_96 {strides = array<i32>} : memref<1024xi32, #tpu.memory_space<vmem>>, vector<16xi32>,
    %get3A_99 = arith.constant 256 : index
    %get3A_100 = tpu.vector_load %arg5[%get3A_99] {strides = array<i32>} : memref<1024xi32, #tpu.memory_space<vmem>>, vector<16xi32>,
    %add3A_101 = vector.broadcast %mul3A_4 : i32 to vector<16xi32>
    %add3A_102 = arith.addi %get3A_100, %add3A_101 : vector<16xi32>
    %swap3A_103 = arith.constant 256 : index
    %swap3A_104 = tpu.vector_load %arg5[%swap3A_103] {strides = array<i32>} : memref<1024xi32, #tpu.memory_space<vmem>>, vector<16xi32>,
    tpu.vector_store %arg5[%swap3A_103], %add3A_102 {strides = array<i32>} : memref<1024xi32, #tpu.memory_space<vmem>>, vector<16xi32>,
    %get3A_105 = arith.constant 272 : index
    %get3A_106 = tpu.vector_load %arg5[%get3A_105] {strides = array<i32>} : memref<1024xi32, #tpu.memory_space<vmem>>, vector<16xi32>,
    %add3A_107 = vector.broadcast %mul3A_4 : i32 to vector<16xi32>
    %add3A_108 = arith.addi %get3A_106, %add3A_107 : vector<16xi32>
    %swap3A_109 = arith.constant 272 : index
    %swap3A_110 = tpu.vector_load %arg5[%swap3A_109] {strides = array<i32>} : memref<1024xi32, #tpu.memory_space<vmem>>, vector<16xi32>,
    tpu.vector_store %arg5[%swap3A_109], %add3A_108 {strides = array<i32>} : memref<1024xi32, #tpu.memory_space<vmem>>, vector<16xi32>,
    %get3A_111 = arith.constant 288 : index
    %get3A_112 = tpu.vector_load %arg5[%get3A_111] {strides = array<i32>} : memref<1024xi32, #tpu.memory_space<vmem>>, vector<16xi32>,
    %add3A_113 = vector.broadcast %mul3A_4 : i32 to vector<16xi32>
    %add3A_114 = arith.addi %get3A_112, %add3A_113 : vector<16xi32>
    %swap3A_115 = arith.constant 288 : index
    %swap3A_116 = tpu.vector_load %arg5[%swap3A_115] {strides = array<i32>} : memref<1024xi32, #tpu.memory_space<vmem>>, vector<16xi32>,
    tpu.vector_store %arg5[%swap3A_115], %add3A_114 {strides = array<i32>} : memref<1024xi32, #tpu.memory_space<vmem>>, vector<16xi32>,
    %get3A_117 = arith.constant 304 : index
    %get3A_118 = tpu.vector_load %arg5[%get3A_117] {strides = array<i32>} : memref<1024xi32, #tpu.memory_space<vmem>>, vector<16xi32>,
    %add3A_119 = vector.broadcast %mul3A_4 : i32 to vector<16xi32>
    %add3A_120 = arith.addi %get3A_118, %add3A_119 : vector<16xi32>
    %swap3A_121 = arith.constant 304 : index
    %swap3A_122 = tpu.vector_load %arg5[%swap3A_121] {strides = array<i32>} : memref<1024xi32, #tpu.memory_space<vmem>>, vector<16xi32>,
    tpu.vector_store %arg5[%swap3A_121], %add3A_120 {strides = array<i32>} : memref<1024xi32, #tpu.memory_space<vmem>>, vector<16xi32>,
    %get3A_123 = arith.constant 320 : index
    %get3A_124 = tpu.vector_load %arg5[%get3A_123] {strides = array<i32>} : memref<1024xi32, #tpu.memory_space<vmem>>, vector<16xi32>,
    %add3A_125 = vector.broadcast %mul3A_4 : i32 to vector<16xi32>
    %add3A_126 = arith.addi %get3A_124, %add3A_125 : vector<16xi32>
    %swap3A_127 = arith.constant 320 : index
    %swap3A_128 = tpu.vector_load %arg5[%swap3A_127] {strides = array<i32>} : memref<1024xi32, #tpu.memory_space<vmem>>, vector<16xi32>,
    tpu.vector_store %arg5[%swap3A_127], %add3A_126 {strides = array<i32>} : memref<1024xi32, #tpu.memory_space<vmem>>, vector<16xi32>,
    %get3A_129 = arith.constant 336 : index
    %get3A_130 = tpu.vector_load %arg5[%get3A_129] {strides = array<i32>} : memref<1024xi32, #tpu.memory_space<vmem>>, vector<16xi32>,
    %add3A_131 = vector.broadcast %mul3A_4 : i32 to vector<16xi32>
    %add3A_132 = arith.addi %get3A_130, %add3A_131 : vector<16xi32>
    %swap3A_133 = arith.constant 336 : index
    %swap3A_134 = tpu.vector_load %arg5[%swap3A_133] {strides = array<i32>} : memref<1024xi32, #tpu.memory_space<vmem>>, vector<16xi32>,
    tpu.vector_store %arg5[%swap3A_133], %add3A_132 {strides = array<i32>} : memref<1024xi32, #tpu.memory_space<vmem>>, vector<16xi32>,
    %get3A_135 = arith.constant 352 : index
    %get3A_136 = tpu.vector_load %arg5[%get3A_135] {strides = array<i32>} : memref<1024xi32, #tpu.memory_space<vmem>>, vector<16xi32>,
    %add3A_137 = vector.broadcast %mul3A_4 : i32 to vector<16xi32>
    %add3A_138 = arith.addi %get3A_136, %add3A_137 : vector<16xi32>
    %swap3A_139 = arith.constant 352 : index
    %swap3A_140 = tpu.vector_load %arg5[%swap3A_139] {strides = array<i32>} : memref<1024xi32, #tpu.memory_space<vmem>>, vector<16xi32>,
    tpu.vector_store %arg5[%swap3A_139], %add3A_138 {strides = array<i32>} : memref<1024xi32, #tpu.memory_space<vmem>>, vector<16xi32>,
    %get3A_141 = arith.constant 368 : index
    %get3A_142 = tpu.vector_load %arg5[%get3A_141] {strides = array<i32>} : memref<1024xi32, #tpu.memory_space<vmem>>, vector<16xi32>,
    %add3A_143 = vector.broadcast %mul3A_4 : i32 to vector<16xi32>
    %add3A_144 = arith.addi %get3A_142, %add3A_143 : vector<16xi32>
    %swap3A_145 = arith.constant 368 : index
    %swap3A_146 = tpu.vector_load %arg5[%swap3A_145] {strides = array<i32>} : memref<1024xi32, #tpu.memory_space<vmem>>, vector<16xi32>,
    tpu.vector_store %arg5[%swap3A_145], %add3A_144 {strides = array<i32>} : memref<1024xi32, #tpu.memory_space<vmem>>, vector<16xi32>,
    %get3A_147 = arith.constant 384 : index
    %get3A_148 = tpu.vector_load %arg5[%get3A_147] {strides = array<i32>} : memref<1024xi32, #tpu.memory_space<vmem>>, vector<16xi32>,
    %add3A_149 = vector.broadcast %mul3A_4 : i32 to vector<16xi32>
    %add3A_150 = arith.addi %get3A_148, %add3A_149 : vector<16xi32>
    %swap3A_151 = arith.constant 384 : index
    %swap3A_152 = tpu.vector_load %arg5[%swap3A_151] {strides = array<i32>} : memref<1024xi32, #tpu.memory_space<vmem>>, vector<16xi32>,
    tpu.vector_store %arg5[%swap3A_151], %add3A_150 {strides = array<i32>} : memref<1024xi32, #tpu.memory_space<vmem>>, vector<16xi32>,
    %get3A_153 = arith.constant 400 : index
    %get3A_154 = tpu.vector_load %arg5[%get3A_153] {strides = array<i32>} : memref<1024xi32, #tpu.memory_space<vmem>>, vector<16xi32>,
    %add3A_155 = vector.broadcast %mul3A_4 : i32 to vector<16xi32>
    %add3A_156 = arith.addi %get3A_154, %add3A_155 : vector<16xi32>
    %swap3A_157 = arith.constant 400 : index
    %swap3A_158 = tpu.vector_load %arg5[%swap3A_157] {strides = array<i32>} : memref<1024xi32, #tpu.memory_space<vmem>>, vector<16xi32>,
    tpu.vector_store %arg5[%swap3A_157], %add3A_156 {strides = array<i32>} : memref<1024xi32, #tpu.memory_space<vmem>>, vector<16xi32>,
    %get3A_159 = arith.constant 416 : index
    %get3A_160 = tpu.vector_load %arg5[%get3A_159] {strides = array<i32>} : memref<1024xi32, #tpu.memory_space<vmem>>, vector<16xi32>,
    %add3A_161 = vector.broadcast %mul3A_4 : i32 to vector<16xi32>
    %add3A_162 = arith.addi %get3A_160, %add3A_161 : vector<16xi32>
    %swap3A_163 = arith.constant 416 : index
    %swap3A_164 = tpu.vector_load %arg5[%swap3A_163] {strides = array<i32>} : memref<1024xi32, #tpu.memory_space<vmem>>, vector<16xi32>,
    tpu.vector_store %arg5[%swap3A_163], %add3A_162 {strides = array<i32>} : memref<1024xi32, #tpu.memory_space<vmem>>, vector<16xi32>,
    %get3A_165 = arith.constant 432 : index
    %get3A_166 = tpu.vector_load %arg5[%get3A_165] {strides = array<i32>} : memref<1024xi32, #tpu.memory_space<vmem>>, vector<16xi32>,
    %add3A_167 = vector.broadcast %mul3A_4 : i32 to vector<16xi32>
    %add3A_168 = arith.addi %get3A_166, %add3A_167 : vector<16xi32>
    %swap3A_169 = arith.constant 432 : index
    %swap3A_170 = tpu.vector_load %arg5[%swap3A_169] {strides = array<i32>} : memref<1024xi32, #tpu.memory_space<vmem>>, vector<16xi32>,
    tpu.vector_store %arg5[%swap3A_169], %add3A_168 {strides = array<i32>} : memref<1024xi32, #tpu.memory_space<vmem>>, vector<16xi32>,
    %get3A_171 = arith.constant 448 : index
    %get3A_172 = tpu.vector_load %arg5[%get3A_171] {strides = array<i32>} : memref<1024xi32, #tpu.memory_space<vmem>>, vector<16xi32>,
    %add3A_173 = vector.broadcast %mul3A_4 : i32 to vector<16xi32>
    %add3A_174 = arith.addi %get3A_172, %add3A_173 : vector<16xi32>
    %swap3A_175 = arith.constant 448 : index
    %swap3A_176 = tpu.vector_load %arg5[%swap3A_175] {strides = array<i32>} : memref<1024xi32, #tpu.memory_space<vmem>>, vector<16xi32>,
    tpu.vector_store %arg5[%swap3A_175], %add3A_174 {strides = array<i32>} : memref<1024xi32, #tpu.memory_space<vmem>>, vector<16xi32>,
    %get3A_177 = arith.constant 464 : index
    %get3A_178 = tpu.vector_load %arg5[%get3A_177] {strides = array<i32>} : memref<1024xi32, #tpu.memory_space<vmem>>, vector<16xi32>,
    %add3A_179 = vector.broadcast %mul3A_4 : i32 to vector<16xi32>
    %add3A_180 = arith.addi %get3A_178, %add3A_179 : vector<16xi32>
    %swap3A_181 = arith.constant 464 : index
    %swap3A_182 = tpu.vector_load %arg5[%swap3A_181] {strides = array<i32>} : memref<1024xi32, #tpu.memory_space<vmem>>, vector<16xi32>,
    tpu.vector_store %arg5[%swap3A_181], %add3A_180 {strides = array<i32>} : memref<1024xi32, #tpu.memory_space<vmem>>, vector<16xi32>,
    %get3A_183 = arith.constant 480 : index
    %get3A_184 = tpu.vector_load %arg5[%get3A_183] {strides = array<i32>} : memref<1024xi32, #tpu.memory_space<vmem>>, vector<16xi32>,
    %add3A_185 = vector.broadcast %mul3A_4 : i32 to vector<16xi32>
    %add3A_186 = arith.addi %get3A_184, %add3A_185 : vector<16xi32>
    %swap3A_187 = arith.constant 480 : index
    %swap3A_188 = tpu.vector_load %arg5[%swap3A_187] {strides = array<i32>} : memref<1024xi32, #tpu.memory_space<vmem>>, vector<16xi32>,
    tpu.vector_store %arg5[%swap3A_187], %add3A_186 {strides = array<i32>} : memref<1024xi32, #tpu.memory_space<vmem>>, vector<16xi32>,
    %get3A_189 = arith.constant 496 : index
    %get3A_190 = tpu.vector_load %arg5[%get3A_189] {strides = array<i32>} : memref<1024xi32, #tpu.memory_space<vmem>>, vector<16xi32>,
    %add3A_191 = vector.broadcast %mul3A_4 : i32 to vector<16xi32>
    %add3A_192 = arith.addi %get3A_190, %add3A_191 : vector<16xi32>
    %swap3A_193 = arith.constant 496 : index
    %swap3A_194 = tpu.vector_load %arg5[%swap3A_193] {strides = array<i32>} : memref<1024xi32, #tpu.memory_space<vmem>>, vector<16xi32>,
    tpu.vector_store %arg5[%swap3A_193], %add3A_192 {strides = array<i32>} : memref<1024xi32, #tpu.memory_space<vmem>>, vector<16xi32>,
    %iota3A = tpu.iota {dimensions = array<i32: 0>} : vector<16xi32>
    %scan3A = arith.constant 0 : i32
    %scan3A_195 = arith.constant 0 : i32
    %scan3A_196 = arith.constant 32 : i32
    %scan3A_197 = arith.addi %scan3A_195, %scan3A_196 : i32
    %scan3A_198 = arith.constant 1 : i32
    scf.for %scan3A_242 = %scan3A_195 to %scan3A_197 step %scan3A_198  : i32 {
      %jit3A = arith.constant 2 : i32
      %eq3A = arith.constant 0 : i32
      %eq3A_243 = arith.cmpi eq, %jit3A, %eq3A : i32
      %jit3A_244 = arith.constant 1 : i32
      %select_n3A = arith.select %eq3A_243, %jit3A_244, %jit3A : i32
      %rem3A = arith.remsi %scan3A_242, %select_n3A : i32
      %ne3A = arith.constant 0 : i32
      %ne3A_245 = arith.cmpi ne, %rem3A, %ne3A : i32
      %lt3A = arith.constant 0 : i32
      %lt3A_246 = arith.cmpi slt, %rem3A, %lt3A : i32
      %lt3A_247 = arith.constant 0 : i32
      %lt3A_248 = arith.cmpi slt, %select_n3A, %lt3A_247 : i32
      %ne3A_249 = arith.xori %lt3A_246, %lt3A_248 : i1
      %and3A = arith.andi %ne3A_249, %ne3A_245 : i1
      %add3A_250 = arith.addi %rem3A, %select_n3A : i32
      %select_n3A_251 = arith.select %and3A, %add3A_250, %rem3A : i32
      %ge3A = arith.constant 2 : i32
      %ge3A_252 = arith.cmpi sge, %scan3A_242, %ge3A : i32
      %convert_element_type3A = arith.extui %ge3A_252 : i1 to i32
      %cond3A = arith.constant 0 : i32
      %cond3A_253 = arith.cmpi ne, %convert_element_type3A, %cond3A : i32
      scf.if %cond3A_253 {
        %eq3A_271 = arith.constant 0 : i32
        %eq3A_272 = arith.cmpi eq, %select_n3A_251, %eq3A_271 : i32
        %convert_element_type3A_273 = arith.extui %eq3A_272 : i1 to i32
        %cond3A_274 = arith.constant 0 : i32
        %cond3A_275 = arith.cmpi ne, %convert_element_type3A_273, %cond3A_274 : i32
        scf.if %cond3A_275 {
          %sub3A = arith.constant 2 : i32
          %sub3A_281 = arith.subi %scan3A_242, %sub3A : i32
          %add3A_282 = arith.constant 512 : i32
          %add3A_283 = arith.addi %mul3A_2, %add3A_282 : i32
          %mul3A_284 = arith.constant 16 : i32
          %mul3A_285 = arith.muli %sub3A_281, %mul3A_284 : i32
          %add3A_286 = arith.addi %add3A_283, %mul3A_285 : i32
          %dma_wait3A_287 = arith.constant 0 : i32
          %dma_wait3A_288 = arith.constant 0 : i32
          %dma_wait3A_289 = tpu.memref_slice %arg8[%dma_wait3A_287, %dma_wait3A_288] : memref<32x1024xf32, #tpu.memory_space<vmem>> -> memref<16x1024xf32, #tpu.memory_space<vmem>>
          %dma_wait3A_290 = arith.constant 0 : i32
          %dma_wait3A_291 = tpu.memref_slice %arg4[%add3A_286, %dma_wait3A_290] : memref<32768x1024xf32, #tpu.memory_space<hbm>> -> memref<16x1024xf32, #tpu.memory_space<hbm>>
          %dma_wait3A_292 = arith.constant 0 : i32
          %dma_wait3A_293 = tpu.memref_slice %arg4[%add3A_286, %dma_wait3A_292] : memref<32768x1024xf32, #tpu.memory_space<hbm>> -> memref<16x1024xf32, #tpu.memory_space<hbm>>
          %dma_wait3A_294 = arith.constant 0 : i32
          %dma_wait3A_295 = arith.constant 0 : i32
          %dma_wait3A_296 = tpu.memref_slice %arg8[%dma_wait3A_294, %dma_wait3A_295] : memref<32x1024xf32, #tpu.memory_space<vmem>> -> memref<16x1024xf32, #tpu.memory_space<vmem>>
          tpu.wait_dma2 semaphore(%arg13 : memref<!tpu.dma_semaphore, #tpu.memory_space<semaphore_mem>>) src(%dma_wait3A_296 : memref<16x1024xf32, #tpu.memory_space<vmem>>) dst(%dma_wait3A_293 : memref<16x1024xf32, #tpu.memory_space<hbm>>)
        } else {
        }
        %eq3A_276 = arith.constant 1 : i32
        %eq3A_277 = arith.cmpi eq, %select_n3A_251, %eq3A_276 : i32
        %convert_element_type3A_278 = arith.extui %eq3A_277 : i1 to i32
        %cond3A_279 = arith.constant 0 : i32
        %cond3A_280 = arith.cmpi ne, %convert_element_type3A_278, %cond3A_279 : i32
        scf.if %cond3A_280 {
          %sub3A = arith.constant 2 : i32
          %sub3A_281 = arith.subi %scan3A_242, %sub3A : i32
          %add3A_282 = arith.constant 512 : i32
          %add3A_283 = arith.addi %mul3A_2, %add3A_282 : i32
          %mul3A_284 = arith.constant 16 : i32
          %mul3A_285 = arith.muli %sub3A_281, %mul3A_284 : i32
          %add3A_286 = arith.addi %add3A_283, %mul3A_285 : i32
          %dma_wait3A_287 = arith.constant 16 : i32
          %dma_wait3A_288 = arith.constant 0 : i32
          %dma_wait3A_289 = tpu.memref_slice %arg8[%dma_wait3A_287, %dma_wait3A_288] : memref<32x1024xf32, #tpu.memory_space<vmem>> -> memref<16x1024xf32, #tpu.memory_space<vmem>>
          %dma_wait3A_290 = arith.constant 0 : i32
          %dma_wait3A_291 = tpu.memref_slice %arg4[%add3A_286, %dma_wait3A_290] : memref<32768x1024xf32, #tpu.memory_space<hbm>> -> memref<16x1024xf32, #tpu.memory_space<hbm>>
          %dma_wait3A_292 = arith.constant 0 : i32
          %dma_wait3A_293 = tpu.memref_slice %arg4[%add3A_286, %dma_wait3A_292] : memref<32768x1024xf32, #tpu.memory_space<hbm>> -> memref<16x1024xf32, #tpu.memory_space<hbm>>
          %dma_wait3A_294 = arith.constant 16 : i32
          %dma_wait3A_295 = arith.constant 0 : i32
          %dma_wait3A_296 = tpu.memref_slice %arg8[%dma_wait3A_294, %dma_wait3A_295] : memref<32x1024xf32, #tpu.memory_space<vmem>> -> memref<16x1024xf32, #tpu.memory_space<vmem>>
          tpu.wait_dma2 semaphore(%arg14 : memref<!tpu.dma_semaphore, #tpu.memory_space<semaphore_mem>>) src(%dma_wait3A_296 : memref<16x1024xf32, #tpu.memory_space<vmem>>) dst(%dma_wait3A_293 : memref<16x1024xf32, #tpu.memory_space<hbm>>)
        } else {
        }
      } else {
      }
      %eq3A_254 = arith.constant 0 : i32
      %eq3A_255 = arith.cmpi eq, %select_n3A_251, %eq3A_254 : i32
      %convert_element_type3A_256 = arith.extui %eq3A_255 : i1 to i32
      %cond3A_257 = arith.constant 0 : i32
      %cond3A_258 = arith.cmpi ne, %convert_element_type3A_256, %cond3A_257 : i32
      scf.if %cond3A_258 {
        %jit3A_271 = arith.constant 2 : i32
        %div3A = arith.divsi %scan3A_242, %jit3A_271 : i32
        %sign3A = arith.constant 0 : i32
        %sign3A_272 = arith.cmpi sgt, %scan3A_242, %sign3A : i32
        %sign3A_273 = arith.extui %sign3A_272 : i1 to i32
        %sign3A_274 = arith.constant 0 : i32
        %sign3A_275 = arith.cmpi slt, %scan3A_242, %sign3A_274 : i32
        %sign3A_276 = arith.extui %sign3A_275 : i1 to i32
        %sign3A_277 = arith.subi %sign3A_273, %sign3A_276 : i32
        %sign3A_278 = arith.constant 0 : i32
        %sign3A_279 = arith.cmpi sgt, %jit3A_271, %sign3A_278 : i32
        %sign3A_280 = arith.extui %sign3A_279 : i1 to i32
        %sign3A_281 = arith.constant 0 : i32
        %sign3A_282 = arith.cmpi slt, %jit3A_271, %sign3A_281 : i32
        %sign3A_283 = arith.extui %sign3A_282 : i1 to i32
        %sign3A_284 = arith.subi %sign3A_280, %sign3A_283 : i32
        %ne3A_285 = arith.cmpi ne, %sign3A_277, %sign3A_284 : i32
        %rem3A_286 = arith.remsi %scan3A_242, %jit3A_271 : i32
        %ne3A_287 = arith.constant 0 : i32
        %ne3A_288 = arith.cmpi ne, %rem3A_286, %ne3A_287 : i32
        %and3A_289 = arith.andi %ne3A_285, %ne3A_288 : i1
        %sub3A = arith.constant 1 : i32
        %sub3A_290 = arith.subi %div3A, %sub3A : i32
        %select_n3A_291 = arith.select %and3A_289, %sub3A_290, %div3A : i32
        %jit3A_292 = arith.constant 2 : i32
        %eq3A_293 = arith.constant 0 : i32
        %eq3A_294 = arith.cmpi eq, %jit3A_292, %eq3A_293 : i32
        %jit3A_295 = arith.constant 1 : i32
        %select_n3A_296 = arith.select %eq3A_294, %jit3A_295, %jit3A_292 : i32
        %rem3A_297 = arith.remsi %select_n3A_291, %select_n3A_296 : i32
        %ne3A_298 = arith.constant 0 : i32
        %ne3A_299 = arith.cmpi ne, %rem3A_297, %ne3A_298 : i32
        %lt3A_300 = arith.constant 0 : i32
        %lt3A_301 = arith.cmpi slt, %rem3A_297, %lt3A_300 : i32
        %lt3A_302 = arith.constant 0 : i32
        %lt3A_303 = arith.cmpi slt, %select_n3A_296, %lt3A_302 : i32
        %ne3A_304 = arith.xori %lt3A_301, %lt3A_303 : i1
        %and3A_305 = arith.andi %ne3A_304, %ne3A_299 : i1
        %add3A_306 = arith.addi %rem3A_297, %select_n3A_296 : i32
        %select_n3A_307 = arith.select %and3A_305, %add3A_306, %rem3A_297 : i32
        %eq3A_308 = arith.constant 0 : i32
        %eq3A_309 = arith.cmpi eq, %select_n3A_291, %eq3A_308 : i32
        %convert_element_type3A_310 = arith.extui %eq3A_309 : i1 to i32
        %cond3A_311 = arith.constant 0 : i32
        %cond3A_312 = arith.cmpi ne, %convert_element_type3A_310, %cond3A_311 : i32
        scf.if %cond3A_312 {
          %dma_start3A = arith.constant 0 : i32
          %dma_start3A_335 = arith.constant 0 : i32
          %dma_start3A_336 = arith.constant 0 : i32
          %dma_start3A_337 = tpu.memref_slice %arg7[%dma_start3A, %dma_start3A_335, %dma_start3A_336] : memref<2x32x1024xf32, #tpu.memory_space<vmem>> -> memref<1x32x1024xf32, #tpu.memory_space<vmem>>
          %dma_start3A_338 = tpu.memref_squeeze %dma_start3A_337 : memref<1x32x1024xf32, #tpu.memory_space<vmem>> -> memref<32x1024xf32, #tpu.memory_space<vmem>>
          %dma_start3A_339 = arith.constant 0 : i32
          %dma_start3A_340 = tpu.memref_slice %arg5[%dma_start3A_339] : memref<1024xi32, #tpu.memory_space<vmem>> -> memref<32xi32, #tpu.memory_space<vmem>>
          %dma_start3A_341 = arith.constant 0 : i32
          %dma_start3A_342 = arith.constant 0 : i32
          %dma_start3A_343 = tpu.memref_slice %arg3[%dma_start3A_341, %dma_start3A_342] : memref<128x1024xf32, #tpu.memory_space<hbm>> -> memref<128x1024xf32, #tpu.memory_space<hbm>>
          tpu.enqueue_indirect_dma source(%dma_start3A_343 : memref<128x1024xf32, #tpu.memory_space<hbm>>) target(%dma_start3A_338 : memref<32x1024xf32, #tpu.memory_space<vmem>>) offsets(%dma_start3A_340 : memref<32xi32, #tpu.memory_space<vmem>>) semaphore(%arg9 : memref<!tpu.dma_semaphore, #tpu.memory_space<semaphore_mem>>)
        } else {
        }
        %eq3A_313 = arith.constant 0 : i32
        %eq3A_314 = arith.cmpi eq, %select_n3A_307, %eq3A_313 : i32
        %convert_element_type3A_315 = arith.extui %eq3A_314 : i1 to i32
        %cond3A_316 = arith.constant 0 : i32
        %cond3A_317 = arith.cmpi ne, %convert_element_type3A_315, %cond3A_316 : i32
        scf.if %cond3A_317 {
          %mul3A_335 = arith.constant 32 : i32
          %mul3A_336 = arith.muli %select_n3A_291, %mul3A_335 : i32
          %dma_wait3A_337 = arith.constant 0 : i32
          %dma_wait3A_338 = arith.constant 0 : i32
          %dma_wait3A_339 = arith.constant 0 : i32
          %dma_wait3A_340 = tpu.memref_slice %arg7[%dma_wait3A_337, %dma_wait3A_338, %dma_wait3A_339] : memref<2x32x1024xf32, #tpu.memory_space<vmem>> -> memref<1x32x1024xf32, #tpu.memory_space<vmem>>
          %dma_wait3A_341 = tpu.memref_squeeze %dma_wait3A_340 : memref<1x32x1024xf32, #tpu.memory_space<vmem>> -> memref<32x1024xf32, #tpu.memory_space<vmem>>
          %dma_wait3A_342 = tpu.memref_slice %arg5[%mul3A_336] : memref<1024xi32, #tpu.memory_space<vmem>> -> memref<32xi32, #tpu.memory_space<vmem>>
          %dma_wait3A_343 = arith.constant 0 : i32
          %dma_wait3A_344 = arith.constant 0 : i32
          %dma_wait3A_345 = tpu.memref_slice %arg3[%dma_wait3A_343, %dma_wait3A_344] : memref<128x1024xf32, #tpu.memory_space<hbm>> -> memref<128x1024xf32, #tpu.memory_space<hbm>>
          tpu.wait_indirect_dma semaphore(%arg9 : memref<!tpu.dma_semaphore, #tpu.memory_space<semaphore_mem>>) src(%dma_wait3A_345 : memref<128x1024xf32, #tpu.memory_space<hbm>>) dst(%dma_wait3A_341 : memref<32x1024xf32, #tpu.memory_space<vmem>>)
          %mul3A_346 = arith.constant 32 : i32
          %mul3A_347 = arith.muli %select_n3A_291, %mul3A_346 : i32
          %add3A_348 = arith.addi %mul3A_2, %mul3A_347 : i32
          %dma_start3A = arith.constant 0 : i32
          %dma_start3A_349 = arith.constant 0 : i32
          %dma_start3A_350 = arith.constant 0 : i32
          %dma_start3A_351 = tpu.memref_slice %arg7[%dma_start3A, %dma_start3A_349, %dma_start3A_350] : memref<2x32x1024xf32, #tpu.memory_space<vmem>> -> memref<1x32x1024xf32, #tpu.memory_space<vmem>>
          %dma_start3A_352 = tpu.memref_squeeze %dma_start3A_351 : memref<1x32x1024xf32, #tpu.memory_space<vmem>> -> memref<32x1024xf32, #tpu.memory_space<vmem>>
          %dma_start3A_353 = arith.constant 0 : i32
          %dma_start3A_354 = tpu.memref_slice %arg4[%add3A_348, %dma_start3A_353] : memref<32768x1024xf32, #tpu.memory_space<hbm>> -> memref<32x1024xf32, #tpu.memory_space<hbm>>
          %dma_start3A_355 = arith.constant 0 : i32
          %dma_start3A_356 = tpu.memref_slice %arg4[%add3A_348, %dma_start3A_355] : memref<32768x1024xf32, #tpu.memory_space<hbm>> -> memref<32x1024xf32, #tpu.memory_space<hbm>>
          %dma_start3A_357 = arith.constant 0 : i32
          %dma_start3A_358 = arith.constant 0 : i32
          %dma_start3A_359 = tpu.memref_slice %arg7[%dma_start3A, %dma_start3A_357, %dma_start3A_358] : memref<2x32x1024xf32, #tpu.memory_space<vmem>> -> memref<1x32x1024xf32, #tpu.memory_space<vmem>>
          %dma_start3A_360 = tpu.memref_squeeze %dma_start3A_359 : memref<1x32x1024xf32, #tpu.memory_space<vmem>> -> memref<32x1024xf32, #tpu.memory_space<vmem>>
          tpu.enqueue_dma source(%dma_start3A_360 : memref<32x1024xf32, #tpu.memory_space<vmem>>) target(%dma_start3A_356 : memref<32x1024xf32, #tpu.memory_space<hbm>>) target_semaphore(%arg11 : memref<!tpu.dma_semaphore, #tpu.memory_space<semaphore_mem>>)
        } else {
        }
        %eq3A_318 = arith.constant 1 : i32
        %eq3A_319 = arith.cmpi eq, %select_n3A_307, %eq3A_318 : i32
        %convert_element_type3A_320 = arith.extui %eq3A_319 : i1 to i32
        %cond3A_321 = arith.constant 0 : i32
        %cond3A_322 = arith.cmpi ne, %convert_element_type3A_320, %cond3A_321 : i32
        scf.if %cond3A_322 {
          %mul3A_335 = arith.constant 32 : i32
          %mul3A_336 = arith.muli %select_n3A_291, %mul3A_335 : i32
          %dma_wait3A_337 = arith.constant 1 : i32
          %dma_wait3A_338 = arith.constant 0 : i32
          %dma_wait3A_339 = arith.constant 0 : i32
          %dma_wait3A_340 = tpu.memref_slice %arg7[%dma_wait3A_337, %dma_wait3A_338, %dma_wait3A_339] : memref<2x32x1024xf32, #tpu.memory_space<vmem>> -> memref<1x32x1024xf32, #tpu.memory_space<vmem>>
          %dma_wait3A_341 = tpu.memref_squeeze %dma_wait3A_340 : memref<1x32x1024xf32, #tpu.memory_space<vmem>> -> memref<32x1024xf32, #tpu.memory_space<vmem>>
          %dma_wait3A_342 = tpu.memref_slice %arg5[%mul3A_336] : memref<1024xi32, #tpu.memory_space<vmem>> -> memref<32xi32, #tpu.memory_space<vmem>>
          %dma_wait3A_343 = arith.constant 0 : i32
          %dma_wait3A_344 = arith.constant 0 : i32
          %dma_wait3A_345 = tpu.memref_slice %arg3[%dma_wait3A_343, %dma_wait3A_344] : memref<128x1024xf32, #tpu.memory_space<hbm>> -> memref<128x1024xf32, #tpu.memory_space<hbm>>
          tpu.wait_indirect_dma semaphore(%arg10 : memref<!tpu.dma_semaphore, #tpu.memory_space<semaphore_mem>>) src(%dma_wait3A_345 : memref<128x1024xf32, #tpu.memory_space<hbm>>) dst(%dma_wait3A_341 : memref<32x1024xf32, #tpu.memory_space<vmem>>)
          %mul3A_346 = arith.constant 32 : i32
          %mul3A_347 = arith.muli %select_n3A_291, %mul3A_346 : i32
          %add3A_348 = arith.addi %mul3A_2, %mul3A_347 : i32
          %dma_start3A = arith.constant 1 : i32
          %dma_start3A_349 = arith.constant 0 : i32
          %dma_start3A_350 = arith.constant 0 : i32
          %dma_start3A_351 = tpu.memref_slice %arg7[%dma_start3A, %dma_start3A_349, %dma_start3A_350] : memref<2x32x1024xf32, #tpu.memory_space<vmem>> -> memref<1x32x1024xf32, #tpu.memory_space<vmem>>
          %dma_start3A_352 = tpu.memref_squeeze %dma_start3A_351 : memref<1x32x1024xf32, #tpu.memory_space<vmem>> -> memref<32x1024xf32, #tpu.memory_space<vmem>>
          %dma_start3A_353 = arith.constant 0 : i32
          %dma_start3A_354 = tpu.memref_slice %arg4[%add3A_348, %dma_start3A_353] : memref<32768x1024xf32, #tpu.memory_space<hbm>> -> memref<32x1024xf32, #tpu.memory_space<hbm>>
          %dma_start3A_355 = arith.constant 0 : i32
          %dma_start3A_356 = tpu.memref_slice %arg4[%add3A_348, %dma_start3A_355] : memref<32768x1024xf32, #tpu.memory_space<hbm>> -> memref<32x1024xf32, #tpu.memory_space<hbm>>
          %dma_start3A_357 = arith.constant 0 : i32
          %dma_start3A_358 = arith.constant 0 : i32
          %dma_start3A_359 = tpu.memref_slice %arg7[%dma_start3A, %dma_start3A_357, %dma_start3A_358] : memref<2x32x1024xf32, #tpu.memory_space<vmem>> -> memref<1x32x1024xf32, #tpu.memory_space<vmem>>
          %dma_start3A_360 = tpu.memref_squeeze %dma_start3A_359 : memref<1x32x1024xf32, #tpu.memory_space<vmem>> -> memref<32x1024xf32, #tpu.memory_space<vmem>>
          tpu.enqueue_dma source(%dma_start3A_360 : memref<32x1024xf32, #tpu.memory_space<vmem>>) target(%dma_start3A_356 : memref<32x1024xf32, #tpu.memory_space<hbm>>) target_semaphore(%arg12 : memref<!tpu.dma_semaphore, #tpu.memory_space<semaphore_mem>>)
        } else {
        }
        %ge3A_323 = arith.constant 1 : i32
        %ge3A_324 = arith.cmpi sge, %select_n3A_291, %ge3A_323 : i32
        %convert_element_type3A_325 = arith.extui %ge3A_324 : i1 to i32
        %cond3A_326 = arith.constant 0 : i32
        %cond3A_327 = arith.cmpi ne, %convert_element_type3A_325, %cond3A_326 : i32
        scf.if %cond3A_327 {
          %eq3A_335 = arith.constant 0 : i32
          %eq3A_336 = arith.cmpi eq, %select_n3A_307, %eq3A_335 : i32
          %convert_element_type3A_337 = arith.extui %eq3A_336 : i1 to i32
          %cond3A_338 = arith.constant 0 : i32
          %cond3A_339 = arith.cmpi ne, %convert_element_type3A_337, %cond3A_338 : i32
          scf.if %cond3A_339 {
            %sub3A_345 = arith.constant 1 : i32
            %sub3A_346 = arith.subi %select_n3A_291, %sub3A_345 : i32
            %mul3A_347 = arith.constant 32 : i32
            %mul3A_348 = arith.muli %sub3A_346, %mul3A_347 : i32
            %add3A_349 = arith.addi %mul3A_2, %mul3A_348 : i32
            %dma_wait3A_350 = arith.constant 1 : i32
            %dma_wait3A_351 = arith.constant 0 : i32
            %dma_wait3A_352 = arith.constant 0 : i32
            %dma_wait3A_353 = tpu.memref_slice %arg7[%dma_wait3A_350, %dma_wait3A_351, %dma_wait3A_352] : memref<2x32x1024xf32, #tpu.memory_space<vmem>> -> memref<1x32x1024xf32, #tpu.memory_space<vmem>>
            %dma_wait3A_354 = tpu.memref_squeeze %dma_wait3A_353 : memref<1x32x1024xf32, #tpu.memory_space<vmem>> -> memref<32x1024xf32, #tpu.memory_space<vmem>>
            %dma_wait3A_355 = arith.constant 0 : i32
            %dma_wait3A_356 = tpu.memref_slice %arg4[%add3A_349, %dma_wait3A_355] : memref<32768x1024xf32, #tpu.memory_space<hbm>> -> memref<32x1024xf32, #tpu.memory_space<hbm>>
            %dma_wait3A_357 = arith.constant 0 : i32
            %dma_wait3A_358 = tpu.memref_slice %arg4[%add3A_349, %dma_wait3A_357] : memref<32768x1024xf32, #tpu.memory_space<hbm>> -> memref<32x1024xf32, #tpu.memory_space<hbm>>
            %dma_wait3A_359 = arith.constant 0 : i32
            %dma_wait3A_360 = arith.constant 0 : i32
            %dma_wait3A_361 = tpu.memref_slice %arg7[%dma_wait3A_350, %dma_wait3A_359, %dma_wait3A_360] : memref<2x32x1024xf32, #tpu.memory_space<vmem>> -> memref<1x32x1024xf32, #tpu.memory_space<vmem>>
            %dma_wait3A_362 = tpu.memref_squeeze %dma_wait3A_361 : memref<1x32x1024xf32, #tpu.memory_space<vmem>> -> memref<32x1024xf32, #tpu.memory_space<vmem>>
            tpu.wait_dma2 semaphore(%arg12 : memref<!tpu.dma_semaphore, #tpu.memory_space<semaphore_mem>>) src(%dma_wait3A_362 : memref<32x1024xf32, #tpu.memory_space<vmem>>) dst(%dma_wait3A_358 : memref<32x1024xf32, #tpu.memory_space<hbm>>)
          } else {
          }
          %eq3A_340 = arith.constant 1 : i32
          %eq3A_341 = arith.cmpi eq, %select_n3A_307, %eq3A_340 : i32
          %convert_element_type3A_342 = arith.extui %eq3A_341 : i1 to i32
          %cond3A_343 = arith.constant 0 : i32
          %cond3A_344 = arith.cmpi ne, %convert_element_type3A_342, %cond3A_343 : i32
          scf.if %cond3A_344 {
            %sub3A_345 = arith.constant 1 : i32
            %sub3A_346 = arith.subi %select_n3A_291, %sub3A_345 : i32
            %mul3A_347 = arith.constant 32 : i32
            %mul3A_348 = arith.muli %sub3A_346, %mul3A_347 : i32
            %add3A_349 = arith.addi %mul3A_2, %mul3A_348 : i32
            %dma_wait3A_350 = arith.constant 0 : i32
            %dma_wait3A_351 = arith.constant 0 : i32
            %dma_wait3A_352 = arith.constant 0 : i32
            %dma_wait3A_353 = tpu.memref_slice %arg7[%dma_wait3A_350, %dma_wait3A_351, %dma_wait3A_352] : memref<2x32x1024xf32, #tpu.memory_space<vmem>> -> memref<1x32x1024xf32, #tpu.memory_space<vmem>>
            %dma_wait3A_354 = tpu.memref_squeeze %dma_wait3A_353 : memref<1x32x1024xf32, #tpu.memory_space<vmem>> -> memref<32x1024xf32, #tpu.memory_space<vmem>>
            %dma_wait3A_355 = arith.constant 0 : i32
            %dma_wait3A_356 = tpu.memref_slice %arg4[%add3A_349, %dma_wait3A_355] : memref<32768x1024xf32, #tpu.memory_space<hbm>> -> memref<32x1024xf32, #tpu.memory_space<hbm>>
            %dma_wait3A_357 = arith.constant 0 : i32
            %dma_wait3A_358 = tpu.memref_slice %arg4[%add3A_349, %dma_wait3A_357] : memref<32768x1024xf32, #tpu.memory_space<hbm>> -> memref<32x1024xf32, #tpu.memory_space<hbm>>
            %dma_wait3A_359 = arith.constant 0 : i32
            %dma_wait3A_360 = arith.constant 0 : i32
            %dma_wait3A_361 = tpu.memref_slice %arg7[%dma_wait3A_350, %dma_wait3A_359, %dma_wait3A_360] : memref<2x32x1024xf32, #tpu.memory_space<vmem>> -> memref<1x32x1024xf32, #tpu.memory_space<vmem>>
            %dma_wait3A_362 = tpu.memref_squeeze %dma_wait3A_361 : memref<1x32x1024xf32, #tpu.memory_space<vmem>> -> memref<32x1024xf32, #tpu.memory_space<vmem>>
            tpu.wait_dma2 semaphore(%arg11 : memref<!tpu.dma_semaphore, #tpu.memory_space<semaphore_mem>>) src(%dma_wait3A_362 : memref<32x1024xf32, #tpu.memory_space<vmem>>) dst(%dma_wait3A_358 : memref<32x1024xf32, #tpu.memory_space<hbm>>)
          } else {
          }
        } else {
        }
        %add3A_328 = arith.constant 1 : i32
        %add3A_329 = arith.addi %select_n3A_291, %add3A_328 : i32
        %lt3A_330 = arith.constant 16 : i32
        %lt3A_331 = arith.cmpi slt, %add3A_329, %lt3A_330 : i32
        %convert_element_type3A_332 = arith.extui %lt3A_331 : i1 to i32
        %cond3A_333 = arith.constant 0 : i32
        %cond3A_334 = arith.cmpi ne, %convert_element_type3A_332, %cond3A_333 : i32
        scf.if %cond3A_334 {
          %eq3A_335 = arith.constant 0 : i32
          %eq3A_336 = arith.cmpi eq, %select_n3A_307, %eq3A_335 : i32
          %convert_element_type3A_337 = arith.extui %eq3A_336 : i1 to i32
          %cond3A_338 = arith.constant 0 : i32
          %cond3A_339 = arith.cmpi ne, %convert_element_type3A_337, %cond3A_338 : i32
          scf.if %cond3A_339 {
            %add3A_345 = arith.constant 1 : i32
            %add3A_346 = arith.addi %select_n3A_291, %add3A_345 : i32
            %mul3A_347 = arith.constant 32 : i32
            %mul3A_348 = arith.muli %add3A_346, %mul3A_347 : i32
            %dma_start3A = arith.constant 1 : i32
            %dma_start3A_349 = arith.constant 0 : i32
            %dma_start3A_350 = arith.constant 0 : i32
            %dma_start3A_351 = tpu.memref_slice %arg7[%dma_start3A, %dma_start3A_349, %dma_start3A_350] : memref<2x32x1024xf32, #tpu.memory_space<vmem>> -> memref<1x32x1024xf32, #tpu.memory_space<vmem>>
            %dma_start3A_352 = tpu.memref_squeeze %dma_start3A_351 : memref<1x32x1024xf32, #tpu.memory_space<vmem>> -> memref<32x1024xf32, #tpu.memory_space<vmem>>
            %dma_start3A_353 = tpu.memref_slice %arg5[%mul3A_348] : memref<1024xi32, #tpu.memory_space<vmem>> -> memref<32xi32, #tpu.memory_space<vmem>>
            %dma_start3A_354 = arith.constant 0 : i32
            %dma_start3A_355 = arith.constant 0 : i32
            %dma_start3A_356 = tpu.memref_slice %arg3[%dma_start3A_354, %dma_start3A_355] : memref<128x1024xf32, #tpu.memory_space<hbm>> -> memref<128x1024xf32, #tpu.memory_space<hbm>>
            tpu.enqueue_indirect_dma source(%dma_start3A_356 : memref<128x1024xf32, #tpu.memory_space<hbm>>) target(%dma_start3A_352 : memref<32x1024xf32, #tpu.memory_space<vmem>>) offsets(%dma_start3A_353 : memref<32xi32, #tpu.memory_space<vmem>>) semaphore(%arg10 : memref<!tpu.dma_semaphore, #tpu.memory_space<semaphore_mem>>)
          } else {
          }
          %eq3A_340 = arith.constant 1 : i32
          %eq3A_341 = arith.cmpi eq, %select_n3A_307, %eq3A_340 : i32
          %convert_element_type3A_342 = arith.extui %eq3A_341 : i1 to i32
          %cond3A_343 = arith.constant 0 : i32
          %cond3A_344 = arith.cmpi ne, %convert_element_type3A_342, %cond3A_343 : i32
          scf.if %cond3A_344 {
            %add3A_345 = arith.constant 1 : i32
            %add3A_346 = arith.addi %select_n3A_291, %add3A_345 : i32
            %mul3A_347 = arith.constant 32 : i32
            %mul3A_348 = arith.muli %add3A_346, %mul3A_347 : i32
            %dma_start3A = arith.constant 0 : i32
            %dma_start3A_349 = arith.constant 0 : i32
            %dma_start3A_350 = arith.constant 0 : i32
            %dma_start3A_351 = tpu.memref_slice %arg7[%dma_start3A, %dma_start3A_349, %dma_start3A_350] : memref<2x32x1024xf32, #tpu.memory_space<vmem>> -> memref<1x32x1024xf32, #tpu.memory_space<vmem>>
            %dma_start3A_352 = tpu.memref_squeeze %dma_start3A_351 : memref<1x32x1024xf32, #tpu.memory_space<vmem>> -> memref<32x1024xf32, #tpu.memory_space<vmem>>
            %dma_start3A_353 = tpu.memref_slice %arg5[%mul3A_348] : memref<1024xi32, #tpu.memory_space<vmem>> -> memref<32xi32, #tpu.memory_space<vmem>>
            %dma_start3A_354 = arith.constant 0 : i32
            %dma_start3A_355 = arith.constant 0 : i32
            %dma_start3A_356 = tpu.memref_slice %arg3[%dma_start3A_354, %dma_start3A_355] : memref<128x1024xf32, #tpu.memory_space<hbm>> -> memref<128x1024xf32, #tpu.memory_space<hbm>>
            tpu.enqueue_indirect_dma source(%dma_start3A_356 : memref<128x1024xf32, #tpu.memory_space<hbm>>) target(%dma_start3A_352 : memref<32x1024xf32, #tpu.memory_space<vmem>>) offsets(%dma_start3A_353 : memref<32xi32, #tpu.memory_space<vmem>>) semaphore(%arg9 : memref<!tpu.dma_semaphore, #tpu.memory_space<semaphore_mem>>)
          } else {
          }
        } else {
        }
      } else {
      }
      %parallel_loop3A = arith.constant 0 : i32
      %parallel_loop3A_259 = arith.constant 16 : i32
      %parallel_loop3A_260 = arith.constant 1 : i32
      scf.for %parallel_loop3A_271 = %parallel_loop3A to %parallel_loop3A_259 step %parallel_loop3A_260  : i32 {
        %parallel_loop3A_272 = arith.constant 0 : i32
        %parallel_loop3A_273 = vector.broadcast %parallel_loop3A_272 : i32 to vector<16xi32>
        %parallel_loop3A_274 = arith.constant 16 : i32
        %parallel_loop3A_275 = arith.muli %scan3A_242, %parallel_loop3A_274 : i32
        %parallel_loop3A_276 = arith.constant 512 : i32
        %parallel_loop3A_277 = arith.addi %parallel_loop3A_276, %parallel_loop3A_275 : i32
        %parallel_loop3A_278 = arith.addi %parallel_loop3A_277, %parallel_loop3A_271 : i32
        %parallel_loop3A_279 = vector.broadcast %parallel_loop3A_278 : i32 to vector<16xi32>
        %parallel_loop3A_280 = arith.addi %parallel_loop3A_273, %parallel_loop3A_279 : vector<16xi32>
        %parallel_loop3A_281 = tpu.vector_load_idx %arg5[%parallel_loop3A_280] : memref<1024xi32, #tpu.memory_space<vmem>>[vector<16xi32>], vector<16xi32>,
        %parallel_loop3A_282 = arith.constant 16 : i32
        %parallel_loop3A_283 = arith.muli %select_n3A_251, %parallel_loop3A_282 : i32
        %parallel_loop3A_284 = arith.addi %parallel_loop3A_283, %parallel_loop3A_271 : i32
        %parallel_loop3A_285 = arith.constant 0 : i32
        %parallel_loop3A_286 = vector.broadcast %parallel_loop3A_285 : i32 to vector<16xi32>
        %parallel_loop3A_287 = arith.addi %iota3A, %parallel_loop3A_286 : vector<16xi32>
        %parallel_loop3A_288 = tpu.vector_load_idx %arg6[%parallel_loop3A_281, %parallel_loop3A_287] : memref<4x1024xf32, #tpu.memory_space<vmem>>[vector<16xi32>, vector<16xi32>], vector<16xf32>,
        %parallel_loop3A_289 = arith.index_cast %parallel_loop3A_284 : i32 to index
        %parallel_loop3A_290 = arith.constant 0 : index
        %parallel_loop3A_291 = tpu.vector_load %arg8[%parallel_loop3A_289, %parallel_loop3A_290] {strides = array<i32>} : memref<32x1024xf32, #tpu.memory_space<vmem>>, vector<16xf32>,
        tpu.vector_store %arg8[%parallel_loop3A_289, %parallel_loop3A_290], %parallel_loop3A_288 {strides = array<i32>} : memref<32x1024xf32, #tpu.memory_space<vmem>>, vector<16xf32>,
        %parallel_loop3A_292 = arith.constant 16 : i32
        %parallel_loop3A_293 = vector.broadcast %parallel_loop3A_292 : i32 to vector<16xi32>
        %parallel_loop3A_294 = arith.addi %iota3A, %parallel_loop3A_293 : vector<16xi32>
        %parallel_loop3A_295 = tpu.vector_load_idx %arg6[%parallel_loop3A_281, %parallel_loop3A_294] : memref<4x1024xf32, #tpu.memory_space<vmem>>[vector<16xi32>, vector<16xi32>], vector<16xf32>,
        %parallel_loop3A_296 = arith.index_cast %parallel_loop3A_284 : i32 to index
        %parallel_loop3A_297 = arith.constant 16 : index
        %parallel_loop3A_298 = tpu.vector_load %arg8[%parallel_loop3A_296, %parallel_loop3A_297] {strides = array<i32>} : memref<32x1024xf32, #tpu.memory_space<vmem>>, vector<16xf32>,
        tpu.vector_store %arg8[%parallel_loop3A_296, %parallel_loop3A_297], %parallel_loop3A_295 {strides = array<i32>} : memref<32x1024xf32, #tpu.memory_space<vmem>>, vector<16xf32>,
        %parallel_loop3A_299 = arith.constant 32 : i32
        %parallel_loop3A_300 = vector.broadcast %parallel_loop3A_299 : i32 to vector<16xi32>
        %parallel_loop3A_301 = arith.addi %iota3A, %parallel_loop3A_300 : vector<16xi32>
        %parallel_loop3A_302 = tpu.vector_load_idx %arg6[%parallel_loop3A_281, %parallel_loop3A_301] : memref<4x1024xf32, #tpu.memory_space<vmem>>[vector<16xi32>, vector<16xi32>], vector<16xf32>,
        %parallel_loop3A_303 = arith.index_cast %parallel_loop3A_284 : i32 to index
        %parallel_loop3A_304 = arith.constant 32 : index
        %parallel_loop3A_305 = tpu.vector_load %arg8[%parallel_loop3A_303, %parallel_loop3A_304] {strides = array<i32>} : memref<32x1024xf32, #tpu.memory_space<vmem>>, vector<16xf32>,
        tpu.vector_store %arg8[%parallel_loop3A_303, %parallel_loop3A_304], %parallel_loop3A_302 {strides = array<i32>} : memref<32x1024xf32, #tpu.memory_space<vmem>>, vector<16xf32>,
        %parallel_loop3A_306 = arith.constant 48 : i32
        %parallel_loop3A_307 = vector.broadcast %parallel_loop3A_306 : i32 to vector<16xi32>
        %parallel_loop3A_308 = arith.addi %iota3A, %parallel_loop3A_307 : vector<16xi32>
        %parallel_loop3A_309 = tpu.vector_load_idx %arg6[%parallel_loop3A_281, %parallel_loop3A_308] : memref<4x1024xf32, #tpu.memory_space<vmem>>[vector<16xi32>, vector<16xi32>], vector<16xf32>,
        %parallel_loop3A_310 = arith.index_cast %parallel_loop3A_284 : i32 to index
        %parallel_loop3A_311 = arith.constant 48 : index
        %parallel_loop3A_312 = tpu.vector_load %arg8[%parallel_loop3A_310, %parallel_loop3A_311] {strides = array<i32>} : memref<32x1024xf32, #tpu.memory_space<vmem>>, vector<16xf32>,
        tpu.vector_store %arg8[%parallel_loop3A_310, %parallel_loop3A_311], %parallel_loop3A_309 {strides = array<i32>} : memref<32x1024xf32, #tpu.memory_space<vmem>>, vector<16xf32>,
        %parallel_loop3A_313 = arith.constant 64 : i32
        %parallel_loop3A_314 = vector.broadcast %parallel_loop3A_313 : i32 to vector<16xi32>
        %parallel_loop3A_315 = arith.addi %iota3A, %parallel_loop3A_314 : vector<16xi32>
        %parallel_loop3A_316 = tpu.vector_load_idx %arg6[%parallel_loop3A_281, %parallel_loop3A_315] : memref<4x1024xf32, #tpu.memory_space<vmem>>[vector<16xi32>, vector<16xi32>], vector<16xf32>,
        %parallel_loop3A_317 = arith.index_cast %parallel_loop3A_284 : i32 to index
        %parallel_loop3A_318 = arith.constant 64 : index
        %parallel_loop3A_319 = tpu.vector_load %arg8[%parallel_loop3A_317, %parallel_loop3A_318] {strides = array<i32>} : memref<32x1024xf32, #tpu.memory_space<vmem>>, vector<16xf32>,
        tpu.vector_store %arg8[%parallel_loop3A_317, %parallel_loop3A_318], %parallel_loop3A_316 {strides = array<i32>} : memref<32x1024xf32, #tpu.memory_space<vmem>>, vector<16xf32>,
        %parallel_loop3A_320 = arith.constant 80 : i32
        %parallel_loop3A_321 = vector.broadcast %parallel_loop3A_320 : i32 to vector<16xi32>
        %parallel_loop3A_322 = arith.addi %iota3A, %parallel_loop3A_321 : vector<16xi32>
        %parallel_loop3A_323 = tpu.vector_load_idx %arg6[%parallel_loop3A_281, %parallel_loop3A_322] : memref<4x1024xf32, #tpu.memory_space<vmem>>[vector<16xi32>, vector<16xi32>], vector<16xf32>,
        %parallel_loop3A_324 = arith.index_cast %parallel_loop3A_284 : i32 to index
        %parallel_loop3A_325 = arith.constant 80 : index
        %parallel_loop3A_326 = tpu.vector_load %arg8[%parallel_loop3A_324, %parallel_loop3A_325] {strides = array<i32>} : memref<32x1024xf32, #tpu.memory_space<vmem>>, vector<16xf32>,
        tpu.vector_store %arg8[%parallel_loop3A_324, %parallel_loop3A_325], %parallel_loop3A_323 {strides = array<i32>} : memref<32x1024xf32, #tpu.memory_space<vmem>>, vector<16xf32>,
        %parallel_loop3A_327 = arith.constant 96 : i32
        %parallel_loop3A_328 = vector.broadcast %parallel_loop3A_327 : i32 to vector<16xi32>
        %parallel_loop3A_329 = arith.addi %iota3A, %parallel_loop3A_328 : vector<16xi32>
        %parallel_loop3A_330 = tpu.vector_load_idx %arg6[%parallel_loop3A_281, %parallel_loop3A_329] : memref<4x1024xf32, #tpu.memory_space<vmem>>[vector<16xi32>, vector<16xi32>], vector<16xf32>,
        %parallel_loop3A_331 = arith.index_cast %parallel_loop3A_284 : i32 to index
        %parallel_loop3A_332 = arith.constant 96 : index
        %parallel_loop3A_333 = tpu.vector_load %arg8[%parallel_loop3A_331, %parallel_loop3A_332] {strides = array<i32>} : memref<32x1024xf32, #tpu.memory_space<vmem>>, vector<16xf32>,
        tpu.vector_store %arg8[%parallel_loop3A_331, %parallel_loop3A_332], %parallel_loop3A_330 {strides = array<i32>} : memref<32x1024xf32, #tpu.memory_space<vmem>>, vector<16xf32>,
        %parallel_loop3A_334 = arith.constant 112 : i32
        %parallel_loop3A_335 = vector.broadcast %parallel_loop3A_334 : i32 to vector<16xi32>
        %parallel_loop3A_336 = arith.addi %iota3A, %parallel_loop3A_335 : vector<16xi32>
        %parallel_loop3A_337 = tpu.vector_load_idx %arg6[%parallel_loop3A_281, %parallel_loop3A_336] : memref<4x1024xf32, #tpu.memory_space<vmem>>[vector<16xi32>, vector<16xi32>], vector<16xf32>,
        %parallel_loop3A_338 = arith.index_cast %parallel_loop3A_284 : i32 to index
        %parallel_loop3A_339 = arith.constant 112 : index
        %parallel_loop3A_340 = tpu.vector_load %arg8[%parallel_loop3A_338, %parallel_loop3A_339] {strides = array<i32>} : memref<32x1024xf32, #tpu.memory_space<vmem>>, vector<16xf32>,
        tpu.vector_store %arg8[%parallel_loop3A_338, %parallel_loop3A_339], %parallel_loop3A_337 {strides = array<i32>} : memref<32x1024xf32, #tpu.memory_space<vmem>>, vector<16xf32>,
        %parallel_loop3A_341 = arith.constant 128 : i32
        %parallel_loop3A_342 = vector.broadcast %parallel_loop3A_341 : i32 to vector<16xi32>
        %parallel_loop3A_343 = arith.addi %iota3A, %parallel_loop3A_342 : vector<16xi32>
        %parallel_loop3A_344 = tpu.vector_load_idx %arg6[%parallel_loop3A_281, %parallel_loop3A_343] : memref<4x1024xf32, #tpu.memory_space<vmem>>[vector<16xi32>, vector<16xi32>], vector<16xf32>,
        %parallel_loop3A_345 = arith.index_cast %parallel_loop3A_284 : i32 to index
        %parallel_loop3A_346 = arith.constant 128 : index
        %parallel_loop3A_347 = tpu.vector_load %arg8[%parallel_loop3A_345, %parallel_loop3A_346] {strides = array<i32>} : memref<32x1024xf32, #tpu.memory_space<vmem>>, vector<16xf32>,
        tpu.vector_store %arg8[%parallel_loop3A_345, %parallel_loop3A_346], %parallel_loop3A_344 {strides = array<i32>} : memref<32x1024xf32, #tpu.memory_space<vmem>>, vector<16xf32>,
        %parallel_loop3A_348 = arith.constant 144 : i32
        %parallel_loop3A_349 = vector.broadcast %parallel_loop3A_348 : i32 to vector<16xi32>
        %parallel_loop3A_350 = arith.addi %iota3A, %parallel_loop3A_349 : vector<16xi32>
        %parallel_loop3A_351 = tpu.vector_load_idx %arg6[%parallel_loop3A_281, %parallel_loop3A_350] : memref<4x1024xf32, #tpu.memory_space<vmem>>[vector<16xi32>, vector<16xi32>], vector<16xf32>,
        %parallel_loop3A_352 = arith.index_cast %parallel_loop3A_284 : i32 to index
        %parallel_loop3A_353 = arith.constant 144 : index
        %parallel_loop3A_354 = tpu.vector_load %arg8[%parallel_loop3A_352, %parallel_loop3A_353] {strides = array<i32>} : memref<32x1024xf32, #tpu.memory_space<vmem>>, vector<16xf32>,
        tpu.vector_store %arg8[%parallel_loop3A_352, %parallel_loop3A_353], %parallel_loop3A_351 {strides = array<i32>} : memref<32x1024xf32, #tpu.memory_space<vmem>>, vector<16xf32>,
        %parallel_loop3A_355 = arith.constant 160 : i32
        %parallel_loop3A_356 = vector.broadcast %parallel_loop3A_355 : i32 to vector<16xi32>
        %parallel_loop3A_357 = arith.addi %iota3A, %parallel_loop3A_356 : vector<16xi32>
        %parallel_loop3A_358 = tpu.vector_load_idx %arg6[%parallel_loop3A_281, %parallel_loop3A_357] : memref<4x1024xf32, #tpu.memory_space<vmem>>[vector<16xi32>, vector<16xi32>], vector<16xf32>,
        %parallel_loop3A_359 = arith.index_cast %parallel_loop3A_284 : i32 to index
        %parallel_loop3A_360 = arith.constant 160 : index
        %parallel_loop3A_361 = tpu.vector_load %arg8[%parallel_loop3A_359, %parallel_loop3A_360] {strides = array<i32>} : memref<32x1024xf32, #tpu.memory_space<vmem>>, vector<16xf32>,
        tpu.vector_store %arg8[%parallel_loop3A_359, %parallel_loop3A_360], %parallel_loop3A_358 {strides = array<i32>} : memref<32x1024xf32, #tpu.memory_space<vmem>>, vector<16xf32>,
        %parallel_loop3A_362 = arith.constant 176 : i32
        %parallel_loop3A_363 = vector.broadcast %parallel_loop3A_362 : i32 to vector<16xi32>
        %parallel_loop3A_364 = arith.addi %iota3A, %parallel_loop3A_363 : vector<16xi32>
        %parallel_loop3A_365 = tpu.vector_load_idx %arg6[%parallel_loop3A_281, %parallel_loop3A_364] : memref<4x1024xf32, #tpu.memory_space<vmem>>[vector<16xi32>, vector<16xi32>], vector<16xf32>,
        %parallel_loop3A_366 = arith.index_cast %parallel_loop3A_284 : i32 to index
        %parallel_loop3A_367 = arith.constant 176 : index
        %parallel_loop3A_368 = tpu.vector_load %arg8[%parallel_loop3A_366, %parallel_loop3A_367] {strides = array<i32>} : memref<32x1024xf32, #tpu.memory_space<vmem>>, vector<16xf32>,
        tpu.vector_store %arg8[%parallel_loop3A_366, %parallel_loop3A_367], %parallel_loop3A_365 {strides = array<i32>} : memref<32x1024xf32, #tpu.memory_space<vmem>>, vector<16xf32>,
        %parallel_loop3A_369 = arith.constant 192 : i32
        %parallel_loop3A_370 = vector.broadcast %parallel_loop3A_369 : i32 to vector<16xi32>
        %parallel_loop3A_371 = arith.addi %iota3A, %parallel_loop3A_370 : vector<16xi32>
        %parallel_loop3A_372 = tpu.vector_load_idx %arg6[%parallel_loop3A_281, %parallel_loop3A_371] : memref<4x1024xf32, #tpu.memory_space<vmem>>[vector<16xi32>, vector<16xi32>], vector<16xf32>,
        %parallel_loop3A_373 = arith.index_cast %parallel_loop3A_284 : i32 to index
        %parallel_loop3A_374 = arith.constant 192 : index
        %parallel_loop3A_375 = tpu.vector_load %arg8[%parallel_loop3A_373, %parallel_loop3A_374] {strides = array<i32>} : memref<32x1024xf32, #tpu.memory_space<vmem>>, vector<16xf32>,
        tpu.vector_store %arg8[%parallel_loop3A_373, %parallel_loop3A_374], %parallel_loop3A_372 {strides = array<i32>} : memref<32x1024xf32, #tpu.memory_space<vmem>>, vector<16xf32>,
        %parallel_loop3A_376 = arith.constant 208 : i32
        %parallel_loop3A_377 = vector.broadcast %parallel_loop3A_376 : i32 to vector<16xi32>
        %parallel_loop3A_378 = arith.addi %iota3A, %parallel_loop3A_377 : vector<16xi32>
        %parallel_loop3A_379 = tpu.vector_load_idx %arg6[%parallel_loop3A_281, %parallel_loop3A_378] : memref<4x1024xf32, #tpu.memory_space<vmem>>[vector<16xi32>, vector<16xi32>], vector<16xf32>,
        %parallel_loop3A_380 = arith.index_cast %parallel_loop3A_284 : i32 to index
        %parallel_loop3A_381 = arith.constant 208 : index
        %parallel_loop3A_382 = tpu.vector_load %arg8[%parallel_loop3A_380, %parallel_loop3A_381] {strides = array<i32>} : memref<32x1024xf32, #tpu.memory_space<vmem>>, vector<16xf32>,
        tpu.vector_store %arg8[%parallel_loop3A_380, %parallel_loop3A_381], %parallel_loop3A_379 {strides = array<i32>} : memref<32x1024xf32, #tpu.memory_space<vmem>>, vector<16xf32>,
        %parallel_loop3A_383 = arith.constant 224 : i32
        %parallel_loop3A_384 = vector.broadcast %parallel_loop3A_383 : i32 to vector<16xi32>
        %parallel_loop3A_385 = arith.addi %iota3A, %parallel_loop3A_384 : vector<16xi32>
        %parallel_loop3A_386 = tpu.vector_load_idx %arg6[%parallel_loop3A_281, %parallel_loop3A_385] : memref<4x1024xf32, #tpu.memory_space<vmem>>[vector<16xi32>, vector<16xi32>], vector<16xf32>,
        %parallel_loop3A_387 = arith.index_cast %parallel_loop3A_284 : i32 to index
        %parallel_loop3A_388 = arith.constant 224 : index
        %parallel_loop3A_389 = tpu.vector_load %arg8[%parallel_loop3A_387, %parallel_loop3A_388] {strides = array<i32>} : memref<32x1024xf32, #tpu.memory_space<vmem>>, vector<16xf32>,
        tpu.vector_store %arg8[%parallel_loop3A_387, %parallel_loop3A_388], %parallel_loop3A_386 {strides = array<i32>} : memref<32x1024xf32, #tpu.memory_space<vmem>>, vector<16xf32>,
        %parallel_loop3A_390 = arith.constant 240 : i32
        %parallel_loop3A_391 = vector.broadcast %parallel_loop3A_390 : i32 to vector<16xi32>
        %parallel_loop3A_392 = arith.addi %iota3A, %parallel_loop3A_391 : vector<16xi32>
        %parallel_loop3A_393 = tpu.vector_load_idx %arg6[%parallel_loop3A_281, %parallel_loop3A_392] : memref<4x1024xf32, #tpu.memory_space<vmem>>[vector<16xi32>, vector<16xi32>], vector<16xf32>,
        %parallel_loop3A_394 = arith.index_cast %parallel_loop3A_284 : i32 to index
        %parallel_loop3A_395 = arith.constant 240 : index
        %parallel_loop3A_396 = tpu.vector_load %arg8[%parallel_loop3A_394, %parallel_loop3A_395] {strides = array<i32>} : memref<32x1024xf32, #tpu.memory_space<vmem>>, vector<16xf32>,
        tpu.vector_store %arg8[%parallel_loop3A_394, %parallel_loop3A_395], %parallel_loop3A_393 {strides = array<i32>} : memref<32x1024xf32, #tpu.memory_space<vmem>>, vector<16xf32>,
        %parallel_loop3A_397 = arith.constant 256 : i32
        %parallel_loop3A_398 = vector.broadcast %parallel_loop3A_397 : i32 to vector<16xi32>
        %parallel_loop3A_399 = arith.addi %iota3A, %parallel_loop3A_398 : vector<16xi32>
        %parallel_loop3A_400 = tpu.vector_load_idx %arg6[%parallel_loop3A_281, %parallel_loop3A_399] : memref<4x1024xf32, #tpu.memory_space<vmem>>[vector<16xi32>, vector<16xi32>], vector<16xf32>,
        %parallel_loop3A_401 = arith.index_cast %parallel_loop3A_284 : i32 to index
        %parallel_loop3A_402 = arith.constant 256 : index
        %parallel_loop3A_403 = tpu.vector_load %arg8[%parallel_loop3A_401, %parallel_loop3A_402] {strides = array<i32>} : memref<32x1024xf32, #tpu.memory_space<vmem>>, vector<16xf32>,
        tpu.vector_store %arg8[%parallel_loop3A_401, %parallel_loop3A_402], %parallel_loop3A_400 {strides = array<i32>} : memref<32x1024xf32, #tpu.memory_space<vmem>>, vector<16xf32>,
        %parallel_loop3A_404 = arith.constant 272 : i32
        %parallel_loop3A_405 = vector.broadcast %parallel_loop3A_404 : i32 to vector<16xi32>
        %parallel_loop3A_406 = arith.addi %iota3A, %parallel_loop3A_405 : vector<16xi32>
        %parallel_loop3A_407 = tpu.vector_load_idx %arg6[%parallel_loop3A_281, %parallel_loop3A_406] : memref<4x1024xf32, #tpu.memory_space<vmem>>[vector<16xi32>, vector<16xi32>], vector<16xf32>,
        %parallel_loop3A_408 = arith.index_cast %parallel_loop3A_284 : i32 to index
        %parallel_loop3A_409 = arith.constant 272 : index
        %parallel_loop3A_410 = tpu.vector_load %arg8[%parallel_loop3A_408, %parallel_loop3A_409] {strides = array<i32>} : memref<32x1024xf32, #tpu.memory_space<vmem>>, vector<16xf32>,
        tpu.vector_store %arg8[%parallel_loop3A_408, %parallel_loop3A_409], %parallel_loop3A_407 {strides = array<i32>} : memref<32x1024xf32, #tpu.memory_space<vmem>>, vector<16xf32>,
        %parallel_loop3A_411 = arith.constant 288 : i32
        %parallel_loop3A_412 = vector.broadcast %parallel_loop3A_411 : i32 to vector<16xi32>
        %parallel_loop3A_413 = arith.addi %iota3A, %parallel_loop3A_412 : vector<16xi32>
        %parallel_loop3A_414 = tpu.vector_load_idx %arg6[%parallel_loop3A_281, %parallel_loop3A_413] : memref<4x1024xf32, #tpu.memory_space<vmem>>[vector<16xi32>, vector<16xi32>], vector<16xf32>,
        %parallel_loop3A_415 = arith.index_cast %parallel_loop3A_284 : i32 to index
        %parallel_loop3A_416 = arith.constant 288 : index
        %parallel_loop3A_417 = tpu.vector_load %arg8[%parallel_loop3A_415, %parallel_loop3A_416] {strides = array<i32>} : memref<32x1024xf32, #tpu.memory_space<vmem>>, vector<16xf32>,
        tpu.vector_store %arg8[%parallel_loop3A_415, %parallel_loop3A_416], %parallel_loop3A_414 {strides = array<i32>} : memref<32x1024xf32, #tpu.memory_space<vmem>>, vector<16xf32>,
        %parallel_loop3A_418 = arith.constant 304 : i32
        %parallel_loop3A_419 = vector.broadcast %parallel_loop3A_418 : i32 to vector<16xi32>
        %parallel_loop3A_420 = arith.addi %iota3A, %parallel_loop3A_419 : vector<16xi32>
        %parallel_loop3A_421 = tpu.vector_load_idx %arg6[%parallel_loop3A_281, %parallel_loop3A_420] : memref<4x1024xf32, #tpu.memory_space<vmem>>[vector<16xi32>, vector<16xi32>], vector<16xf32>,
        %parallel_loop3A_422 = arith.index_cast %parallel_loop3A_284 : i32 to index
        %parallel_loop3A_423 = arith.constant 304 : index
        %parallel_loop3A_424 = tpu.vector_load %arg8[%parallel_loop3A_422, %parallel_loop3A_423] {strides = array<i32>} : memref<32x1024xf32, #tpu.memory_space<vmem>>, vector<16xf32>,
        tpu.vector_store %arg8[%parallel_loop3A_422, %parallel_loop3A_423], %parallel_loop3A_421 {strides = array<i32>} : memref<32x1024xf32, #tpu.memory_space<vmem>>, vector<16xf32>,
        %parallel_loop3A_425 = arith.constant 320 : i32
        %parallel_loop3A_426 = vector.broadcast %parallel_loop3A_425 : i32 to vector<16xi32>
        %parallel_loop3A_427 = arith.addi %iota3A, %parallel_loop3A_426 : vector<16xi32>
        %parallel_loop3A_428 = tpu.vector_load_idx %arg6[%parallel_loop3A_281, %parallel_loop3A_427] : memref<4x1024xf32, #tpu.memory_space<vmem>>[vector<16xi32>, vector<16xi32>], vector<16xf32>,
        %parallel_loop3A_429 = arith.index_cast %parallel_loop3A_284 : i32 to index
        %parallel_loop3A_430 = arith.constant 320 : index
        %parallel_loop3A_431 = tpu.vector_load %arg8[%parallel_loop3A_429, %parallel_loop3A_430] {strides = array<i32>} : memref<32x1024xf32, #tpu.memory_space<vmem>>, vector<16xf32>,
        tpu.vector_store %arg8[%parallel_loop3A_429, %parallel_loop3A_430], %parallel_loop3A_428 {strides = array<i32>} : memref<32x1024xf32, #tpu.memory_space<vmem>>, vector<16xf32>,
        %parallel_loop3A_432 = arith.constant 336 : i32
        %parallel_loop3A_433 = vector.broadcast %parallel_loop3A_432 : i32 to vector<16xi32>
        %parallel_loop3A_434 = arith.addi %iota3A, %parallel_loop3A_433 : vector<16xi32>
        %parallel_loop3A_435 = tpu.vector_load_idx %arg6[%parallel_loop3A_281, %parallel_loop3A_434] : memref<4x1024xf32, #tpu.memory_space<vmem>>[vector<16xi32>, vector<16xi32>], vector<16xf32>,
        %parallel_loop3A_436 = arith.index_cast %parallel_loop3A_284 : i32 to index
        %parallel_loop3A_437 = arith.constant 336 : index
        %parallel_loop3A_438 = tpu.vector_load %arg8[%parallel_loop3A_436, %parallel_loop3A_437] {strides = array<i32>} : memref<32x1024xf32, #tpu.memory_space<vmem>>, vector<16xf32>,
        tpu.vector_store %arg8[%parallel_loop3A_436, %parallel_loop3A_437], %parallel_loop3A_435 {strides = array<i32>} : memref<32x1024xf32, #tpu.memory_space<vmem>>, vector<16xf32>,
        %parallel_loop3A_439 = arith.constant 352 : i32
        %parallel_loop3A_440 = vector.broadcast %parallel_loop3A_439 : i32 to vector<16xi32>
        %parallel_loop3A_441 = arith.addi %iota3A, %parallel_loop3A_440 : vector<16xi32>
        %parallel_loop3A_442 = tpu.vector_load_idx %arg6[%parallel_loop3A_281, %parallel_loop3A_441] : memref<4x1024xf32, #tpu.memory_space<vmem>>[vector<16xi32>, vector<16xi32>], vector<16xf32>,
        %parallel_loop3A_443 = arith.index_cast %parallel_loop3A_284 : i32 to index
        %parallel_loop3A_444 = arith.constant 352 : index
        %parallel_loop3A_445 = tpu.vector_load %arg8[%parallel_loop3A_443, %parallel_loop3A_444] {strides = array<i32>} : memref<32x1024xf32, #tpu.memory_space<vmem>>, vector<16xf32>,
        tpu.vector_store %arg8[%parallel_loop3A_443, %parallel_loop3A_444], %parallel_loop3A_442 {strides = array<i32>} : memref<32x1024xf32, #tpu.memory_space<vmem>>, vector<16xf32>,
        %parallel_loop3A_446 = arith.constant 368 : i32
        %parallel_loop3A_447 = vector.broadcast %parallel_loop3A_446 : i32 to vector<16xi32>
        %parallel_loop3A_448 = arith.addi %iota3A, %parallel_loop3A_447 : vector<16xi32>
        %parallel_loop3A_449 = tpu.vector_load_idx %arg6[%parallel_loop3A_281, %parallel_loop3A_448] : memref<4x1024xf32, #tpu.memory_space<vmem>>[vector<16xi32>, vector<16xi32>], vector<16xf32>,
        %parallel_loop3A_450 = arith.index_cast %parallel_loop3A_284 : i32 to index
        %parallel_loop3A_451 = arith.constant 368 : index
        %parallel_loop3A_452 = tpu.vector_load %arg8[%parallel_loop3A_450, %parallel_loop3A_451] {strides = array<i32>} : memref<32x1024xf32, #tpu.memory_space<vmem>>, vector<16xf32>,
        tpu.vector_store %arg8[%parallel_loop3A_450, %parallel_loop3A_451], %parallel_loop3A_449 {strides = array<i32>} : memref<32x1024xf32, #tpu.memory_space<vmem>>, vector<16xf32>,
        %parallel_loop3A_453 = arith.constant 384 : i32
        %parallel_loop3A_454 = vector.broadcast %parallel_loop3A_453 : i32 to vector<16xi32>
        %parallel_loop3A_455 = arith.addi %iota3A, %parallel_loop3A_454 : vector<16xi32>
        %parallel_loop3A_456 = tpu.vector_load_idx %arg6[%parallel_loop3A_281, %parallel_loop3A_455] : memref<4x1024xf32, #tpu.memory_space<vmem>>[vector<16xi32>, vector<16xi32>], vector<16xf32>,
        %parallel_loop3A_457 = arith.index_cast %parallel_loop3A_284 : i32 to index
        %parallel_loop3A_458 = arith.constant 384 : index
        %parallel_loop3A_459 = tpu.vector_load %arg8[%parallel_loop3A_457, %parallel_loop3A_458] {strides = array<i32>} : memref<32x1024xf32, #tpu.memory_space<vmem>>, vector<16xf32>,
        tpu.vector_store %arg8[%parallel_loop3A_457, %parallel_loop3A_458], %parallel_loop3A_456 {strides = array<i32>} : memref<32x1024xf32, #tpu.memory_space<vmem>>, vector<16xf32>,
        %parallel_loop3A_460 = arith.constant 400 : i32
        %parallel_loop3A_461 = vector.broadcast %parallel_loop3A_460 : i32 to vector<16xi32>
        %parallel_loop3A_462 = arith.addi %iota3A, %parallel_loop3A_461 : vector<16xi32>
        %parallel_loop3A_463 = tpu.vector_load_idx %arg6[%parallel_loop3A_281, %parallel_loop3A_462] : memref<4x1024xf32, #tpu.memory_space<vmem>>[vector<16xi32>, vector<16xi32>], vector<16xf32>,
        %parallel_loop3A_464 = arith.index_cast %parallel_loop3A_284 : i32 to index
        %parallel_loop3A_465 = arith.constant 400 : index
        %parallel_loop3A_466 = tpu.vector_load %arg8[%parallel_loop3A_464, %parallel_loop3A_465] {strides = array<i32>} : memref<32x1024xf32, #tpu.memory_space<vmem>>, vector<16xf32>,
        tpu.vector_store %arg8[%parallel_loop3A_464, %parallel_loop3A_465], %parallel_loop3A_463 {strides = array<i32>} : memref<32x1024xf32, #tpu.memory_space<vmem>>, vector<16xf32>,
        %parallel_loop3A_467 = arith.constant 416 : i32
        %parallel_loop3A_468 = vector.broadcast %parallel_loop3A_467 : i32 to vector<16xi32>
        %parallel_loop3A_469 = arith.addi %iota3A, %parallel_loop3A_468 : vector<16xi32>
        %parallel_loop3A_470 = tpu.vector_load_idx %arg6[%parallel_loop3A_281, %parallel_loop3A_469] : memref<4x1024xf32, #tpu.memory_space<vmem>>[vector<16xi32>, vector<16xi32>], vector<16xf32>,
        %parallel_loop3A_471 = arith.index_cast %parallel_loop3A_284 : i32 to index
        %parallel_loop3A_472 = arith.constant 416 : index
        %parallel_loop3A_473 = tpu.vector_load %arg8[%parallel_loop3A_471, %parallel_loop3A_472] {strides = array<i32>} : memref<32x1024xf32, #tpu.memory_space<vmem>>, vector<16xf32>,
        tpu.vector_store %arg8[%parallel_loop3A_471, %parallel_loop3A_472], %parallel_loop3A_470 {strides = array<i32>} : memref<32x1024xf32, #tpu.memory_space<vmem>>, vector<16xf32>,
        %parallel_loop3A_474 = arith.constant 432 : i32
        %parallel_loop3A_475 = vector.broadcast %parallel_loop3A_474 : i32 to vector<16xi32>
        %parallel_loop3A_476 = arith.addi %iota3A, %parallel_loop3A_475 : vector<16xi32>
        %parallel_loop3A_477 = tpu.vector_load_idx %arg6[%parallel_loop3A_281, %parallel_loop3A_476] : memref<4x1024xf32, #tpu.memory_space<vmem>>[vector<16xi32>, vector<16xi32>], vector<16xf32>,
        %parallel_loop3A_478 = arith.index_cast %parallel_loop3A_284 : i32 to index
        %parallel_loop3A_479 = arith.constant 432 : index
        %parallel_loop3A_480 = tpu.vector_load %arg8[%parallel_loop3A_478, %parallel_loop3A_479] {strides = array<i32>} : memref<32x1024xf32, #tpu.memory_space<vmem>>, vector<16xf32>,
        tpu.vector_store %arg8[%parallel_loop3A_478, %parallel_loop3A_479], %parallel_loop3A_477 {strides = array<i32>} : memref<32x1024xf32, #tpu.memory_space<vmem>>, vector<16xf32>,
        %parallel_loop3A_481 = arith.constant 448 : i32
        %parallel_loop3A_482 = vector.broadcast %parallel_loop3A_481 : i32 to vector<16xi32>
        %parallel_loop3A_483 = arith.addi %iota3A, %parallel_loop3A_482 : vector<16xi32>
        %parallel_loop3A_484 = tpu.vector_load_idx %arg6[%parallel_loop3A_281, %parallel_loop3A_483] : memref<4x1024xf32, #tpu.memory_space<vmem>>[vector<16xi32>, vector<16xi32>], vector<16xf32>,
        %parallel_loop3A_485 = arith.index_cast %parallel_loop3A_284 : i32 to index
        %parallel_loop3A_486 = arith.constant 448 : index
        %parallel_loop3A_487 = tpu.vector_load %arg8[%parallel_loop3A_485, %parallel_loop3A_486] {strides = array<i32>} : memref<32x1024xf32, #tpu.memory_space<vmem>>, vector<16xf32>,
        tpu.vector_store %arg8[%parallel_loop3A_485, %parallel_loop3A_486], %parallel_loop3A_484 {strides = array<i32>} : memref<32x1024xf32, #tpu.memory_space<vmem>>, vector<16xf32>,
        %parallel_loop3A_488 = arith.constant 464 : i32
        %parallel_loop3A_489 = vector.broadcast %parallel_loop3A_488 : i32 to vector<16xi32>
        %parallel_loop3A_490 = arith.addi %iota3A, %parallel_loop3A_489 : vector<16xi32>
        %parallel_loop3A_491 = tpu.vector_load_idx %arg6[%parallel_loop3A_281, %parallel_loop3A_490] : memref<4x1024xf32, #tpu.memory_space<vmem>>[vector<16xi32>, vector<16xi32>], vector<16xf32>,
        %parallel_loop3A_492 = arith.index_cast %parallel_loop3A_284 : i32 to index
        %parallel_loop3A_493 = arith.constant 464 : index
        %parallel_loop3A_494 = tpu.vector_load %arg8[%parallel_loop3A_492, %parallel_loop3A_493] {strides = array<i32>} : memref<32x1024xf32, #tpu.memory_space<vmem>>, vector<16xf32>,
        tpu.vector_store %arg8[%parallel_loop3A_492, %parallel_loop3A_493], %parallel_loop3A_491 {strides = array<i32>} : memref<32x1024xf32, #tpu.memory_space<vmem>>, vector<16xf32>,
        %parallel_loop3A_495 = arith.constant 480 : i32
        %parallel_loop3A_496 = vector.broadcast %parallel_loop3A_495 : i32 to vector<16xi32>
        %parallel_loop3A_497 = arith.addi %iota3A, %parallel_loop3A_496 : vector<16xi32>
        %parallel_loop3A_498 = tpu.vector_load_idx %arg6[%parallel_loop3A_281, %parallel_loop3A_497] : memref<4x1024xf32, #tpu.memory_space<vmem>>[vector<16xi32>, vector<16xi32>], vector<16xf32>,
        %parallel_loop3A_499 = arith.index_cast %parallel_loop3A_284 : i32 to index
        %parallel_loop3A_500 = arith.constant 480 : index
        %parallel_loop3A_501 = tpu.vector_load %arg8[%parallel_loop3A_499, %parallel_loop3A_500] {strides = array<i32>} : memref<32x1024xf32, #tpu.memory_space<vmem>>, vector<16xf32>,
        tpu.vector_store %arg8[%parallel_loop3A_499, %parallel_loop3A_500], %parallel_loop3A_498 {strides = array<i32>} : memref<32x1024xf32, #tpu.memory_space<vmem>>, vector<16xf32>,
        %parallel_loop3A_502 = arith.constant 496 : i32
        %parallel_loop3A_503 = vector.broadcast %parallel_loop3A_502 : i32 to vector<16xi32>
        %parallel_loop3A_504 = arith.addi %iota3A, %parallel_loop3A_503 : vector<16xi32>
        %parallel_loop3A_505 = tpu.vector_load_idx %arg6[%parallel_loop3A_281, %parallel_loop3A_504] : memref<4x1024xf32, #tpu.memory_space<vmem>>[vector<16xi32>, vector<16xi32>], vector<16xf32>,
        %parallel_loop3A_506 = arith.index_cast %parallel_loop3A_284 : i32 to index
        %parallel_loop3A_507 = arith.constant 496 : index
        %parallel_loop3A_508 = tpu.vector_load %arg8[%parallel_loop3A_506, %parallel_loop3A_507] {strides = array<i32>} : memref<32x1024xf32, #tpu.memory_space<vmem>>, vector<16xf32>,
        tpu.vector_store %arg8[%parallel_loop3A_506, %parallel_loop3A_507], %parallel_loop3A_505 {strides = array<i32>} : memref<32x1024xf32, #tpu.memory_space<vmem>>, vector<16xf32>,
        %parallel_loop3A_509 = arith.constant 512 : i32
        %parallel_loop3A_510 = vector.broadcast %parallel_loop3A_509 : i32 to vector<16xi32>
        %parallel_loop3A_511 = arith.addi %iota3A, %parallel_loop3A_510 : vector<16xi32>
        %parallel_loop3A_512 = tpu.vector_load_idx %arg6[%parallel_loop3A_281, %parallel_loop3A_511] : memref<4x1024xf32, #tpu.memory_space<vmem>>[vector<16xi32>, vector<16xi32>], vector<16xf32>,
        %parallel_loop3A_513 = arith.index_cast %parallel_loop3A_284 : i32 to index
        %parallel_loop3A_514 = arith.constant 512 : index
        %parallel_loop3A_515 = tpu.vector_load %arg8[%parallel_loop3A_513, %parallel_loop3A_514] {strides = array<i32>} : memref<32x1024xf32, #tpu.memory_space<vmem>>, vector<16xf32>,
        tpu.vector_store %arg8[%parallel_loop3A_513, %parallel_loop3A_514], %parallel_loop3A_512 {strides = array<i32>} : memref<32x1024xf32, #tpu.memory_space<vmem>>, vector<16xf32>,
        %parallel_loop3A_516 = arith.constant 528 : i32
        %parallel_loop3A_517 = vector.broadcast %parallel_loop3A_516 : i32 to vector<16xi32>
        %parallel_loop3A_518 = arith.addi %iota3A, %parallel_loop3A_517 : vector<16xi32>
        %parallel_loop3A_519 = tpu.vector_load_idx %arg6[%parallel_loop3A_281, %parallel_loop3A_518] : memref<4x1024xf32, #tpu.memory_space<vmem>>[vector<16xi32>, vector<16xi32>], vector<16xf32>,
        %parallel_loop3A_520 = arith.index_cast %parallel_loop3A_284 : i32 to index
        %parallel_loop3A_521 = arith.constant 528 : index
        %parallel_loop3A_522 = tpu.vector_load %arg8[%parallel_loop3A_520, %parallel_loop3A_521] {strides = array<i32>} : memref<32x1024xf32, #tpu.memory_space<vmem>>, vector<16xf32>,
        tpu.vector_store %arg8[%parallel_loop3A_520, %parallel_loop3A_521], %parallel_loop3A_519 {strides = array<i32>} : memref<32x1024xf32, #tpu.memory_space<vmem>>, vector<16xf32>,
        %parallel_loop3A_523 = arith.constant 544 : i32
        %parallel_loop3A_524 = vector.broadcast %parallel_loop3A_523 : i32 to vector<16xi32>
        %parallel_loop3A_525 = arith.addi %iota3A, %parallel_loop3A_524 : vector<16xi32>
        %parallel_loop3A_526 = tpu.vector_load_idx %arg6[%parallel_loop3A_281, %parallel_loop3A_525] : memref<4x1024xf32, #tpu.memory_space<vmem>>[vector<16xi32>, vector<16xi32>], vector<16xf32>,
        %parallel_loop3A_527 = arith.index_cast %parallel_loop3A_284 : i32 to index
        %parallel_loop3A_528 = arith.constant 544 : index
        %parallel_loop3A_529 = tpu.vector_load %arg8[%parallel_loop3A_527, %parallel_loop3A_528] {strides = array<i32>} : memref<32x1024xf32, #tpu.memory_space<vmem>>, vector<16xf32>,
        tpu.vector_store %arg8[%parallel_loop3A_527, %parallel_loop3A_528], %parallel_loop3A_526 {strides = array<i32>} : memref<32x1024xf32, #tpu.memory_space<vmem>>, vector<16xf32>,
        %parallel_loop3A_530 = arith.constant 560 : i32
        %parallel_loop3A_531 = vector.broadcast %parallel_loop3A_530 : i32 to vector<16xi32>
        %parallel_loop3A_532 = arith.addi %iota3A, %parallel_loop3A_531 : vector<16xi32>
        %parallel_loop3A_533 = tpu.vector_load_idx %arg6[%parallel_loop3A_281, %parallel_loop3A_532] : memref<4x1024xf32, #tpu.memory_space<vmem>>[vector<16xi32>, vector<16xi32>], vector<16xf32>,
        %parallel_loop3A_534 = arith.index_cast %parallel_loop3A_284 : i32 to index
        %parallel_loop3A_535 = arith.constant 560 : index
        %parallel_loop3A_536 = tpu.vector_load %arg8[%parallel_loop3A_534, %parallel_loop3A_535] {strides = array<i32>} : memref<32x1024xf32, #tpu.memory_space<vmem>>, vector<16xf32>,
        tpu.vector_store %arg8[%parallel_loop3A_534, %parallel_loop3A_535], %parallel_loop3A_533 {strides = array<i32>} : memref<32x1024xf32, #tpu.memory_space<vmem>>, vector<16xf32>,
        %parallel_loop3A_537 = arith.constant 576 : i32
        %parallel_loop3A_538 = vector.broadcast %parallel_loop3A_537 : i32 to vector<16xi32>
        %parallel_loop3A_539 = arith.addi %iota3A, %parallel_loop3A_538 : vector<16xi32>
        %parallel_loop3A_540 = tpu.vector_load_idx %arg6[%parallel_loop3A_281, %parallel_loop3A_539] : memref<4x1024xf32, #tpu.memory_space<vmem>>[vector<16xi32>, vector<16xi32>], vector<16xf32>,
        %parallel_loop3A_541 = arith.index_cast %parallel_loop3A_284 : i32 to index
        %parallel_loop3A_542 = arith.constant 576 : index
        %parallel_loop3A_543 = tpu.vector_load %arg8[%parallel_loop3A_541, %parallel_loop3A_542] {strides = array<i32>} : memref<32x1024xf32, #tpu.memory_space<vmem>>, vector<16xf32>,
        tpu.vector_store %arg8[%parallel_loop3A_541, %parallel_loop3A_542], %parallel_loop3A_540 {strides = array<i32>} : memref<32x1024xf32, #tpu.memory_space<vmem>>, vector<16xf32>,
        %parallel_loop3A_544 = arith.constant 592 : i32
        %parallel_loop3A_545 = vector.broadcast %parallel_loop3A_544 : i32 to vector<16xi32>
        %parallel_loop3A_546 = arith.addi %iota3A, %parallel_loop3A_545 : vector<16xi32>
        %parallel_loop3A_547 = tpu.vector_load_idx %arg6[%parallel_loop3A_281, %parallel_loop3A_546] : memref<4x1024xf32, #tpu.memory_space<vmem>>[vector<16xi32>, vector<16xi32>], vector<16xf32>,
        %parallel_loop3A_548 = arith.index_cast %parallel_loop3A_284 : i32 to index
        %parallel_loop3A_549 = arith.constant 592 : index
        %parallel_loop3A_550 = tpu.vector_load %arg8[%parallel_loop3A_548, %parallel_loop3A_549] {strides = array<i32>} : memref<32x1024xf32, #tpu.memory_space<vmem>>, vector<16xf32>,
        tpu.vector_store %arg8[%parallel_loop3A_548, %parallel_loop3A_549], %parallel_loop3A_547 {strides = array<i32>} : memref<32x1024xf32, #tpu.memory_space<vmem>>, vector<16xf32>,
        %parallel_loop3A_551 = arith.constant 608 : i32
        %parallel_loop3A_552 = vector.broadcast %parallel_loop3A_551 : i32 to vector<16xi32>
        %parallel_loop3A_553 = arith.addi %iota3A, %parallel_loop3A_552 : vector<16xi32>
        %parallel_loop3A_554 = tpu.vector_load_idx %arg6[%parallel_loop3A_281, %parallel_loop3A_553] : memref<4x1024xf32, #tpu.memory_space<vmem>>[vector<16xi32>, vector<16xi32>], vector<16xf32>,
        %parallel_loop3A_555 = arith.index_cast %parallel_loop3A_284 : i32 to index
        %parallel_loop3A_556 = arith.constant 608 : index
        %parallel_loop3A_557 = tpu.vector_load %arg8[%parallel_loop3A_555, %parallel_loop3A_556] {strides = array<i32>} : memref<32x1024xf32, #tpu.memory_space<vmem>>, vector<16xf32>,
        tpu.vector_store %arg8[%parallel_loop3A_555, %parallel_loop3A_556], %parallel_loop3A_554 {strides = array<i32>} : memref<32x1024xf32, #tpu.memory_space<vmem>>, vector<16xf32>,
        %parallel_loop3A_558 = arith.constant 624 : i32
        %parallel_loop3A_559 = vector.broadcast %parallel_loop3A_558 : i32 to vector<16xi32>
        %parallel_loop3A_560 = arith.addi %iota3A, %parallel_loop3A_559 : vector<16xi32>
        %parallel_loop3A_561 = tpu.vector_load_idx %arg6[%parallel_loop3A_281, %parallel_loop3A_560] : memref<4x1024xf32, #tpu.memory_space<vmem>>[vector<16xi32>, vector<16xi32>], vector<16xf32>,
        %parallel_loop3A_562 = arith.index_cast %parallel_loop3A_284 : i32 to index
        %parallel_loop3A_563 = arith.constant 624 : index
        %parallel_loop3A_564 = tpu.vector_load %arg8[%parallel_loop3A_562, %parallel_loop3A_563] {strides = array<i32>} : memref<32x1024xf32, #tpu.memory_space<vmem>>, vector<16xf32>,
        tpu.vector_store %arg8[%parallel_loop3A_562, %parallel_loop3A_563], %parallel_loop3A_561 {strides = array<i32>} : memref<32x1024xf32, #tpu.memory_space<vmem>>, vector<16xf32>,
        %parallel_loop3A_565 = arith.constant 640 : i32
        %parallel_loop3A_566 = vector.broadcast %parallel_loop3A_565 : i32 to vector<16xi32>
        %parallel_loop3A_567 = arith.addi %iota3A, %parallel_loop3A_566 : vector<16xi32>
        %parallel_loop3A_568 = tpu.vector_load_idx %arg6[%parallel_loop3A_281, %parallel_loop3A_567] : memref<4x1024xf32, #tpu.memory_space<vmem>>[vector<16xi32>, vector<16xi32>], vector<16xf32>,
        %parallel_loop3A_569 = arith.index_cast %parallel_loop3A_284 : i32 to index
        %parallel_loop3A_570 = arith.constant 640 : index
        %parallel_loop3A_571 = tpu.vector_load %arg8[%parallel_loop3A_569, %parallel_loop3A_570] {strides = array<i32>} : memref<32x1024xf32, #tpu.memory_space<vmem>>, vector<16xf32>,
        tpu.vector_store %arg8[%parallel_loop3A_569, %parallel_loop3A_570], %parallel_loop3A_568 {strides = array<i32>} : memref<32x1024xf32, #tpu.memory_space<vmem>>, vector<16xf32>,
        %parallel_loop3A_572 = arith.constant 656 : i32
        %parallel_loop3A_573 = vector.broadcast %parallel_loop3A_572 : i32 to vector<16xi32>
        %parallel_loop3A_574 = arith.addi %iota3A, %parallel_loop3A_573 : vector<16xi32>
        %parallel_loop3A_575 = tpu.vector_load_idx %arg6[%parallel_loop3A_281, %parallel_loop3A_574] : memref<4x1024xf32, #tpu.memory_space<vmem>>[vector<16xi32>, vector<16xi32>], vector<16xf32>,
        %parallel_loop3A_576 = arith.index_cast %parallel_loop3A_284 : i32 to index
        %parallel_loop3A_577 = arith.constant 656 : index
        %parallel_loop3A_578 = tpu.vector_load %arg8[%parallel_loop3A_576, %parallel_loop3A_577] {strides = array<i32>} : memref<32x1024xf32, #tpu.memory_space<vmem>>, vector<16xf32>,
        tpu.vector_store %arg8[%parallel_loop3A_576, %parallel_loop3A_577], %parallel_loop3A_575 {strides = array<i32>} : memref<32x1024xf32, #tpu.memory_space<vmem>>, vector<16xf32>,
        %parallel_loop3A_579 = arith.constant 672 : i32
        %parallel_loop3A_580 = vector.broadcast %parallel_loop3A_579 : i32 to vector<16xi32>
        %parallel_loop3A_581 = arith.addi %iota3A, %parallel_loop3A_580 : vector<16xi32>
        %parallel_loop3A_582 = tpu.vector_load_idx %arg6[%parallel_loop3A_281, %parallel_loop3A_581] : memref<4x1024xf32, #tpu.memory_space<vmem>>[vector<16xi32>, vector<16xi32>], vector<16xf32>,
        %parallel_loop3A_583 = arith.index_cast %parallel_loop3A_284 : i32 to index
        %parallel_loop3A_584 = arith.constant 672 : index
        %parallel_loop3A_585 = tpu.vector_load %arg8[%parallel_loop3A_583, %parallel_loop3A_584] {strides = array<i32>} : memref<32x1024xf32, #tpu.memory_space<vmem>>, vector<16xf32>,
        tpu.vector_store %arg8[%parallel_loop3A_583, %parallel_loop3A_584], %parallel_loop3A_582 {strides = array<i32>} : memref<32x1024xf32, #tpu.memory_space<vmem>>, vector<16xf32>,
        %parallel_loop3A_586 = arith.constant 688 : i32
        %parallel_loop3A_587 = vector.broadcast %parallel_loop3A_586 : i32 to vector<16xi32>
        %parallel_loop3A_588 = arith.addi %iota3A, %parallel_loop3A_587 : vector<16xi32>
        %parallel_loop3A_589 = tpu.vector_load_idx %arg6[%parallel_loop3A_281, %parallel_loop3A_588] : memref<4x1024xf32, #tpu.memory_space<vmem>>[vector<16xi32>, vector<16xi32>], vector<16xf32>,
        %parallel_loop3A_590 = arith.index_cast %parallel_loop3A_284 : i32 to index
        %parallel_loop3A_591 = arith.constant 688 : index
        %parallel_loop3A_592 = tpu.vector_load %arg8[%parallel_loop3A_590, %parallel_loop3A_591] {strides = array<i32>} : memref<32x1024xf32, #tpu.memory_space<vmem>>, vector<16xf32>,
        tpu.vector_store %arg8[%parallel_loop3A_590, %parallel_loop3A_591], %parallel_loop3A_589 {strides = array<i32>} : memref<32x1024xf32, #tpu.memory_space<vmem>>, vector<16xf32>,
        %parallel_loop3A_593 = arith.constant 704 : i32
        %parallel_loop3A_594 = vector.broadcast %parallel_loop3A_593 : i32 to vector<16xi32>
        %parallel_loop3A_595 = arith.addi %iota3A, %parallel_loop3A_594 : vector<16xi32>
        %parallel_loop3A_596 = tpu.vector_load_idx %arg6[%parallel_loop3A_281, %parallel_loop3A_595] : memref<4x1024xf32, #tpu.memory_space<vmem>>[vector<16xi32>, vector<16xi32>], vector<16xf32>,
        %parallel_loop3A_597 = arith.index_cast %parallel_loop3A_284 : i32 to index
        %parallel_loop3A_598 = arith.constant 704 : index
        %parallel_loop3A_599 = tpu.vector_load %arg8[%parallel_loop3A_597, %parallel_loop3A_598] {strides = array<i32>} : memref<32x1024xf32, #tpu.memory_space<vmem>>, vector<16xf32>,
        tpu.vector_store %arg8[%parallel_loop3A_597, %parallel_loop3A_598], %parallel_loop3A_596 {strides = array<i32>} : memref<32x1024xf32, #tpu.memory_space<vmem>>, vector<16xf32>,
        %parallel_loop3A_600 = arith.constant 720 : i32
        %parallel_loop3A_601 = vector.broadcast %parallel_loop3A_600 : i32 to vector<16xi32>
        %parallel_loop3A_602 = arith.addi %iota3A, %parallel_loop3A_601 : vector<16xi32>
        %parallel_loop3A_603 = tpu.vector_load_idx %arg6[%parallel_loop3A_281, %parallel_loop3A_602] : memref<4x1024xf32, #tpu.memory_space<vmem>>[vector<16xi32>, vector<16xi32>], vector<16xf32>,
        %parallel_loop3A_604 = arith.index_cast %parallel_loop3A_284 : i32 to index
        %parallel_loop3A_605 = arith.constant 720 : index
        %parallel_loop3A_606 = tpu.vector_load %arg8[%parallel_loop3A_604, %parallel_loop3A_605] {strides = array<i32>} : memref<32x1024xf32, #tpu.memory_space<vmem>>, vector<16xf32>,
        tpu.vector_store %arg8[%parallel_loop3A_604, %parallel_loop3A_605], %parallel_loop3A_603 {strides = array<i32>} : memref<32x1024xf32, #tpu.memory_space<vmem>>, vector<16xf32>,
        %parallel_loop3A_607 = arith.constant 736 : i32
        %parallel_loop3A_608 = vector.broadcast %parallel_loop3A_607 : i32 to vector<16xi32>
        %parallel_loop3A_609 = arith.addi %iota3A, %parallel_loop3A_608 : vector<16xi32>
        %parallel_loop3A_610 = tpu.vector_load_idx %arg6[%parallel_loop3A_281, %parallel_loop3A_609] : memref<4x1024xf32, #tpu.memory_space<vmem>>[vector<16xi32>, vector<16xi32>], vector<16xf32>,
        %parallel_loop3A_611 = arith.index_cast %parallel_loop3A_284 : i32 to index
        %parallel_loop3A_612 = arith.constant 736 : index
        %parallel_loop3A_613 = tpu.vector_load %arg8[%parallel_loop3A_611, %parallel_loop3A_612] {strides = array<i32>} : memref<32x1024xf32, #tpu.memory_space<vmem>>, vector<16xf32>,
        tpu.vector_store %arg8[%parallel_loop3A_611, %parallel_loop3A_612], %parallel_loop3A_610 {strides = array<i32>} : memref<32x1024xf32, #tpu.memory_space<vmem>>, vector<16xf32>,
        %parallel_loop3A_614 = arith.constant 752 : i32
        %parallel_loop3A_615 = vector.broadcast %parallel_loop3A_614 : i32 to vector<16xi32>
        %parallel_loop3A_616 = arith.addi %iota3A, %parallel_loop3A_615 : vector<16xi32>
        %parallel_loop3A_617 = tpu.vector_load_idx %arg6[%parallel_loop3A_281, %parallel_loop3A_616] : memref<4x1024xf32, #tpu.memory_space<vmem>>[vector<16xi32>, vector<16xi32>], vector<16xf32>,
        %parallel_loop3A_618 = arith.index_cast %parallel_loop3A_284 : i32 to index
        %parallel_loop3A_619 = arith.constant 752 : index
        %parallel_loop3A_620 = tpu.vector_load %arg8[%parallel_loop3A_618, %parallel_loop3A_619] {strides = array<i32>} : memref<32x1024xf32, #tpu.memory_space<vmem>>, vector<16xf32>,
        tpu.vector_store %arg8[%parallel_loop3A_618, %parallel_loop3A_619], %parallel_loop3A_617 {strides = array<i32>} : memref<32x1024xf32, #tpu.memory_space<vmem>>, vector<16xf32>,
        %parallel_loop3A_621 = arith.constant 768 : i32
        %parallel_loop3A_622 = vector.broadcast %parallel_loop3A_621 : i32 to vector<16xi32>
        %parallel_loop3A_623 = arith.addi %iota3A, %parallel_loop3A_622 : vector<16xi32>
        %parallel_loop3A_624 = tpu.vector_load_idx %arg6[%parallel_loop3A_281, %parallel_loop3A_623] : memref<4x1024xf32, #tpu.memory_space<vmem>>[vector<16xi32>, vector<16xi32>], vector<16xf32>,
        %parallel_loop3A_625 = arith.index_cast %parallel_loop3A_284 : i32 to index
        %parallel_loop3A_626 = arith.constant 768 : index
        %parallel_loop3A_627 = tpu.vector_load %arg8[%parallel_loop3A_625, %parallel_loop3A_626] {strides = array<i32>} : memref<32x1024xf32, #tpu.memory_space<vmem>>, vector<16xf32>,
        tpu.vector_store %arg8[%parallel_loop3A_625, %parallel_loop3A_626], %parallel_loop3A_624 {strides = array<i32>} : memref<32x1024xf32, #tpu.memory_space<vmem>>, vector<16xf32>,
        %parallel_loop3A_628 = arith.constant 784 : i32
        %parallel_loop3A_629 = vector.broadcast %parallel_loop3A_628 : i32 to vector<16xi32>
        %parallel_loop3A_630 = arith.addi %iota3A, %parallel_loop3A_629 : vector<16xi32>
        %parallel_loop3A_631 = tpu.vector_load_idx %arg6[%parallel_loop3A_281, %parallel_loop3A_630] : memref<4x1024xf32, #tpu.memory_space<vmem>>[vector<16xi32>, vector<16xi32>], vector<16xf32>,
        %parallel_loop3A_632 = arith.index_cast %parallel_loop3A_284 : i32 to index
        %parallel_loop3A_633 = arith.constant 784 : index
        %parallel_loop3A_634 = tpu.vector_load %arg8[%parallel_loop3A_632, %parallel_loop3A_633] {strides = array<i32>} : memref<32x1024xf32, #tpu.memory_space<vmem>>, vector<16xf32>,
        tpu.vector_store %arg8[%parallel_loop3A_632, %parallel_loop3A_633], %parallel_loop3A_631 {strides = array<i32>} : memref<32x1024xf32, #tpu.memory_space<vmem>>, vector<16xf32>,
        %parallel_loop3A_635 = arith.constant 800 : i32
        %parallel_loop3A_636 = vector.broadcast %parallel_loop3A_635 : i32 to vector<16xi32>
        %parallel_loop3A_637 = arith.addi %iota3A, %parallel_loop3A_636 : vector<16xi32>
        %parallel_loop3A_638 = tpu.vector_load_idx %arg6[%parallel_loop3A_281, %parallel_loop3A_637] : memref<4x1024xf32, #tpu.memory_space<vmem>>[vector<16xi32>, vector<16xi32>], vector<16xf32>,
        %parallel_loop3A_639 = arith.index_cast %parallel_loop3A_284 : i32 to index
        %parallel_loop3A_640 = arith.constant 800 : index
        %parallel_loop3A_641 = tpu.vector_load %arg8[%parallel_loop3A_639, %parallel_loop3A_640] {strides = array<i32>} : memref<32x1024xf32, #tpu.memory_space<vmem>>, vector<16xf32>,
        tpu.vector_store %arg8[%parallel_loop3A_639, %parallel_loop3A_640], %parallel_loop3A_638 {strides = array<i32>} : memref<32x1024xf32, #tpu.memory_space<vmem>>, vector<16xf32>,
        %parallel_loop3A_642 = arith.constant 816 : i32
        %parallel_loop3A_643 = vector.broadcast %parallel_loop3A_642 : i32 to vector<16xi32>
        %parallel_loop3A_644 = arith.addi %iota3A, %parallel_loop3A_643 : vector<16xi32>
        %parallel_loop3A_645 = tpu.vector_load_idx %arg6[%parallel_loop3A_281, %parallel_loop3A_644] : memref<4x1024xf32, #tpu.memory_space<vmem>>[vector<16xi32>, vector<16xi32>], vector<16xf32>,
        %parallel_loop3A_646 = arith.index_cast %parallel_loop3A_284 : i32 to index
        %parallel_loop3A_647 = arith.constant 816 : index
        %parallel_loop3A_648 = tpu.vector_load %arg8[%parallel_loop3A_646, %parallel_loop3A_647] {strides = array<i32>} : memref<32x1024xf32, #tpu.memory_space<vmem>>, vector<16xf32>,
        tpu.vector_store %arg8[%parallel_loop3A_646, %parallel_loop3A_647], %parallel_loop3A_645 {strides = array<i32>} : memref<32x1024xf32, #tpu.memory_space<vmem>>, vector<16xf32>,
        %parallel_loop3A_649 = arith.constant 832 : i32
        %parallel_loop3A_650 = vector.broadcast %parallel_loop3A_649 : i32 to vector<16xi32>
        %parallel_loop3A_651 = arith.addi %iota3A, %parallel_loop3A_650 : vector<16xi32>
        %parallel_loop3A_652 = tpu.vector_load_idx %arg6[%parallel_loop3A_281, %parallel_loop3A_651] : memref<4x1024xf32, #tpu.memory_space<vmem>>[vector<16xi32>, vector<16xi32>], vector<16xf32>,
        %parallel_loop3A_653 = arith.index_cast %parallel_loop3A_284 : i32 to index
        %parallel_loop3A_654 = arith.constant 832 : index
        %parallel_loop3A_655 = tpu.vector_load %arg8[%parallel_loop3A_653, %parallel_loop3A_654] {strides = array<i32>} : memref<32x1024xf32, #tpu.memory_space<vmem>>, vector<16xf32>,
        tpu.vector_store %arg8[%parallel_loop3A_653, %parallel_loop3A_654], %parallel_loop3A_652 {strides = array<i32>} : memref<32x1024xf32, #tpu.memory_space<vmem>>, vector<16xf32>,
        %parallel_loop3A_656 = arith.constant 848 : i32
        %parallel_loop3A_657 = vector.broadcast %parallel_loop3A_656 : i32 to vector<16xi32>
        %parallel_loop3A_658 = arith.addi %iota3A, %parallel_loop3A_657 : vector<16xi32>
        %parallel_loop3A_659 = tpu.vector_load_idx %arg6[%parallel_loop3A_281, %parallel_loop3A_658] : memref<4x1024xf32, #tpu.memory_space<vmem>>[vector<16xi32>, vector<16xi32>], vector<16xf32>,
        %parallel_loop3A_660 = arith.index_cast %parallel_loop3A_284 : i32 to index
        %parallel_loop3A_661 = arith.constant 848 : index
        %parallel_loop3A_662 = tpu.vector_load %arg8[%parallel_loop3A_660, %parallel_loop3A_661] {strides = array<i32>} : memref<32x1024xf32, #tpu.memory_space<vmem>>, vector<16xf32>,
        tpu.vector_store %arg8[%parallel_loop3A_660, %parallel_loop3A_661], %parallel_loop3A_659 {strides = array<i32>} : memref<32x1024xf32, #tpu.memory_space<vmem>>, vector<16xf32>,
        %parallel_loop3A_663 = arith.constant 864 : i32
        %parallel_loop3A_664 = vector.broadcast %parallel_loop3A_663 : i32 to vector<16xi32>
        %parallel_loop3A_665 = arith.addi %iota3A, %parallel_loop3A_664 : vector<16xi32>
        %parallel_loop3A_666 = tpu.vector_load_idx %arg6[%parallel_loop3A_281, %parallel_loop3A_665] : memref<4x1024xf32, #tpu.memory_space<vmem>>[vector<16xi32>, vector<16xi32>], vector<16xf32>,
        %parallel_loop3A_667 = arith.index_cast %parallel_loop3A_284 : i32 to index
        %parallel_loop3A_668 = arith.constant 864 : index
        %parallel_loop3A_669 = tpu.vector_load %arg8[%parallel_loop3A_667, %parallel_loop3A_668] {strides = array<i32>} : memref<32x1024xf32, #tpu.memory_space<vmem>>, vector<16xf32>,
        tpu.vector_store %arg8[%parallel_loop3A_667, %parallel_loop3A_668], %parallel_loop3A_666 {strides = array<i32>} : memref<32x1024xf32, #tpu.memory_space<vmem>>, vector<16xf32>,
        %parallel_loop3A_670 = arith.constant 880 : i32
        %parallel_loop3A_671 = vector.broadcast %parallel_loop3A_670 : i32 to vector<16xi32>
        %parallel_loop3A_672 = arith.addi %iota3A, %parallel_loop3A_671 : vector<16xi32>
        %parallel_loop3A_673 = tpu.vector_load_idx %arg6[%parallel_loop3A_281, %parallel_loop3A_672] : memref<4x1024xf32, #tpu.memory_space<vmem>>[vector<16xi32>, vector<16xi32>], vector<16xf32>,
        %parallel_loop3A_674 = arith.index_cast %parallel_loop3A_284 : i32 to index
        %parallel_loop3A_675 = arith.constant 880 : index
        %parallel_loop3A_676 = tpu.vector_load %arg8[%parallel_loop3A_674, %parallel_loop3A_675] {strides = array<i32>} : memref<32x1024xf32, #tpu.memory_space<vmem>>, vector<16xf32>,
        tpu.vector_store %arg8[%parallel_loop3A_674, %parallel_loop3A_675], %parallel_loop3A_673 {strides = array<i32>} : memref<32x1024xf32, #tpu.memory_space<vmem>>, vector<16xf32>,
        %parallel_loop3A_677 = arith.constant 896 : i32
        %parallel_loop3A_678 = vector.broadcast %parallel_loop3A_677 : i32 to vector<16xi32>
        %parallel_loop3A_679 = arith.addi %iota3A, %parallel_loop3A_678 : vector<16xi32>
        %parallel_loop3A_680 = tpu.vector_load_idx %arg6[%parallel_loop3A_281, %parallel_loop3A_679] : memref<4x1024xf32, #tpu.memory_space<vmem>>[vector<16xi32>, vector<16xi32>], vector<16xf32>,
        %parallel_loop3A_681 = arith.index_cast %parallel_loop3A_284 : i32 to index
        %parallel_loop3A_682 = arith.constant 896 : index
        %parallel_loop3A_683 = tpu.vector_load %arg8[%parallel_loop3A_681, %parallel_loop3A_682] {strides = array<i32>} : memref<32x1024xf32, #tpu.memory_space<vmem>>, vector<16xf32>,
        tpu.vector_store %arg8[%parallel_loop3A_681, %parallel_loop3A_682], %parallel_loop3A_680 {strides = array<i32>} : memref<32x1024xf32, #tpu.memory_space<vmem>>, vector<16xf32>,
        %parallel_loop3A_684 = arith.constant 912 : i32
        %parallel_loop3A_685 = vector.broadcast %parallel_loop3A_684 : i32 to vector<16xi32>
        %parallel_loop3A_686 = arith.addi %iota3A, %parallel_loop3A_685 : vector<16xi32>
        %parallel_loop3A_687 = tpu.vector_load_idx %arg6[%parallel_loop3A_281, %parallel_loop3A_686] : memref<4x1024xf32, #tpu.memory_space<vmem>>[vector<16xi32>, vector<16xi32>], vector<16xf32>,
        %parallel_loop3A_688 = arith.index_cast %parallel_loop3A_284 : i32 to index
        %parallel_loop3A_689 = arith.constant 912 : index
        %parallel_loop3A_690 = tpu.vector_load %arg8[%parallel_loop3A_688, %parallel_loop3A_689] {strides = array<i32>} : memref<32x1024xf32, #tpu.memory_space<vmem>>, vector<16xf32>,
        tpu.vector_store %arg8[%parallel_loop3A_688, %parallel_loop3A_689], %parallel_loop3A_687 {strides = array<i32>} : memref<32x1024xf32, #tpu.memory_space<vmem>>, vector<16xf32>,
        %parallel_loop3A_691 = arith.constant 928 : i32
        %parallel_loop3A_692 = vector.broadcast %parallel_loop3A_691 : i32 to vector<16xi32>
        %parallel_loop3A_693 = arith.addi %iota3A, %parallel_loop3A_692 : vector<16xi32>
        %parallel_loop3A_694 = tpu.vector_load_idx %arg6[%parallel_loop3A_281, %parallel_loop3A_693] : memref<4x1024xf32, #tpu.memory_space<vmem>>[vector<16xi32>, vector<16xi32>], vector<16xf32>,
        %parallel_loop3A_695 = arith.index_cast %parallel_loop3A_284 : i32 to index
        %parallel_loop3A_696 = arith.constant 928 : index
        %parallel_loop3A_697 = tpu.vector_load %arg8[%parallel_loop3A_695, %parallel_loop3A_696] {strides = array<i32>} : memref<32x1024xf32, #tpu.memory_space<vmem>>, vector<16xf32>,
        tpu.vector_store %arg8[%parallel_loop3A_695, %parallel_loop3A_696], %parallel_loop3A_694 {strides = array<i32>} : memref<32x1024xf32, #tpu.memory_space<vmem>>, vector<16xf32>,
        %parallel_loop3A_698 = arith.constant 944 : i32
        %parallel_loop3A_699 = vector.broadcast %parallel_loop3A_698 : i32 to vector<16xi32>
        %parallel_loop3A_700 = arith.addi %iota3A, %parallel_loop3A_699 : vector<16xi32>
        %parallel_loop3A_701 = tpu.vector_load_idx %arg6[%parallel_loop3A_281, %parallel_loop3A_700] : memref<4x1024xf32, #tpu.memory_space<vmem>>[vector<16xi32>, vector<16xi32>], vector<16xf32>,
        %parallel_loop3A_702 = arith.index_cast %parallel_loop3A_284 : i32 to index
        %parallel_loop3A_703 = arith.constant 944 : index
        %parallel_loop3A_704 = tpu.vector_load %arg8[%parallel_loop3A_702, %parallel_loop3A_703] {strides = array<i32>} : memref<32x1024xf32, #tpu.memory_space<vmem>>, vector<16xf32>,
        tpu.vector_store %arg8[%parallel_loop3A_702, %parallel_loop3A_703], %parallel_loop3A_701 {strides = array<i32>} : memref<32x1024xf32, #tpu.memory_space<vmem>>, vector<16xf32>,
        %parallel_loop3A_705 = arith.constant 960 : i32
        %parallel_loop3A_706 = vector.broadcast %parallel_loop3A_705 : i32 to vector<16xi32>
        %parallel_loop3A_707 = arith.addi %iota3A, %parallel_loop3A_706 : vector<16xi32>
        %parallel_loop3A_708 = tpu.vector_load_idx %arg6[%parallel_loop3A_281, %parallel_loop3A_707] : memref<4x1024xf32, #tpu.memory_space<vmem>>[vector<16xi32>, vector<16xi32>], vector<16xf32>,
        %parallel_loop3A_709 = arith.index_cast %parallel_loop3A_284 : i32 to index
        %parallel_loop3A_710 = arith.constant 960 : index
        %parallel_loop3A_711 = tpu.vector_load %arg8[%parallel_loop3A_709, %parallel_loop3A_710] {strides = array<i32>} : memref<32x1024xf32, #tpu.memory_space<vmem>>, vector<16xf32>,
        tpu.vector_store %arg8[%parallel_loop3A_709, %parallel_loop3A_710], %parallel_loop3A_708 {strides = array<i32>} : memref<32x1024xf32, #tpu.memory_space<vmem>>, vector<16xf32>,
        %parallel_loop3A_712 = arith.constant 976 : i32
        %parallel_loop3A_713 = vector.broadcast %parallel_loop3A_712 : i32 to vector<16xi32>
        %parallel_loop3A_714 = arith.addi %iota3A, %parallel_loop3A_713 : vector<16xi32>
        %parallel_loop3A_715 = tpu.vector_load_idx %arg6[%parallel_loop3A_281, %parallel_loop3A_714] : memref<4x1024xf32, #tpu.memory_space<vmem>>[vector<16xi32>, vector<16xi32>], vector<16xf32>,
        %parallel_loop3A_716 = arith.index_cast %parallel_loop3A_284 : i32 to index
        %parallel_loop3A_717 = arith.constant 976 : index
        %parallel_loop3A_718 = tpu.vector_load %arg8[%parallel_loop3A_716, %parallel_loop3A_717] {strides = array<i32>} : memref<32x1024xf32, #tpu.memory_space<vmem>>, vector<16xf32>,
        tpu.vector_store %arg8[%parallel_loop3A_716, %parallel_loop3A_717], %parallel_loop3A_715 {strides = array<i32>} : memref<32x1024xf32, #tpu.memory_space<vmem>>, vector<16xf32>,
        %parallel_loop3A_719 = arith.constant 992 : i32
        %parallel_loop3A_720 = vector.broadcast %parallel_loop3A_719 : i32 to vector<16xi32>
        %parallel_loop3A_721 = arith.addi %iota3A, %parallel_loop3A_720 : vector<16xi32>
        %parallel_loop3A_722 = tpu.vector_load_idx %arg6[%parallel_loop3A_281, %parallel_loop3A_721] : memref<4x1024xf32, #tpu.memory_space<vmem>>[vector<16xi32>, vector<16xi32>], vector<16xf32>,
        %parallel_loop3A_723 = arith.index_cast %parallel_loop3A_284 : i32 to index
        %parallel_loop3A_724 = arith.constant 992 : index
        %parallel_loop3A_725 = tpu.vector_load %arg8[%parallel_loop3A_723, %parallel_loop3A_724] {strides = array<i32>} : memref<32x1024xf32, #tpu.memory_space<vmem>>, vector<16xf32>,
        tpu.vector_store %arg8[%parallel_loop3A_723, %parallel_loop3A_724], %parallel_loop3A_722 {strides = array<i32>} : memref<32x1024xf32, #tpu.memory_space<vmem>>, vector<16xf32>,
        %parallel_loop3A_726 = arith.constant 1008 : i32
        %parallel_loop3A_727 = vector.broadcast %parallel_loop3A_726 : i32 to vector<16xi32>
        %parallel_loop3A_728 = arith.addi %iota3A, %parallel_loop3A_727 : vector<16xi32>
        %parallel_loop3A_729 = tpu.vector_load_idx %arg6[%parallel_loop3A_281, %parallel_loop3A_728] : memref<4x1024xf32, #tpu.memory_space<vmem>>[vector<16xi32>, vector<16xi32>], vector<16xf32>,
        %parallel_loop3A_730 = arith.index_cast %parallel_loop3A_284 : i32 to index
        %parallel_loop3A_731 = arith.constant 1008 : index
        %parallel_loop3A_732 = tpu.vector_load %arg8[%parallel_loop3A_730, %parallel_loop3A_731] {strides = array<i32>} : memref<32x1024xf32, #tpu.memory_space<vmem>>, vector<16xf32>,
        tpu.vector_store %arg8[%parallel_loop3A_730, %parallel_loop3A_731], %parallel_loop3A_729 {strides = array<i32>} : memref<32x1024xf32, #tpu.memory_space<vmem>>, vector<16xf32>,
      } {sc.loop_unroll_factor = 1 : i64, sc.parallel_access}
      %eq3A_261 = arith.constant 0 : i32
      %eq3A_262 = arith.cmpi eq, %select_n3A_251, %eq3A_261 : i32
      %convert_element_type3A_263 = arith.extui %eq3A_262 : i1 to i32
      %cond3A_264 = arith.constant 0 : i32
      %cond3A_265 = arith.cmpi ne, %convert_element_type3A_263, %cond3A_264 : i32
      scf.if %cond3A_265 {
        %add3A_271 = arith.constant 512 : i32
        %add3A_272 = arith.addi %mul3A_2, %add3A_271 : i32
        %mul3A_273 = arith.constant 16 : i32
        %mul3A_274 = arith.muli %scan3A_242, %mul3A_273 : i32
        %add3A_275 = arith.addi %add3A_272, %mul3A_274 : i32
        %dma_start3A = arith.constant 0 : i32
        %dma_start3A_276 = arith.constant 0 : i32
        %dma_start3A_277 = tpu.memref_slice %arg8[%dma_start3A, %dma_start3A_276] : memref<32x1024xf32, #tpu.memory_space<vmem>> -> memref<16x1024xf32, #tpu.memory_space<vmem>>
        %dma_start3A_278 = arith.constant 0 : i32
        %dma_start3A_279 = tpu.memref_slice %arg4[%add3A_275, %dma_start3A_278] : memref<32768x1024xf32, #tpu.memory_space<hbm>> -> memref<16x1024xf32, #tpu.memory_space<hbm>>
        %dma_start3A_280 = arith.constant 0 : i32
        %dma_start3A_281 = tpu.memref_slice %arg4[%add3A_275, %dma_start3A_280] : memref<32768x1024xf32, #tpu.memory_space<hbm>> -> memref<16x1024xf32, #tpu.memory_space<hbm>>
        %dma_start3A_282 = arith.constant 0 : i32
        %dma_start3A_283 = arith.constant 0 : i32
        %dma_start3A_284 = tpu.memref_slice %arg8[%dma_start3A_282, %dma_start3A_283] : memref<32x1024xf32, #tpu.memory_space<vmem>> -> memref<16x1024xf32, #tpu.memory_space<vmem>>
        tpu.enqueue_dma source(%dma_start3A_284 : memref<16x1024xf32, #tpu.memory_space<vmem>>) target(%dma_start3A_281 : memref<16x1024xf32, #tpu.memory_space<hbm>>) target_semaphore(%arg13 : memref<!tpu.dma_semaphore, #tpu.memory_space<semaphore_mem>>)
      } else {
      }
      %eq3A_266 = arith.constant 1 : i32
      %eq3A_267 = arith.cmpi eq, %select_n3A_251, %eq3A_266 : i32
      %convert_element_type3A_268 = arith.extui %eq3A_267 : i1 to i32
      %cond3A_269 = arith.constant 0 : i32
      %cond3A_270 = arith.cmpi ne, %convert_element_type3A_268, %cond3A_269 : i32
      scf.if %cond3A_270 {
        %add3A_271 = arith.constant 512 : i32
        %add3A_272 = arith.addi %mul3A_2, %add3A_271 : i32
        %mul3A_273 = arith.constant 16 : i32
        %mul3A_274 = arith.muli %scan3A_242, %mul3A_273 : i32
        %add3A_275 = arith.addi %add3A_272, %mul3A_274 : i32
        %dma_start3A = arith.constant 16 : i32
        %dma_start3A_276 = arith.constant 0 : i32
        %dma_start3A_277 = tpu.memref_slice %arg8[%dma_start3A, %dma_start3A_276] : memref<32x1024xf32, #tpu.memory_space<vmem>> -> memref<16x1024xf32, #tpu.memory_space<vmem>>
        %dma_start3A_278 = arith.constant 0 : i32
        %dma_start3A_279 = tpu.memref_slice %arg4[%add3A_275, %dma_start3A_278] : memref<32768x1024xf32, #tpu.memory_space<hbm>> -> memref<16x1024xf32, #tpu.memory_space<hbm>>
        %dma_start3A_280 = arith.constant 0 : i32
        %dma_start3A_281 = tpu.memref_slice %arg4[%add3A_275, %dma_start3A_280] : memref<32768x1024xf32, #tpu.memory_space<hbm>> -> memref<16x1024xf32, #tpu.memory_space<hbm>>
        %dma_start3A_282 = arith.constant 16 : i32
        %dma_start3A_283 = arith.constant 0 : i32
        %dma_start3A_284 = tpu.memref_slice %arg8[%dma_start3A_282, %dma_start3A_283] : memref<32x1024xf32, #tpu.memory_space<vmem>> -> memref<16x1024xf32, #tpu.memory_space<vmem>>
        tpu.enqueue_dma source(%dma_start3A_284 : memref<16x1024xf32, #tpu.memory_space<vmem>>) target(%dma_start3A_281 : memref<16x1024xf32, #tpu.memory_space<hbm>>) target_semaphore(%arg14 : memref<!tpu.dma_semaphore, #tpu.memory_space<semaphore_mem>>)
      } else {
      }
    }
    %scan3A_199 = arith.constant 32 : i32
    %add3A_200 = arith.constant 512 : i32
    %add3A_201 = arith.addi %mul3A_2, %add3A_200 : i32
    %add3A_202 = arith.constant 480 : i32
    %add3A_203 = arith.addi %add3A_201, %add3A_202 : i32
    %dma_wait3A = arith.constant 0 : i32
    %dma_wait3A_204 = arith.constant 0 : i32
    %dma_wait3A_205 = tpu.memref_slice %arg8[%dma_wait3A, %dma_wait3A_204] : memref<32x1024xf32, #tpu.memory_space<vmem>> -> memref<16x1024xf32, #tpu.memory_space<vmem>>
    %dma_wait3A_206 = arith.constant 0 : i32
    %dma_wait3A_207 = tpu.memref_slice %arg4[%add3A_203, %dma_wait3A_206] : memref<32768x1024xf32, #tpu.memory_space<hbm>> -> memref<16x1024xf32, #tpu.memory_space<hbm>>
    %dma_wait3A_208 = arith.constant 0 : i32
    %dma_wait3A_209 = tpu.memref_slice %arg4[%add3A_203, %dma_wait3A_208] : memref<32768x1024xf32, #tpu.memory_space<hbm>> -> memref<16x1024xf32, #tpu.memory_space<hbm>>
    %dma_wait3A_210 = arith.constant 0 : i32
    %dma_wait3A_211 = arith.constant 0 : i32
    %dma_wait3A_212 = tpu.memref_slice %arg8[%dma_wait3A_210, %dma_wait3A_211] : memref<32x1024xf32, #tpu.memory_space<vmem>> -> memref<16x1024xf32, #tpu.memory_space<vmem>>
    tpu.wait_dma2 semaphore(%arg13 : memref<!tpu.dma_semaphore, #tpu.memory_space<semaphore_mem>>) src(%dma_wait3A_212 : memref<16x1024xf32, #tpu.memory_space<vmem>>) dst(%dma_wait3A_209 : memref<16x1024xf32, #tpu.memory_space<hbm>>)
    %add3A_213 = arith.constant 512 : i32
    %add3A_214 = arith.addi %mul3A_2, %add3A_213 : i32
    %add3A_215 = arith.constant 496 : i32
    %add3A_216 = arith.addi %add3A_214, %add3A_215 : i32
    %dma_wait3A_217 = arith.constant 16 : i32
    %dma_wait3A_218 = arith.constant 0 : i32
    %dma_wait3A_219 = tpu.memref_slice %arg8[%dma_wait3A_217, %dma_wait3A_218] : memref<32x1024xf32, #tpu.memory_space<vmem>> -> memref<16x1024xf32, #tpu.memory_space<vmem>>
    %dma_wait3A_220 = arith.constant 0 : i32
    %dma_wait3A_221 = tpu.memref_slice %arg4[%add3A_216, %dma_wait3A_220] : memref<32768x1024xf32, #tpu.memory_space<hbm>> -> memref<16x1024xf32, #tpu.memory_space<hbm>>
    %dma_wait3A_222 = arith.constant 0 : i32
    %dma_wait3A_223 = tpu.memref_slice %arg4[%add3A_216, %dma_wait3A_222] : memref<32768x1024xf32, #tpu.memory_space<hbm>> -> memref<16x1024xf32, #tpu.memory_space<hbm>>
    %dma_wait3A_224 = arith.constant 16 : i32
    %dma_wait3A_225 = arith.constant 0 : i32
    %dma_wait3A_226 = tpu.memref_slice %arg8[%dma_wait3A_224, %dma_wait3A_225] : memref<32x1024xf32, #tpu.memory_space<vmem>> -> memref<16x1024xf32, #tpu.memory_space<vmem>>
    tpu.wait_dma2 semaphore(%arg14 : memref<!tpu.dma_semaphore, #tpu.memory_space<semaphore_mem>>) src(%dma_wait3A_226 : memref<16x1024xf32, #tpu.memory_space<vmem>>) dst(%dma_wait3A_223 : memref<16x1024xf32, #tpu.memory_space<hbm>>)
    %add3A_227 = arith.constant 480 : i32
    %add3A_228 = arith.addi %mul3A_2, %add3A_227 : i32
    %dma_wait3A_229 = arith.constant 1 : i32
    %dma_wait3A_230 = arith.constant 0 : i32
    %dma_wait3A_231 = arith.constant 0 : i32
    %dma_wait3A_232 = tpu.memref_slice %arg7[%dma_wait3A_229, %dma_wait3A_230, %dma_wait3A_231] : memref<2x32x1024xf32, #tpu.memory_space<vmem>> -> memref<1x32x1024xf32, #tpu.memory_space<vmem>>
    %dma_wait3A_233 = tpu.memref_squeeze %dma_wait3A_232 : memref<1x32x1024xf32, #tpu.memory_space<vmem>> -> memref<32x1024xf32, #tpu.memory_space<vmem>>
    %dma_wait3A_234 = arith.constant 0 : i32
    %dma_wait3A_235 = tpu.memref_slice %arg4[%add3A_228, %dma_wait3A_234] : memref<32768x1024xf32, #tpu.memory_space<hbm>> -> memref<32x1024xf32, #tpu.memory_space<hbm>>
    %dma_wait3A_236 = arith.constant 0 : i32
    %dma_wait3A_237 = tpu.memref_slice %arg4[%add3A_228, %dma_wait3A_236] : memref<32768x1024xf32, #tpu.memory_space<hbm>> -> memref<32x1024xf32, #tpu.memory_space<hbm>>
    %dma_wait3A_238 = arith.constant 0 : i32
    %dma_wait3A_239 = arith.constant 0 : i32
    %dma_wait3A_240 = tpu.memref_slice %arg7[%dma_wait3A_229, %dma_wait3A_238, %dma_wait3A_239] : memref<2x32x1024xf32, #tpu.memory_space<vmem>> -> memref<1x32x1024xf32, #tpu.memory_space<vmem>>
    %dma_wait3A_241 = tpu.memref_squeeze %dma_wait3A_240 : memref<1x32x1024xf32, #tpu.memory_space<vmem>> -> memref<32x1024xf32, #tpu.memory_space<vmem>>
    tpu.wait_dma2 semaphore(%arg12 : memref<!tpu.dma_semaphore, #tpu.memory_space<semaphore_mem>>) src(%dma_wait3A_241 : memref<32x1024xf32, #tpu.memory_space<vmem>>) dst(%dma_wait3A_237 : memref<32x1024xf32, #tpu.memory_space<hbm>>)
    return
  }
}

</mosaic_0001>

<sc_bundles>
// kernel: _sc_lookup.3.cloned.1.call-start
scs
__scs_entry_jumppad:
0x0: {  	(pc) =	sbr.rel $0x88, $3  }
0x1: {  	(tag) =	ssettag $0x0;
	lr =	simm.s32 $0x1  }
0x2: {  	[smem:$0x3F9F] =	sst lr;
	_ =	strace $0xD0000000  }
0x3: {  	_ = 	snop  }
0x4: {  	_ = 	snop  }
0x5: {  	_ = 	snop  }
0x6: {  	_ = 	snop  }
0x7: {  	_ = 	snop  }
__scs_overlays_trampoline_lowered:
0x8: {  	[smem:$0x3FAE] =	sst s0  }
0x9: {  	[smem:$0x3FAF] =	sst s1  }
0xa: {  	[smem:$0x3FB0] =	sst s2  }
0xb: {  	[smem:$0x3FB1] =	sst s3  }
0xc: {  	[smem:$0x3FB2] =	sst s4  }
0xd: {  	[smem:$0x3FB3] =	sst s5  }
0xe: {  	[smem:$0x3FB4] =	sst s6  }
0xf: {  	[smem:$0x3FB5] =	sst s7  }
0x10: {  	[smem:$0x3FB6] =	sst s8  }
0x11: {  	[smem:$0x3FB7] =	sst s9;
	s0 =	simm.s32 @!p0 $0x0  }
0x12: {  	s1 =	sld [smem:$0x3F9D];
	s0 =	simm.s32 @p0 $0x1  }
0x13: {  	[smem:$0x3FB8] =	sst s0;
	s0 =	simm.s32 @!p1 $0x0  }
0x14: {  	s2 =	sld [smem:$0x3F9C];
	s0 =	simm.s32 @p1 $0x1  }
0x15: {  	[smem:$0x3FB9] =	sst s0;
	s0 =	simm.s32 @!p2 $0x0  }
0x16: {  	s3 =	sld [smem:$0x3FDB];
	s0 =	simm.s32 @p2 $0x1  }
0x17: {  	s4 =	simm.s32 $0x1BF5;
	[smem:$0x3FBB] =	sst s0  }
0x18: {  	s0 =	sld [smem:$0x3F9E];
	_ =	swait.ge [sflag:s4], $0x0  }
0x19: {  	s7 =	sld [smem:$0x3F9F]  }
0x1a: {  	s8 =	sadd.s32 $0xFFFFE003, lr  }
0x1b: {  	s9 =	sadd.s32 $0xFFFFFEF7, lr;
	s5 =	simm.s32 $0xFFFFFFFF;
	p2 =	slt.u32 s8, $0xFFFFF086  }
0x1c: {  	p1 =	slt.u32 s9, $0xF7A;
	s5 =	simm.s32 @!p2 $0x0  }
0x1d: {  	s5 =	simm.s32 @p1 $0x1;
	p0 =	seq.s32 s7, s2  }
0x1e: {  	s7 =	smul.u32 @!p0 $0xF7A, s2;
	p2 =	seq.s32 @!p0 s5, $0x0  }
0x1f: {  	s9 =	smul.u32 $0xF7A, s1;
	s8 =	simm.s32 @!p0 $0x1BF5;
	p2 =	por !p2, p0  }
0x20: {  	[sflag:s8] =	ssyncset.s32 @!p0 $0xFFFFF086;
	s6 =	sadd.s32 @!p0 s3, s7;
	s7 =	simm.s32 @!p0 $0x108  }
0x21: {  	s3 =	sadd.s32 s3, s9;
	s6 =	sadd.s32 @!p0 $0x88, s6;
	s7 =	simm.s32 @p2 $0x1082  }
0x22: {  	[simem:s7], [sflag:s8] =	dma.local @!p0 [hbm:s6], $0xF7A  }
0x23: {  	s9 =	sor.u32 $0xD0000000, s2;
	s6 =	simm.s32 $0x108;
	_ =	swait.ge @!p0 [sflag:s8], $0x0  }
0x24: {  	s3 =	sadd.s32 $0x88, s3;
	s6 =	simm.s32 @!p1 $0x1082;
	[sflag:s4] =	ssyncset.s32 $0xFFFFF086  }
0x25: {  	[simem:s6], [sflag:s4] =	dma.local [hbm:s3], $0xF7A  }
0x26: {  	[smem:$0x3F9F] =	sst s1;
	(tag) =	ssettag s2;
	_ =	strace s9  }
0x27: {  	s1 =	sld [smem:$0x3FAF]  }
0x28: {  	s2 =	sld [smem:$0x3FB0]  }
0x29: {  	s4 =	sld [smem:$0x3FB2]  }
0x2a: {  	p0 =	seq.s32 s5, $0x0;
	s5 =	sld [smem:$0x3FB3]  }
0x2b: {  	s6 =	sld [smem:$0x3FB4]  }
0x2c: {  	s7 =	sld [smem:$0x3FB5]  }
0x2d: {  	s3 =	simm.s32 $0x108;
	s8 =	sld [smem:$0x3FB6]  }
0x2e: {  	s3 =	simm.s32 @!p0 $0x1082;
	s9 =	sld [smem:$0x3FB7]  }
0x2f: {  	lr =	sadd.s32 s0, s3;
	s0 =	sld [smem:$0x3FAE]  }
0x30: {  	s3 =	sld [smem:$0x3FB1]  }
0x31: {  	[smem:$0x3FBA] =	sst s10  }
0x32: {  	s10 =	sld [smem:$0x3FB8];
	_ =	sdelay $0x3  }
0x33: {  	p0 =	seq.s32 s10, $0x1;
	s10 =	sld [smem:$0x3FBA];
	_ =	sdelay $0x3  }
0x34: {  	[smem:$0x3FBA] =	sst s10  }
0x35: {  	s10 =	sld [smem:$0x3FB9];
	_ =	sdelay $0x3  }
0x36: {  	p1 =	seq.s32 s10, $0x1;
	s10 =	sld [smem:$0x3FBA];
	_ =	sdelay $0x3  }
0x37: {  	[smem:$0x3FBA] =	sst s10  }
0x38: {  	s10 =	sld [smem:$0x3FBB]  }
0x39: {  	_ = 	snop;
	(pc) =	sbr.ind lr, $3  }
0x3a: {  	_ = 	snop  }
0x3b: {  	_ = 	snop  }
0x3c: {  	p2 =	seq.s32 s10, $0x1;
	s10 =	sld [smem:$0x3FBA]  }
0x3d: {  	_ =	shalt  }
0x3e: {  	_ =	shalt  }
0x3f: {  	_ =	shalt  }
0x40: {  	_ =	shalt  }
0x41: {  	_ =	shalt  }
0x42: {  	_ =	shalt  }
0x43: {  	_ =	shalt  }
0x44: {  	_ =	shalt  }
0x45: {  	_ =	shalt  }
0x46: {  	_ =	shalt  }
0x47: {  	_ =	shalt  }
0x48: {  	_ =	shalt  }
0x49: {  	_ =	shalt  }
0x4a: {  	_ =	shalt  }
0x4b: {  	_ =	shalt  }
0x4c: {  	_ =	shalt  }
0x4d: {  	_ =	shalt  }
0x4e: {  	_ =	shalt  }
0x4f: {  	_ =	shalt  }
0x50: {  	_ =	shalt  }
0x51: {  	_ =	shalt  }
0x52: {  	_ =	shalt  }
0x53: {  	_ =	shalt  }
0x54: {  	_ =	shalt  }
0x55: {  	_ =	shalt  }
0x56: {  	_ =	shalt  }
0x57: {  	_ =	shalt  }
0x58: {  	_ =	shalt  }
0x59: {  	_ =	shalt  }
0x5a: {  	_ =	shalt  }
0x5b: {  	_ =	shalt  }
0x5c: {  	_ =	shalt  }
0x5d: {  	_ =	shalt  }
0x5e: {  	_ =	shalt  }
0x5f: {  	_ =	shalt  }
0x60: {  	_ =	shalt  }
0x61: {  	_ =	shalt  }
0x62: {  	_ =	shalt  }
0x63: {  	_ =	shalt  }
0x64: {  	_ =	shalt  }
0x65: {  	_ =	shalt  }
0x66: {  	_ =	shalt  }
0x67: {  	_ =	shalt  }
0x68: {  	_ =	shalt  }
0x69: {  	_ =	shalt  }
0x6a: {  	_ =	shalt  }
0x6b: {  	_ =	shalt  }
0x6c: {  	_ =	shalt  }
0x6d: {  	_ =	shalt  }
0x6e: {  	_ =	shalt  }
0x6f: {  	_ =	shalt  }
0x70: {  	_ =	shalt  }
0x71: {  	_ =	shalt  }
0x72: {  	_ =	shalt  }
0x73: {  	_ =	shalt  }
0x74: {  	_ =	shalt  }
0x75: {  	_ =	shalt  }
0x76: {  	_ =	shalt  }
0x77: {  	_ =	shalt  }
0x78: {  	_ =	shalt  }
0x79: {  	_ =	shalt  }
0x7a: {  	_ =	shalt  }
0x7b: {  	_ =	shalt  }
0x7c: {  	_ =	shalt  }
0x7d: {  	_ =	shalt  }
0x7e: {  	_ =	shalt  }
0x7f: {  	_ =	shalt  }
0x80: {  	_ =	shalt  }
0x81: {  	_ =	shalt  }
0x82: {  	_ =	shalt  }
0x83: {  	_ =	shalt  }
0x84: {  	_ =	shalt  }
0x85: {  	_ =	shalt  }
0x86: {  	_ =	shalt  }
0x87: {  	_ =	shalt  }
.Lfunc_end0:
.L_simem_size_0:
called_computation_lowered:
.L_overlay_start_0:
0x88: {  	s2 =	sld [smem:$0x3FD9]  }
0x89: {  	s3 =	sld [smem:$0x3FFE];
	_ =	sdelay $0x1  }
0x8a: {  	s1 =	srdreg.scid  }
0x8b: {  	s0 =	sand.u32 $0x1, s1  }
0x8c: {  	s18 =	sshll.u32 s0, $0xA;
	s2 =	sadd.s32 s3, s2  }
0x8d: {  	s2 =	sadd.s32 s2, s18  }
0x8e: {  	[smem:$0x3FC6] =	sst s2  }
0x8f: {  	_ = 	snop  }
0x90: {  	s2 =	sld [smem:$0x3FC9]  }
0x91: {  	s19 =	sld [smem:$0x3FC8]  }
0x92: {  	s4 =	sld [smem:$0x3FD0];
	(tm) =	ssettm $0x1  }
0x93: {  	s5 =	sld [smem:$0x3FFB];
	_ =	sdelay $0x3  }
0x94: {  	_ =	strace s5  }
0x95: {  	s5 =	sld [smem:$0x3FFC];
	_ =	sdelay $0x3  }
0x96: {  	_ =	strace s5  }
0x97: {  	s5 =	sld [smem:$0x3FFD];
	_ =	sdelay $0x3  }
0x98: {  	_ =	strace s5  }
0x99: {  	_ =	strace $0x8FFFFFFF  }
0x9a: {  	s20 =	sld [smem:$0x3FDB];
	_ =	sdelay $0x1  }
0x9b: {  	s6 =	simm.s32 $_scs_section_size  }
0x9c: {  	s7 =	simm.s32 $_size__tile_overlayer_lowered;
	s8 =	simm.s32 $_tile_overlayer_lowered  }
0x9d: {  	s23 =	simm.s32 $0x1BFF;
	s22 =	sshll.u32 s8, $0x1;
	s5 =	sadd.s32 s6, s20  }
0x9e: {  	s9 =	simm.s32 $0x0;
	s21 =	sshll.u32 s7, $0x1;
	s7 =	sadd.s32 s22, s5  }
0x9f: {  	[timem:s9], [sflag:s23] =	dma.local [hbm:s7], s21  }
0xa0: {  	_ =	swait.ge [sflag:s23], s21  }
0xa1: {  	s6 =	ssub.s32 $0x0, s21;
	[sflag:s23] =	ssyncset.done $0x0  }
0xa2: {  	[sflag:s23] =	ssyncadd.s32 s6;
	_ =	sdelay $0x1  }
0xa3: {  	s24 =	simm.s32 $0x1B8B  }
0xa4: {  	_ =	swait.ge [sflag:s24], $0x1  }
0xa5: {  	[sflag:s24] =	ssyncset.done $0x0  }
0xa6: {  	s25 =	simm.s32 $0x1B8E;
	[sflag:s24] =	ssyncadd.s32 $0xFFFFFFFF  }
0xa7: {  	s26 =	simm.s32 $execute0_lowered;
	[smem:$0x3FD2] =	sst s25  }
0xa8: {  	s6 =	sshll.u32 s26, $0x1;
	_ =	strace $0x80000046;
	[dreg:$0x1] =	wrdreg $0xFFFFFFFF  }
0xa9: {  	s28 =	simm.s32 $_size_execute0_lowered;
	s5 =	sadd.s32 s5, s6;
	[dreg:$0x0] =	wrdreg $0x0  }
0xaa: {  	s6 =	sshll.u32 s28, $0x1;
	[dreg:$0x2] =	wrdreg s5  }
0xab: {  	[dreg:$0x3] =	wrdreg s6  }
0xac: {  	[dreg:$0x4] =	wrdreg $0xC0  }
0xad: {  	_ =	task [dreg:s9], $0x5FFFF  }
0xae: {  	[dreg:$0x1] =	wrdreg $0xFFFFFFFF  }
0xaf: {  	[dreg:$0x0] =	wrdreg $0x60  }
0xb0: {  	[dreg:$0x2] =	wrdreg s2  }
0xb1: {  	[dreg:$0x3] =	wrdreg s19  }
0xb2: {  	[dreg:$0x4] =	wrdreg s4  }
0xb3: {  	[dreg:$0x5] =	wrdreg $0x9  }
0xb4: {  	_ =	task.clear_ibuf [dreg:s9], $0x6FFFF;
	_ =	strace $0x90000046  }
0xb5: {  	s29 =	simm.s32 $0x9;
	_ =	strace $0x80000048  }
0xb6: {  	_ =	swait.ge [sflag:s29], $0x1  }
0xb7: {  	[sflag:s29] =	ssyncadd.s32 $0xFFFFFFFF  }
0xb8: {  	_ =	strace $0x90000048  }
0xb9: {  	_ =	sfence  }
0xba: {  	s30 =	sld [smem:$0x0];
	_ =	sdelay $0x2  }
0xbb: {  	s31 =	sshll.u32 s1, $0xD;
	s1 =	sshrl.u32 s1, $0x2  }
0xbc: {  	s3 =	sand.u32 $0x4000, s31;
	s1 =	sadd.s32 s1, s30  }
0xbd: {  	s0 =	sor.u32 s3, s0;
	s1 =	sshll.u32 s1, $0x11  }
0xbe: {  	s0 =	sor.u32 s1, s0  }
0xbf: {  	s0 =	sadd.s32 $0x8F2B, s0  }
0xc0: {  	[sflag:s0] =	ssyncadd.remote.s32 $0x1  }
0xc1: {  	_ =	sfence.sel $0xFFFF  }
0xc2: {  	[dreg:$0x0] =	wrdreg $0xFFFFFFFF;
	(pc) =	sbr.abs _section_cstart, $3  }
0xc3: {  	[dreg:$0x1] =	wrdreg $0xFFFFFFFF  }
0xc4: {  	_ =	task.clear_ibuf [dreg:s9], $0x2FFFF;
	_ =	strace $0x9FFFFFFF  }
0xc5: {  	(tm) =	ssettm $0x7FFFFFFF  }
tec
execute0_lowered:
.L_overlay_start_1:
0x0: {  	(tag) =	ssettag $0x1  }
0x1: {  	s0 =	rddreg [dreg:$0x0];
	s3 =	srdreg.scid  }
0x2: {  	s2 =	rddreg [dreg:$0x1];
	v36 =	vlaneseq.u32;
	s4 =	sand.u32 $0x1, s3;
	s3 =	simm.s32 $0x0  }
0x3: {  	v7 =	vand.u32 $0x7, v36;
	v62 =	vor.u32 $0x8, v36;
	[smem:$0x7FF] =	sst s3  }
0x4: {  	s1 =	rddreg [dreg:$0x2];
	v63 =	vor.u32 $0x8, v7;
	_ =	strace $0x80000047;
	[tilespmem:$0x1FD90] =	vst v62  }
0x5: {  	[tilespmem:$0x1FDA0] =	vst v63  }
0x6: {  	v18 =	vor.u32 $0x650, v36;
	[tilespmem:$0x1FDB0] =	vst v7  }
0x7: {  	v19 =	vor.u32 $0x660, v36;
	[tilespmem:$0x1FDD0] =	vst v18  }
0x8: {  	v24 =	vor.u32 $0x670, v36;
	[tilespmem:$0x1FDE0] =	vst v19  }
0x9: {  	v22 =	vor.u32 $0x800, v36;
	[tilespmem:$0x1FDF0] =	vst v24  }
0xa: {  	v5 =	vor.u32 $0x810, v36;
	[tilespmem:$0x1FE00] =	vst v22  }
0xb: {  	v25 =	vor.u32 $0x820, v36;
	[tilespmem:$0x1FE10] =	vst v5  }
0xc: {  	v28 =	vor.u32 $0x830, v36;
	[tilespmem:$0x1FE20] =	vst v25  }
0xd: {  	v57 =	vor.u32 $0x450, v36;
	[tilespmem:$0x1FE30] =	vst v28  }
0xe: {  	v12 =	vor.u32 $0x460, v36;
	[tilespmem:$0x1FE40] =	vst v57  }
0xf: {  	v56 =	vor.u32 $0x220, v36;
	[tilespmem:$0x1FE50] =	vst v12  }
0x10: {  	v48 =	vor.u32 $0x10, v36;
	[tilespmem:$0x1FE60] =	vst v56  }
0x11: {  	v16 =	vor.u32 $0x20, v36;
	[tilespmem:$0x1FE70] =	vst v48  }
0x12: {  	v17 =	vor.u32 $0x30, v36;
	[tilespmem:$0x1FE80] =	vst v16  }
0x13: {  	v43 =	vor.u32 $0x40, v36;
	[tilespmem:$0x1FE90] =	vst v17  }
0x14: {  	v44 =	vor.u32 $0x50, v36;
	[tilespmem:$0x1FEA0] =	vst v43  }
0x15: {  	v45 =	vor.u32 $0x60, v36;
	[tilespmem:$0x1FEB0] =	vst v44  }
0x16: {  	v46 =	vor.u32 $0x70, v36;
	[tilespmem:$0x1FEC0] =	vst v45  }
0x17: {  	v47 =	vor.u32 $0x210, v36;
	[tilespmem:$0x1FED0] =	vst v46  }
0x18: {  	v23 =	vor.u32 $0x250, v36;
	[tilespmem:$0x1FEE0] =	vst v47  }
0x19: {  	v33 =	vor.u32 $0x260, v36;
	[tilespmem:$0x1FEF0] =	vst v23  }
0x1a: {  	v9 =	vor.u32 $0x270, v36;
	[tilespmem:$0x1FF00] =	vst v33  }
0x1b: {  	v10 =	vor.u32 $0x400, v36;
	[tilespmem:$0x1FF10] =	vst v9  }
0x1c: {  	v39 =	vor.u32 $0x410, v36;
	[tilespmem:$0x1FF20] =	vst v10  }
0x1d: {  	v49 =	vor.u32 $0x420, v36;
	[tilespmem:$0x1FF30] =	vst v39  }
0x1e: {  	v29 =	vor.u32 $0x430, v36;
	[tilespmem:$0x1FF40] =	vst v49  }
0x1f: {  	v26 =	vor.u32 $0x620, v36;
	[tilespmem:$0x1FF50] =	vst v29  }
0x20: {  	v32 =	vor.u32 $0x630, v36;
	[tilespmem:$0x1FF60] =	vst v26  }
0x21: {  	v27 =	vor.u32 $0x840, v36;
	[tilespmem:$0x1FF70] =	vst v32  }
0x22: {  	v20 =	vor.u32 $0x230, v36;
	[tilespmem:$0x1FF80] =	vst v27  }
0x23: {  	v14 =	vor.u32 $0x600, v36;
	[tilespmem:$0x1FFA0] =	vst v20  }
0x24: {  	s6 =	stileid.u32;
	v15 =	vor.u32 $0x610, v36;
	[tilespmem:$0x1FFB0] =	vst v14  }
0x25: {  	s11 =	simm.s32 $0x400;
	s13 =	simm.s32 $0x1400;
	s31 =	simm.s32 $0x2;
	v13 =	vor.u32 $0x470, v36;
	[tilespmem:$0x1FFC0] =	vst v15  }
0x26: {  	s6 =	sshll.u32 s6, $0x1;
	v61 =	vshrl.u32 v36, $0x3;
	s8 =	sadd.s32 $0x300, s2;
	v59 =	vor.u32 $0x440, v36;
	s5 =	ssub.s32 $0x2, s4;
	[tilespmem:$0x1FFD0] =	vst v13  }
0x27: {  	v38 =	vor.u32 $0x640, v36;
	s4 =	sor.u32 s4, s6;
	s6 =	sadd.s32 $0x200, s2;
	v8 =	vmul.u32 $0x8, v61;
	s7 =	sshrl.u32 s5, $0x1;
	[tilespmem:$0x1FFE0] =	vst v59  }
0x28: {  	s28 =	sshll.u32 s4, $0x7;
	s29 =	sshll.u32 s4, $0x2;
	s4 =	sshll.u32 s4, $0x11;
	[tilespmem:$0x1FFF0] =	vst v38  }
0x29: {  	v62 =	vor.u32 $0x850, v36;
	s10 =	ssub.s32 s5, s7;
	s0 =	sadd.s32 s0, s28;
	s5 =	sadd.s32 $0x100, s2;
	[tilespmem:$0x1FDC0] =	vst v8  }
0x2a: {  	v0 =	vmov s29;
	s7 =	sadd.s32 s1, s4;
	[tilespmem:$0x1FF90] =	vst v62;
	[dreg:$0x4] =	wrdreg s0;
	s30 =	smax.u32 s10, $0x1  }
0x2b: {  	vm0 =	vmmov $0xffff;
	v34 =	vor.u32 $0x200, v36;
	v21 =	vor.u32 $0x240, v36;
	s4 =	simm.s32 $0x0;
	[tilespmem:$0x1FD80] =	vst v0;
	s9 =	sadd.s32 $0x10000, s7;
	[dreg:$0x5] =	wrdreg s30  }
.LBB2_1:
0x2c: {  	[dreg:$0x6] =	wrdreg s4;
	s1 =	simm.s32 $0x200;
	s30 =	simm.s32 $0x7  }
0x2d: {  	[tilespmem:s11], [sflag:$0x7] =	stream.strided.gather [hbm4b:s2+s1], $0x1000, s11, s1, $0x38;
	[tilespmem:$0x19400] =	vst v63  }
0x2e: {  	_ =	swait.ge [sflag:s30], $0x1000  }
0x2f: {  	[sflag:s30] =	ssyncset.done $0x0  }
0x30: {  	s0 =	rddreg [dreg:$0x4];
	[sflag:s30] =	ssyncadd.s32 $0xFFFFF000  }
0x31: {  	[tilespmem:s3], [sflag:$0x7] =	stream.linear.gather [hbm4b:s0+s3], $0x400, $0x38;
	[tilespmem:$0x19400] =	vst v63  }
0x32: {  	_ =	swait.ge [sflag:s30], $0x400  }
0x33: {  	[sflag:s30] =	ssyncset.done $0x0  }
0x34: {  	v6 =	vld [tilespmem:$0x1FD80];
	[sflag:s30] =	ssyncadd.s32 $0xFFFFFC00  }
0x35: {  	v0 =	vld [tilespmem:$0x0]  }
0x36: {  	v1 =	vld [tilespmem:$0x10]  }
0x37: {  	v2 =	vld [tilespmem:$0x20]  }
0x38: {  	v3 =	vld [tilespmem:$0x30]  }
0x39: {  	v4 =	vld [tilespmem:$0x40]  }
0x3a: {  	v35 =	vld [tilespmem:$0x50]  }
0x3b: {  	v58 =	vld [tilespmem:$0x60]  }
0x3c: {  	v61 =	vld [tilespmem:$0x70];
	v0 =	vadd.s32 v6, v0  }
0x3d: {  	v41 =	vld [tilespmem:$0xA0];
	v55 =	vadd.s32 v6, v1;
	[tilespmem:$0x0] =	vst v0  }
0x3e: {  	v50 =	vld [tilespmem:$0xB0];
	v60 =	vadd.s32 v6, v2;
	[tilespmem:$0x10] =	vst v55  }
0x3f: {  	v52 =	vld [tilespmem:$0xC0];
	v63 =	vadd.s32 v6, v3;
	[tilespmem:$0x20] =	vst v60  }
0x40: {  	v3 =	vld [tilespmem:$0x80];
	v37 =	vadd.s32 v6, v4;
	[tilespmem:$0x30] =	vst v63  }
0x41: {  	v4 =	vld [tilespmem:$0x90];
	v40 =	vadd.s32 v6, v35;
	[tilespmem:$0x40] =	vst v37  }
0x42: {  	v42 =	vadd.s32 v6, v58;
	v58 =	vld [tilespmem:$0xF0];
	[tilespmem:$0x50] =	vst v40  }
0x43: {  	v51 =	vadd.s32 v6, v61;
	v61 =	vld [tilespmem:$0x100];
	[tilespmem:$0x60] =	vst v42  }
0x44: {  	[tilespmem:$0x70] =	vst v51;
	v55 =	vadd.s32 v6, v41;
	v37 =	vld [tilespmem:$0x110]  }
0x45: {  	v60 =	vadd.s32 v6, v50;
	v50 =	vld [tilespmem:$0x140];
	[tilespmem:$0xA0] =	vst v55  }
0x46: {  	v63 =	vadd.s32 v6, v52;
	[tilespmem:$0xB0] =	vst v60;
	v53 =	vadd.s32 v6, v3;
	v3 =	vld [tilespmem:$0xD0]  }
0x47: {  	[tilespmem:$0xC0] =	vst v63;
	v54 =	vadd.s32 v6, v4;
	v4 =	vld [tilespmem:$0xE0]  }
0x48: {  	v52 =	vld [tilespmem:$0x150];
	[tilespmem:$0x80] =	vst v53  }
0x49: {  	v42 =	vadd.s32 v6, v58;
	v51 =	vadd.s32 v6, v61;
	v61 =	vld [tilespmem:$0x190];
	[tilespmem:$0x90] =	vst v54  }
0x4a: {  	[tilespmem:$0xF0] =	vst v42;
	v54 =	vld [tilespmem:$0x160]  }
0x4b: {  	[tilespmem:$0x100] =	vst v51;
	v53 =	vadd.s32 v6, v37;
	v40 =	vadd.s32 v6, v3;
	v3 =	vld [tilespmem:$0x120]  }
0x4c: {  	v60 =	vadd.s32 v6, v50;
	[tilespmem:$0x110] =	vst v53;
	v41 =	vadd.s32 v6, v4;
	v4 =	vld [tilespmem:$0x130]  }
0x4d: {  	v63 =	vadd.s32 v6, v52;
	v37 =	vld [tilespmem:$0x1A0];
	[tilespmem:$0x140] =	vst v60  }
0x4e: {  	v52 =	vld [tilespmem:$0x1E0];
	[tilespmem:$0x150] =	vst v63  }
0x4f: {  	[tilespmem:$0xE0] =	vst v41;
	v41 =	vld [tilespmem:$0x1B0]  }
0x50: {  	v51 =	vadd.s32 v6, v61;
	[tilespmem:$0xD0] =	vst v40;
	v55 =	vadd.s32 v6, v3;
	v3 =	vld [tilespmem:$0x170]  }
0x51: {  	v40 =	vadd.s32 v6, v54;
	[tilespmem:$0x190] =	vst v51;
	v58 =	vadd.s32 v6, v4;
	v4 =	vld [tilespmem:$0x180]  }
0x52: {  	v53 =	vadd.s32 v6, v37;
	v54 =	vld [tilespmem:$0x1F0];
	[tilespmem:$0x160] =	vst v40  }
0x53: {  	v61 =	vadd.s32 v6, v52;
	[tilespmem:$0x1A0] =	vst v53  }
0x54: {  	[tilespmem:$0x1E0] =	vst v61  }
0x55: {  	[tilespmem:$0x120] =	vst v55;
	v42 =	vadd.s32 v6, v3;
	v3 =	vld [tilespmem:$0x1C0]  }
0x56: {  	[tilespmem:$0x130] =	vst v58;
	v55 =	vadd.s32 v6, v41;
	v50 =	vadd.s32 v6, v4;
	v4 =	vld [tilespmem:$0x1D0]  }
0x57: {  	v63 =	vadd.s32 v6, v54;
	[tilespmem:$0x1B0] =	vst v55  }
0x58: {  	[tilespmem:$0x1F0] =	vst v63  }
0x59: {  	[tilespmem:$0x170] =	vst v42  }
0x5a: {  	[tilespmem:$0x180] =	vst v50;
	v58 =	vadd.s32 v6, v3  }
0x5b: {  	v60 =	vadd.s32 v6, v4;
	[tilespmem:$0x1C0] =	vst v58  }
0x5c: {  	p0 =	por $0x0, $0x0;
	s4 =	simm.s32 $0x0;
	[tilespmem:$0x1D0] =	vst v60  }
.LBB2_2:
0x5d: {  	p2 =	slt.u32 s4, $0x2  }
0x5e: {  	s10 =	sand.u32 @!p2 $0x1, s4  }
0x5f: {  	p1 =	seq.s32 @!p2 s10, $0x1  }
0x60: {  	s12 =	sand.u32 $0x1, s4;
	s10 =	simm.s32 @!p2 $0x6;
	p1 =	por !p1, p2  }
0x61: {  	s10 =	simm.s32 @p1 $0x5;
	p1 =	sne.s32 s12, $0x0  }
.Ltmp0:
0x62: {  	_ = 	snop;
	(pc) =	sbr.rel @p1 .LBB2_13-.Ltmp0, $4  }
0x63: {  	_ = 	snop  }
0x64: {  	_ =	swait.ge @!p2 [sflag:s10], $0x4000  }
0x65: {  	[sflag:s10] =	ssyncset.done @!p2 $0x0  }
0x66: {  	[sflag:s10] =	ssyncadd.s32 @!p2 $0xFFFFC000  }
0x67: {  	p2 =	sne.s32 s4, $0x0  }
.Ltmp1:
0x68: {  	_ = 	snop;
	(pc) =	sbr.rel @!p2 .LBB2_4-.Ltmp1, $1  }
0x69: {  	_ =	sdelay $0x3  }
0x6a: {  	s10 =	sand.u32 $0x2, s4  }
0x6b: {  	p2 =	sne.s32 s10, $0x0  }
.Ltmp2:
0x6c: {  	_ = 	snop;
	(pc) =	sbr.rel @!p2 .LBB2_6-.Ltmp2, $1  }
0x6d: {  	_ =	sdelay $0x3  }
.Ltmp3:
0x6e: {  	(pc) =	sbr.rel .LBB2_8-.Ltmp3, $4  }
0x6f: {  	_ =	swait.ge [sflag:s31], $0x8000;
	s10 =	sshll.u32 s4, $0xB  }
0x70: {  	s0 =	simm.s32 $0x9400;
	p2 =	por $0x0, $0x0;
	[sflag:s31] =	ssyncset.done $0x0  }
0x71: {  	s12 =	simm.s32 $0x3;
	s10 =	sadd.s32 s10, s7;
	[sflag:s31] =	ssyncadd.s32 $0xFFFF8000  }
0x72: {  	[hbm4b:s10+s3] =	stream.linear.scatter [tilespmem:s0], [sflag:$0x4], $0x8000, $0x38;
	[tilespmem:$0x19400] =	vst v63  }
.LBB2_4:
0x73: {  	v0 =	vld [tilespmem:$0x0];
	_ =	sdelay $0x4  }
0x74: {  	v1 =	vshll.u32 v0, $0x3  }
0x75: {  	v0 =	vand.u32 $0x7, v0;
	v1 =	vand.u32 $0xFFFFFFC0, v1  }
0x76: {  	v0 =	vor.u32 v0, v1  }
0x77: {  	v1 =	vperm.xlane v0, v7;
	_ =	sdelay $0x1  }
0x78: {  	v1 =	vadd.s32 v8, v1  }
0x79: {  	v2 =	vld [tilespmem:$0x1FD90];
	_ =	sdelay $0x3  }
0x7a: {  	[tilespmem:s13], [sflag:$0x1] =	stream.indirect_vreg.gather [hbm4b:s2+s3], $0x80, v1, vm0, $0xb8;
	[tilespmem:$0x19400] =	vst v63  }
0x7b: {  	s0 =	simm.s32 $0x1C00;
	v0 =	vperm.xlane v0, v2  }
0x7c: {  	[tilespmem:s0], [sflag:$0x1] =	stream.indirect_vreg.gather [hbm4b:s5+s3], $0x80, v1, vm0, $0xb8;
	[tilespmem:$0x19400] =	vst v63  }
0x7d: {  	s16 =	simm.s32 $0x2400;
	v0 =	vadd.s32 v8, v0  }
0x7e: {  	[tilespmem:s16], [sflag:$0x1] =	stream.indirect_vreg.gather [hbm4b:s6+s3], $0x80, v1, vm0, $0xb8;
	[tilespmem:$0x19400] =	vst v63  }
0x7f: {  	s17 =	simm.s32 $0x2C00  }
0x80: {  	[tilespmem:s17], [sflag:$0x1] =	stream.indirect_vreg.gather [hbm4b:s8+s3], $0x80, v1, vm0, $0xb8;
	[tilespmem:$0x19400] =	vst v63  }
0x81: {  	s18 =	simm.s32 $0x3400  }
0x82: {  	[tilespmem:s18], [sflag:$0x1] =	stream.indirect_vreg.gather [hbm4b:s2+s3], $0x80, v0, vm0, $0xb8;
	[tilespmem:$0x19400] =	vst v63  }
0x83: {  	s19 =	simm.s32 $0x3C00  }
0x84: {  	[tilespmem:s19], [sflag:$0x1] =	stream.indirect_vreg.gather [hbm4b:s5+s3], $0x80, v0, vm0, $0xb8;
	[tilespmem:$0x19400] =	vst v63  }
0x85: {  	s20 =	simm.s32 $0x4400  }
0x86: {  	[tilespmem:s20], [sflag:$0x1] =	stream.indirect_vreg.gather [hbm4b:s6+s3], $0x80, v0, vm0, $0xb8;
	[tilespmem:$0x19400] =	vst v63  }
0x87: {  	s21 =	simm.s32 $0x4C00  }
0x88: {  	[tilespmem:s21], [sflag:$0x1] =	stream.indirect_vreg.gather [hbm4b:s8+s3], $0x80, v0, vm0, $0xb8;
	[tilespmem:$0x19400] =	vst v63  }
0x89: {  	v0 =	vld [tilespmem:$0x10];
	_ =	sdelay $0x4  }
0x8a: {  	v63 =	vshll.u32 v0, $0x3  }
0x8b: {  	v0 =	vand.u32 $0x7, v0;
	v1 =	vand.u32 $0xFFFFFFC0, v63  }
0x8c: {  	v0 =	vor.u32 v0, v1  }
0x8d: {  	v1 =	vperm.xlane v0, v7;
	_ =	sdelay $0x1  }
0x8e: {  	v1 =	vadd.s32 v8, v1;
	_ =	sdelay $0x3  }
0x8f: {  	s22 =	simm.s32 $0x5400  }
0x90: {  	[tilespmem:s22], [sflag:$0x1] =	stream.indirect_vreg.gather [hbm4b:s2+s3], $0x80, v1, vm0, $0xb8;
	[tilespmem:$0x19400] =	vst v63  }
0x91: {  	s23 =	simm.s32 $0x5C00;
	v0 =	vperm.xlane v0, v2  }
0x92: {  	[tilespmem:s23], [sflag:$0x1] =	stream.indirect_vreg.gather [hbm4b:s5+s3], $0x80, v1, vm0, $0xb8;
	[tilespmem:$0x19400] =	vst v63  }
0x93: {  	s24 =	simm.s32 $0x6400;
	v0 =	vadd.s32 v8, v0  }
0x94: {  	[tilespmem:s24], [sflag:$0x1] =	stream.indirect_vreg.gather [hbm4b:s6+s3], $0x80, v1, vm0, $0xb8;
	[tilespmem:$0x19400] =	vst v63  }
0x95: {  	s25 =	simm.s32 $0x6C00  }
0x96: {  	[tilespmem:s25], [sflag:$0x1] =	stream.indirect_vreg.gather [hbm4b:s8+s3], $0x80, v1, vm0, $0xb8;
	[tilespmem:$0x19400] =	vst v63  }
0x97: {  	s26 =	simm.s32 $0x7400  }
0x98: {  	[tilespmem:s26], [sflag:$0x1] =	stream.indirect_vreg.gather [hbm4b:s2+s3], $0x80, v0, vm0, $0xb8;
	[tilespmem:$0x19400] =	vst v63  }
0x99: {  	s28 =	simm.s32 $0x7C00  }
0x9a: {  	[tilespmem:s28], [sflag:$0x1] =	stream.indirect_vreg.gather [hbm4b:s5+s3], $0x80, v0, vm0, $0xb8;
	[tilespmem:$0x19400] =	vst v63  }
0x9b: {  	s29 =	simm.s32 $0x8400  }
0x9c: {  	[tilespmem:s29], [sflag:$0x1] =	stream.indirect_vreg.gather [hbm4b:s6+s3], $0x80, v0, vm0, $0xb8;
	[tilespmem:$0x19400] =	vst v63  }
0x9d: {  	s30 =	simm.s32 $0x8C00  }
0x9e: {  	[tilespmem:s30], [sflag:$0x1] =	stream.indirect_vreg.gather [hbm4b:s8+s3], $0x80, v0, vm0, $0xb8;
	[tilespmem:$0x19400] =	vst v63  }
.LBB2_6:
0x9f: {  	s10 =	simm.s32 $0x1;
	p3 =	seq.s32 s4, $0x0  }
.Ltmp4:
0xa0: {  	_ =	swait.ge [sflag:s10], $0x8000;
	(pc) =	sbr.rel @p3 .LBB2_10-.Ltmp4, $4  }
0xa1: {  	s12 =	sshll.u32 s4, $0xB;
	[sflag:s10] =	ssyncset.done $0x0  }
0xa2: {  	s12 =	sadd.s32 s12, s7;
	[sflag:s10] =	ssyncadd.s32 $0xFFFF8000  }
0xa3: {  	[hbm4b:s12+s3] =	stream.linear.scatter [tilespmem:s13], [sflag:$0x3], $0x8000, $0x38;
	[tilespmem:$0x19400] =	vst v63  }
0xa4: {  	p2 =	por $0x1, $0x1;
	s12 =	simm.s32 $0x4  }
.LBB2_8:
0xa5: {  	p3 =	sgt.u32 s4, $0x1D  }
.Ltmp5:
0xa6: {  	_ = 	snop;
	(pc) =	sbr.rel @p3 .LBB2_13-.Ltmp5, $4  }
0xa7: {  	_ = 	snop  }
0xa8: {  	_ =	swait.ge [sflag:s12], $0x8000  }
0xa9: {  	[sflag:s12] =	ssyncset.done $0x0  }
0xaa: {  	[sflag:s12] =	ssyncadd.s32 $0xFFFF8000  }
0xab: {  	s10 =	sshrl.u32 s4, $0x1  }
0xac: {  	s10 =	sadd.s32 $0x1, s10  }
.LBB2_10:
0xad: {  	s10 =	sshll.u32 s10, $0x5  }
0xae: {  	s10 =	sand.u32 $0x3FFFFFE0, s10  }
0xaf: {  	v0 =	vld [tilespmem:s10+$0x0];
	_ =	sdelay $0x4  }
0xb0: {  	v1 =	vshll.u32 v0, $0x3  }
.Ltmp6:
0xb1: {  	v0 =	vand.u32 $0x7, v0;
	v1 =	vand.u32 $0xFFFFFFC0, v1;
	(pc) =	sbr.rel @!p2 .LBB2_12-.Ltmp6, $3  }
0xb2: {  	v1 =	vor.u32 v0, v1  }
0xb3: {  	v0 =	vperm.xlane v1, v7;
	_ =	sdelay $0x1  }
0xb4: {  	v0 =	vadd.s32 v8, v0  }
0xb5: {  	v2 =	vld [tilespmem:$0x1FDA0];
	_ =	sdelay $0x2  }
0xb6: {  	s0 =	simm.s32 $0x9400  }
0xb7: {  	[tilespmem:s0], [sflag:$0x2] =	stream.indirect_vreg.gather [hbm4b:s2+s3], $0x80, v0, vm0, $0xb8;
	[tilespmem:$0x19400] =	vst v63  }
0xb8: {  	s15 =	simm.s32 $0x9C00;
	v1 =	vperm.xlane v1, v2  }
0xb9: {  	[tilespmem:s15], [sflag:$0x2] =	stream.indirect_vreg.gather [hbm4b:s5+s3], $0x80, v0, vm0, $0xb8;
	[tilespmem:$0x19400] =	vst v63  }
0xba: {  	s16 =	simm.s32 $0xA400;
	v1 =	vadd.s32 v8, v1  }
0xbb: {  	[tilespmem:s16], [sflag:$0x2] =	stream.indirect_vreg.gather [hbm4b:s6+s3], $0x80, v0, vm0, $0xb8;
	[tilespmem:$0x19400] =	vst v63  }
0xbc: {  	s17 =	simm.s32 $0xAC00  }
0xbd: {  	[tilespmem:s17], [sflag:$0x2] =	stream.indirect_vreg.gather [hbm4b:s8+s3], $0x80, v0, vm0, $0xb8;
	[tilespmem:$0x19400] =	vst v63  }
0xbe: {  	s18 =	simm.s32 $0xB400  }
0xbf: {  	[tilespmem:s18], [sflag:$0x2] =	stream.indirect_vreg.gather [hbm4b:s2+s3], $0x80, v1, vm0, $0xb8;
	[tilespmem:$0x19400] =	vst v63  }
0xc0: {  	s19 =	simm.s32 $0xBC00  }
0xc1: {  	[tilespmem:s19], [sflag:$0x2] =	stream.indirect_vreg.gather [hbm4b:s5+s3], $0x80, v1, vm0, $0xb8;
	[tilespmem:$0x19400] =	vst v63  }
0xc2: {  	s20 =	simm.s32 $0xC400  }
0xc3: {  	[tilespmem:s20], [sflag:$0x2] =	stream.indirect_vreg.gather [hbm4b:s6+s3], $0x80, v1, vm0, $0xb8;
	[tilespmem:$0x19400] =	vst v63  }
0xc4: {  	s21 =	simm.s32 $0xCC00  }
0xc5: {  	[tilespmem:s21], [sflag:$0x2] =	stream.indirect_vreg.gather [hbm4b:s8+s3], $0x80, v1, vm0, $0xb8;
	[tilespmem:$0x19400] =	vst v63  }
0xc6: {  	v0 =	vld [tilespmem:s10+$0x10];
	_ =	sdelay $0x4  }
0xc7: {  	v63 =	vshll.u32 v0, $0x3  }
0xc8: {  	v0 =	vand.u32 $0x7, v0;
	v1 =	vand.u32 $0xFFFFFFC0, v63  }
0xc9: {  	v0 =	vor.u32 v0, v1  }
0xca: {  	v1 =	vperm.xlane v0, v7;
	_ =	sdelay $0x1  }
0xcb: {  	v1 =	vadd.s32 v8, v1;
	_ =	sdelay $0x3  }
0xcc: {  	s22 =	simm.s32 $0xD400  }
0xcd: {  	[tilespmem:s22], [sflag:$0x2] =	stream.indirect_vreg.gather [hbm4b:s2+s3], $0x80, v1, vm0, $0xb8;
	[tilespmem:$0x19400] =	vst v63  }
0xce: {  	s23 =	simm.s32 $0xDC00;
	v0 =	vperm.xlane v0, v2  }
0xcf: {  	[tilespmem:s23], [sflag:$0x2] =	stream.indirect_vreg.gather [hbm4b:s5+s3], $0x80, v1, vm0, $0xb8;
	[tilespmem:$0x19400] =	vst v63  }
0xd0: {  	s24 =	simm.s32 $0xE400;
	v0 =	vadd.s32 v8, v0  }
0xd1: {  	[tilespmem:s24], [sflag:$0x2] =	stream.indirect_vreg.gather [hbm4b:s6+s3], $0x80, v1, vm0, $0xb8;
	[tilespmem:$0x19400] =	vst v63  }
0xd2: {  	s25 =	simm.s32 $0xEC00  }
0xd3: {  	[tilespmem:s25], [sflag:$0x2] =	stream.indirect_vreg.gather [hbm4b:s8+s3], $0x80, v1, vm0, $0xb8;
	[tilespmem:$0x19400] =	vst v63  }
0xd4: {  	s26 =	simm.s32 $0xF400  }
0xd5: {  	[tilespmem:s26], [sflag:$0x2] =	stream.indirect_vreg.gather [hbm4b:s2+s3], $0x80, v0, vm0, $0xb8;
	[tilespmem:$0x19400] =	vst v63  }
0xd6: {  	s28 =	simm.s32 $0xFC00  }
0xd7: {  	[tilespmem:s28], [sflag:$0x2] =	stream.indirect_vreg.gather [hbm4b:s5+s3], $0x80, v0, vm0, $0xb8;
	[tilespmem:$0x19400] =	vst v63  }
.Ltmp7:
0xd8: {  	_ = 	snop;
	(pc) =	sbr.rel .LBB2_13-.Ltmp7, $4  }
0xd9: {  	s29 =	simm.s32 $0x10400  }
0xda: {  	[tilespmem:s29], [sflag:$0x2] =	stream.indirect_vreg.gather [hbm4b:s6+s3], $0x80, v0, vm0, $0xb8;
	[tilespmem:$0x19400] =	vst v63  }
0xdb: {  	s30 =	simm.s32 $0x10C00  }
0xdc: {  	[tilespmem:s30], [sflag:$0x2] =	stream.indirect_vreg.gather [hbm4b:s8+s3], $0x80, v0, vm0, $0xb8;
	[tilespmem:$0x19400] =	vst v63  }
.LBB2_12:
0xdd: {  	v2 =	vld [tilespmem:$0x1FDA0];
	_ =	sdelay $0x3  }
0xde: {  	[tilespmem:s13], [sflag:$0x1] =	stream.indirect_vreg.gather [hbm4b:s2+s3], $0x80, v0, vm0, $0xb8;
	[tilespmem:$0x19400] =	vst v63  }
0xdf: {  	s0 =	simm.s32 $0x1C00;
	v1 =	vperm.xlane v1, v2  }
0xe0: {  	[tilespmem:s0], [sflag:$0x1] =	stream.indirect_vreg.gather [hbm4b:s5+s3], $0x80, v0, vm0, $0xb8;
	[tilespmem:$0x19400] =	vst v63  }
0xe1: {  	s16 =	simm.s32 $0x2400;
	v1 =	vadd.s32 v8, v1  }
0xe2: {  	[tilespmem:s16], [sflag:$0x1] =	stream.indirect_vreg.gather [hbm4b:s6+s3], $0x80, v0, vm0, $0xb8;
	[tilespmem:$0x19400] =	vst v63  }
0xe3: {  	s17 =	simm.s32 $0x2C00  }
0xe4: {  	[tilespmem:s17], [sflag:$0x1] =	stream.indirect_vreg.gather [hbm4b:s8+s3], $0x80, v0, vm0, $0xb8;
	[tilespmem:$0x19400] =	vst v63  }
0xe5: {  	s18 =	simm.s32 $0x3400  }
0xe6: {  	[tilespmem:s18], [sflag:$0x1] =	stream.indirect_vreg.gather [hbm4b:s2+s3], $0x80, v1, vm0, $0xb8;
	[tilespmem:$0x19400] =	vst v63  }
0xe7: {  	s19 =	simm.s32 $0x3C00  }
0xe8: {  	[tilespmem:s19], [sflag:$0x1] =	stream.indirect_vreg.gather [hbm4b:s5+s3], $0x80, v1, vm0, $0xb8;
	[tilespmem:$0x19400] =	vst v63  }
0xe9: {  	s20 =	simm.s32 $0x4400  }
0xea: {  	[tilespmem:s20], [sflag:$0x1] =	stream.indirect_vreg.gather [hbm4b:s6+s3], $0x80, v1, vm0, $0xb8;
	[tilespmem:$0x19400] =	vst v63  }
0xeb: {  	s21 =	simm.s32 $0x4C00  }
0xec: {  	[tilespmem:s21], [sflag:$0x1] =	stream.indirect_vreg.gather [hbm4b:s8+s3], $0x80, v1, vm0, $0xb8;
	[tilespmem:$0x19400] =	vst v63  }
0xed: {  	v0 =	vld [tilespmem:s10+$0x10];
	_ =	sdelay $0x4  }
0xee: {  	v63 =	vshll.u32 v0, $0x3  }
0xef: {  	v0 =	vand.u32 $0x7, v0;
	v1 =	vand.u32 $0xFFFFFFC0, v63  }
0xf0: {  	v0 =	vor.u32 v0, v1  }
0xf1: {  	v1 =	vperm.xlane v0, v7;
	_ =	sdelay $0x1  }
0xf2: {  	v1 =	vadd.s32 v8, v1;
	_ =	sdelay $0x3  }
0xf3: {  	s22 =	simm.s32 $0x5400  }
0xf4: {  	[tilespmem:s22], [sflag:$0x1] =	stream.indirect_vreg.gather [hbm4b:s2+s3], $0x80, v1, vm0, $0xb8;
	[tilespmem:$0x19400] =	vst v63  }
0xf5: {  	s23 =	simm.s32 $0x5C00;
	v0 =	vperm.xlane v0, v2  }
0xf6: {  	[tilespmem:s23], [sflag:$0x1] =	stream.indirect_vreg.gather [hbm4b:s5+s3], $0x80, v1, vm0, $0xb8;
	[tilespmem:$0x19400] =	vst v63  }
0xf7: {  	s24 =	simm.s32 $0x6400;
	v0 =	vadd.s32 v8, v0  }
0xf8: {  	[tilespmem:s24], [sflag:$0x1] =	stream.indirect_vreg.gather [hbm4b:s6+s3], $0x80, v1, vm0, $0xb8;
	[tilespmem:$0x19400] =	vst v63  }
0xf9: {  	s25 =	simm.s32 $0x6C00  }
0xfa: {  	[tilespmem:s25], [sflag:$0x1] =	stream.indirect_vreg.gather [hbm4b:s8+s3], $0x80, v1, vm0, $0xb8;
	[tilespmem:$0x19400] =	vst v63  }
0xfb: {  	s26 =	simm.s32 $0x7400  }
0xfc: {  	[tilespmem:s26], [sflag:$0x1] =	stream.indirect_vreg.gather [hbm4b:s2+s3], $0x80, v0, vm0, $0xb8;
	[tilespmem:$0x19400] =	vst v63  }
0xfd: {  	s28 =	simm.s32 $0x7C00  }
0xfe: {  	[tilespmem:s28], [sflag:$0x1] =	stream.indirect_vreg.gather [hbm4b:s5+s3], $0x80, v0, vm0, $0xb8;
	[tilespmem:$0x19400] =	vst v63  }
0xff: {  	s29 =	simm.s32 $0x8400  }
0x100: {  	[tilespmem:s29], [sflag:$0x1] =	stream.indirect_vreg.gather [hbm4b:s6+s3], $0x80, v0, vm0, $0xb8;
	[tilespmem:$0x19400] =	vst v63  }
0x101: {  	s30 =	simm.s32 $0x8C00  }
0x102: {  	[tilespmem:s30], [sflag:$0x1] =	stream.indirect_vreg.gather [hbm4b:s8+s3], $0x80, v0, vm0, $0xb8;
	[tilespmem:$0x19400] =	vst v63  }
.LBB2_13:
0x103: {  	v0 =	vmov s1;
	_ =	sdelay $0x4  }
0x104: {  	v1 =	vld.idx.msk [tilespmem:v0+s3+$0x0], $0xffff;
	_ =	sdelay $0x4  }
0x105: {  	v0 =	vshll.u32 v1, $0xA;
	v1 =	vshll.u32 v1, $0x7  }
0x106: {  	[tilespmem:$0x1FBF0] =	vst v0;
	v2 =	vand.u32 $0xFFFFF000, v0;
	v0 =	vand.u32 $0x180, v1  }
0x107: {  	v6 =	vor.u32 v0, v2  }
0x108: {  	v1 =	vor.u32 v36, v6;
	_ =	sdelay $0x3  }
0x109: {  	[tilespmem:$0x1FC00] =	vst v0  }
0x10a: {  	s10 =	simm.s32 $0x1;
	v1 =	vld.idx.msk [tilespmem:v1+s11+$0x0], $0xffff  }
0x10b: {  	s10 =	simm.s32 @!p0 $0x0;
	v2 =	vor.u32 v48, v6  }
0x10c: {  	s16 =	simm.s32 $0x0;
	s23 =	sshll.u32 s10, $0xE  }
0x10d: {  	s12 =	sand.u32 $0x380, s16;
	s10 =	sand.u32 $0x6000, s23  }
0x10e: {  	s22 =	sor.u32 s12, s10  }
0x10f: {  	[tilespmem:s22+$0x11400] =	vst v1  }
0x110: {  	v1 =	vld.idx.msk [tilespmem:v2+s11+$0x0], $0xffff  }
0x111: {  	v2 =	vor.u32 v16, v6;
	_ =	sdelay $0x3  }
0x112: {  	[tilespmem:s22+$0x11410] =	vst v1  }
0x113: {  	v1 =	vld.idx.msk [tilespmem:v2+s11+$0x0], $0xffff  }
0x114: {  	v2 =	vor.u32 v17, v6;
	_ =	sdelay $0x3  }
0x115: {  	[tilespmem:s22+$0x11420] =	vst v1  }
0x116: {  	v1 =	vld.idx.msk [tilespmem:v2+s11+$0x0], $0xffff  }
0x117: {  	v2 =	vor.u32 v43, v6;
	_ =	sdelay $0x3  }
0x118: {  	[tilespmem:s22+$0x11430] =	vst v1  }
0x119: {  	v1 =	vld.idx.msk [tilespmem:v2+s11+$0x0], $0xffff  }
0x11a: {  	v2 =	vor.u32 v44, v6;
	_ =	sdelay $0x3  }
0x11b: {  	[tilespmem:s22+$0x11440] =	vst v1  }
0x11c: {  	v1 =	vld.idx.msk [tilespmem:v2+s11+$0x0], $0xffff  }
0x11d: {  	v2 =	vor.u32 v45, v6;
	_ =	sdelay $0x3  }
0x11e: {  	[tilespmem:s22+$0x11450] =	vst v1  }
0x11f: {  	v1 =	vld.idx.msk [tilespmem:v2+s11+$0x0], $0xffff  }
0x120: {  	s0 =	sadd.s32 $0x1, s1;
	v2 =	vor.u32 v46, v6  }
0x121: {  	v3 =	vmov s0;
	_ =	sdelay $0x2  }
0x122: {  	[tilespmem:s22+$0x11460] =	vst v1  }
0x123: {  	v1 =	vld.idx.msk [tilespmem:v2+s11+$0x0], $0xffff  }
0x124: {  	v3 =	vld.idx.msk [tilespmem:v3+s3+$0x0], $0xffff;
	v2 =	vor.u32 v34, v6;
	_ =	sdelay $0x3  }
0x125: {  	[tilespmem:s22+$0x11470] =	vst v1  }
0x126: {  	v1 =	vld.idx.msk [tilespmem:v2+s11+$0x0], $0xffff;
	v2 =	vshll.u32 v3, $0xA;
	v3 =	vshll.u32 v3, $0x7  }
0x127: {  	v7 =	vand.u32 $0xFFFFF000, v2;
	v8 =	vand.u32 $0x180, v3;
	v3 =	vor.u32 v47, v6  }
0x128: {  	v54 =	vmov v17;
	v17 =	vor.u32 v8, v7  }
0x129: {  	[tilespmem:$0x1FC50] =	vst v2;
	v7 =	vor.u32 v36, v17  }
0x12a: {  	[tilespmem:$0x1FC60] =	vst v8  }
0x12b: {  	[tilespmem:s22+$0x11800] =	vst v1  }
0x12c: {  	v1 =	vld.idx.msk [tilespmem:v3+s11+$0x0], $0xffff  }
0x12d: {  	v3 =	vor.u32 v56, v6  }
0x12e: {  	v7 =	vld.idx.msk [tilespmem:v7+s11+$0x0], $0xffff  }
0x12f: {  	v8 =	vor.u32 v48, v17  }
0x130: {  	s15 =	simm.s32 $0x80;
	s18 =	sadd.s32 $0x400, s23  }
0x131: {  	s14 =	sand.u32 $0x6000, s18;
	s12 =	sand.u32 $0x380, s15;
	[tilespmem:s22+$0x11810] =	vst v1  }
0x132: {  	s21 =	sor.u32 s12, s14;
	v1 =	vld.idx.msk [tilespmem:v3+s11+$0x0], $0xffff  }
0x133: {  	v3 =	vor.u32 v20, v6;
	[tilespmem:s21+$0x11400] =	vst v7  }
0x134: {  	v7 =	vld.idx.msk [tilespmem:v8+s11+$0x0], $0xffff  }
0x135: {  	v8 =	vor.u32 v16, v17;
	_ =	sdelay $0x1  }
0x136: {  	[tilespmem:s22+$0x11820] =	vst v1  }
0x137: {  	v1 =	vld.idx.msk [tilespmem:v3+s11+$0x0], $0xffff  }
0x138: {  	v3 =	vor.u32 v21, v6;
	[tilespmem:s21+$0x11410] =	vst v7  }
0x139: {  	v7 =	vld.idx.msk [tilespmem:v8+s11+$0x0], $0xffff  }
0x13a: {  	v8 =	vor.u32 v54, v17;
	_ =	sdelay $0x1  }
0x13b: {  	[tilespmem:s22+$0x11830] =	vst v1  }
0x13c: {  	v1 =	vld.idx.msk [tilespmem:v3+s11+$0x0], $0xffff  }
0x13d: {  	v3 =	vor.u32 v23, v6;
	[tilespmem:s21+$0x11420] =	vst v7  }
0x13e: {  	v7 =	vld.idx.msk [tilespmem:v8+s11+$0x0], $0xffff  }
0x13f: {  	v8 =	vor.u32 v43, v17;
	_ =	sdelay $0x1  }
0x140: {  	[tilespmem:s22+$0x11840] =	vst v1  }
0x141: {  	v1 =	vld.idx.msk [tilespmem:v3+s11+$0x0], $0xffff  }
0x142: {  	v3 =	vor.u32 v33, v6;
	[tilespmem:s21+$0x11430] =	vst v7  }
0x143: {  	v7 =	vld.idx.msk [tilespmem:v8+s11+$0x0], $0xffff  }
0x144: {  	v8 =	vor.u32 v44, v17;
	_ =	sdelay $0x1  }
0x145: {  	[tilespmem:s22+$0x11850] =	vst v1  }
0x146: {  	v1 =	vld.idx.msk [tilespmem:v3+s11+$0x0], $0xffff  }
0x147: {  	v3 =	vor.u32 v9, v6;
	[tilespmem:s21+$0x11440] =	vst v7  }
0x148: {  	v7 =	vld.idx.msk [tilespmem:v8+s11+$0x0], $0xffff  }
0x149: {  	v8 =	vor.u32 v45, v17;
	_ =	sdelay $0x1  }
0x14a: {  	[tilespmem:s22+$0x11860] =	vst v1  }
0x14b: {  	v1 =	vld.idx.msk [tilespmem:v3+s11+$0x0], $0xffff  }
0x14c: {  	v3 =	vor.u32 v10, v6;
	[tilespmem:s21+$0x11450] =	vst v7  }
0x14d: {  	v7 =	vld.idx.msk [tilespmem:v8+s11+$0x0], $0xffff  }
0x14e: {  	s17 =	sadd.s32 $0x1, s0;
	v8 =	vor.u32 v46, v17  }
0x14f: {  	v40 =	vmov v9;
	v9 =	vmov s17  }
0x150: {  	[tilespmem:s22+$0x11870] =	vst v1  }
0x151: {  	v1 =	vld.idx.msk [tilespmem:v3+s11+$0x0], $0xffff  }
0x152: {  	v3 =	vor.u32 v39, v6;
	[tilespmem:s21+$0x11460] =	vst v7  }
0x153: {  	v7 =	vld.idx.msk [tilespmem:v8+s11+$0x0], $0xffff  }
0x154: {  	v8 =	vld.idx.msk [tilespmem:v9+s3+$0x0], $0xffff;
	v9 =	vor.u32 v34, v17;
	_ =	sdelay $0x1  }
0x155: {  	[tilespmem:s22+$0x11C00] =	vst v1  }
0x156: {  	v1 =	vld.idx.msk [tilespmem:v3+s11+$0x0], $0xffff  }
0x157: {  	v3 =	vor.u32 v49, v6;
	[tilespmem:s21+$0x11470] =	vst v7  }
0x158: {  	v37 =	vmovc v46;
	v35 =	vmov v47;
	v46 =	vshll.u32 v8, $0xA;
	v8 =	vshll.u32 v8, $0x7;
	v7 =	vld.idx.msk [tilespmem:v9+s11+$0x0], $0xffff  }
0x159: {  	v9 =	vand.u32 $0xFFFFF000, v46;
	v47 =	vand.u32 $0x180, v8;
	v8 =	vor.u32 v35, v17  }
0x15a: {  	v63 =	vmov v48;
	v48 =	vor.u32 v47, v9  }
0x15b: {  	v9 =	vor.u32 v36, v48;
	[tilespmem:s22+$0x11C10] =	vst v1  }
0x15c: {  	v1 =	vld.idx.msk [tilespmem:v3+s11+$0x0], $0xffff  }
0x15d: {  	v3 =	vor.u32 v29, v6;
	[tilespmem:s21+$0x11800] =	vst v7  }
0x15e: {  	v7 =	vld.idx.msk [tilespmem:v8+s11+$0x0], $0xffff  }
0x15f: {  	v8 =	vor.u32 v56, v17  }
0x160: {  	v9 =	vld.idx.msk [tilespmem:v9+s11+$0x0], $0xffff  }
0x161: {  	v41 =	vmov v10;
	v10 =	vor.u32 v63, v48;
	[tilespmem:s22+$0x11C20] =	vst v1  }
0x162: {  	s19 =	simm.s32 $0x100;
	s10 =	sadd.s32 $0x400, s18;
	v1 =	vld.idx.msk [tilespmem:v3+s11+$0x0], $0xffff  }
0x163: {  	s15 =	sand.u32 $0x6000, s10;
	s12 =	sand.u32 $0x380, s19;
	v3 =	vor.u32 v59, v6;
	[tilespmem:s21+$0x11810] =	vst v7  }
0x164: {  	s12 =	sor.u32 s12, s15;
	v7 =	vld.idx.msk [tilespmem:v8+s11+$0x0], $0xffff  }
0x165: {  	[tilespmem:s12+$0x11400] =	vst v9;
	v8 =	vor.u32 v20, v17  }
0x166: {  	v9 =	vld.idx.msk [tilespmem:v10+s11+$0x0], $0xffff  }
0x167: {  	v10 =	vor.u32 v16, v48;
	[tilespmem:s22+$0x11C30] =	vst v1  }
0x168: {  	v1 =	vld.idx.msk [tilespmem:v3+s11+$0x0], $0xffff  }
0x169: {  	v3 =	vor.u32 v57, v6;
	[tilespmem:s21+$0x11820] =	vst v7  }
0x16a: {  	v7 =	vld.idx.msk [tilespmem:v8+s11+$0x0], $0xffff  }
0x16b: {  	[tilespmem:s12+$0x11410] =	vst v9;
	v8 =	vor.u32 v21, v17  }
0x16c: {  	v9 =	vld.idx.msk [tilespmem:v10+s11+$0x0], $0xffff  }
0x16d: {  	v10 =	vor.u32 v54, v48;
	[tilespmem:s22+$0x11C40] =	vst v1  }
0x16e: {  	v1 =	vld.idx.msk [tilespmem:v3+s11+$0x0], $0xffff  }
0x16f: {  	v3 =	vor.u32 v12, v6;
	[tilespmem:s21+$0x11830] =	vst v7  }
0x170: {  	v7 =	vld.idx.msk [tilespmem:v8+s11+$0x0], $0xffff  }
0x171: {  	[tilespmem:s12+$0x11420] =	vst v9;
	v8 =	vor.u32 v23, v17  }
0x172: {  	v9 =	vld.idx.msk [tilespmem:v10+s11+$0x0], $0xffff  }
0x173: {  	v10 =	vor.u32 v43, v48;
	[tilespmem:s22+$0x11C50] =	vst v1  }
0x174: {  	v1 =	vld.idx.msk [tilespmem:v3+s11+$0x0], $0xffff  }
0x175: {  	v3 =	vor.u32 v13, v6;
	[tilespmem:s21+$0x11840] =	vst v7  }
0x176: {  	v7 =	vld.idx.msk [tilespmem:v8+s11+$0x0], $0xffff  }
0x177: {  	[tilespmem:s12+$0x11430] =	vst v9;
	v8 =	vor.u32 v33, v17  }
0x178: {  	v9 =	vld.idx.msk [tilespmem:v10+s11+$0x0], $0xffff  }
0x179: {  	v10 =	vor.u32 v44, v48;
	[tilespmem:s22+$0x11C60] =	vst v1  }
0x17a: {  	v1 =	vld.idx.msk [tilespmem:v3+s11+$0x0], $0xffff  }
0x17b: {  	v3 =	vor.u32 v14, v6;
	[tilespmem:s21+$0x11850] =	vst v7  }
0x17c: {  	v7 =	vld.idx.msk [tilespmem:v8+s11+$0x0], $0xffff  }
0x17d: {  	[tilespmem:s12+$0x11440] =	vst v9;
	v8 =	vor.u32 v40, v17  }
0x17e: {  	v9 =	vld.idx.msk [tilespmem:v10+s11+$0x0], $0xffff  }
0x17f: {  	v10 =	vor.u32 v45, v48;
	[tilespmem:s22+$0x11C70] =	vst v1  }
0x180: {  	v1 =	vld.idx.msk [tilespmem:v3+s11+$0x0], $0xffff  }
0x181: {  	v3 =	vor.u32 v15, v6;
	[tilespmem:s21+$0x11860] =	vst v7  }
0x182: {  	v7 =	vld.idx.msk [tilespmem:v8+s11+$0x0], $0xffff  }
0x183: {  	s20 =	sadd.s32 $0x1, s17;
	[tilespmem:s12+$0x11450] =	vst v9;
	v8 =	vor.u32 v41, v17  }
0x184: {  	v9 =	vmov s20;
	v10 =	vld.idx.msk [tilespmem:v10+s11+$0x0], $0xffff  }
0x185: {  	v11 =	vor.u32 v37, v48;
	[tilespmem:s22+$0x12000] =	vst v1  }
0x186: {  	v1 =	vld.idx.msk [tilespmem:v3+s11+$0x0], $0xffff  }
0x187: {  	v3 =	vor.u32 v26, v6;
	[tilespmem:s21+$0x11870] =	vst v7  }
0x188: {  	v7 =	vld.idx.msk [tilespmem:v8+s11+$0x0], $0xffff  }
0x189: {  	v8 =	vld.idx.msk [tilespmem:v9+s3+$0x0], $0xffff;
	[tilespmem:s12+$0x11460] =	vst v10;
	v9 =	vor.u32 v39, v17  }
0x18a: {  	v10 =	vld.idx.msk [tilespmem:v11+s11+$0x0], $0xffff  }
0x18b: {  	v11 =	vor.u32 v34, v48;
	[tilespmem:s22+$0x12010] =	vst v1  }
0x18c: {  	v1 =	vld.idx.msk [tilespmem:v3+s11+$0x0], $0xffff  }
0x18d: {  	v3 =	vor.u32 v32, v6;
	[tilespmem:s21+$0x11C00] =	vst v7  }
0x18e: {  	v7 =	vld.idx.msk [tilespmem:v9+s11+$0x0], $0xffff  }
0x18f: {  	v50 =	vmovc v40;
	v40 =	vmovc v43;
	v43 =	vshll.u32 v8, $0xA;
	v8 =	vshll.u32 v8, $0x7;
	[tilespmem:s12+$0x11470] =	vst v10;
	v9 =	vor.u32 v49, v17  }
0x190: {  	v51 =	vmov v44;
	v44 =	vand.u32 $0x180, v8;
	v10 =	vld.idx.msk [tilespmem:v11+s11+$0x0], $0xffff;
	v11 =	vand.u32 $0xFFFFF000, v43  }
0x191: {  	v42 =	vmov v45;
	v8 =	vor.u32 v35, v48;
	v45 =	vor.u32 v44, v11;
	[tilespmem:s22+$0x12020] =	vst v1  }
0x192: {  	v1 =	vld.idx.msk [tilespmem:v3+s11+$0x0], $0xffff;
	v3 =	vor.u32 v36, v45  }
0x193: {  	[tilespmem:s21+$0x11C10] =	vst v7;
	v7 =	vor.u32 v38, v6  }
0x194: {  	v9 =	vld.idx.msk [tilespmem:v9+s11+$0x0], $0xffff  }
0x195: {  	[tilespmem:s12+$0x11800] =	vst v10;
	v10 =	vor.u32 v29, v17  }
0x196: {  	v8 =	vld.idx.msk [tilespmem:v8+s11+$0x0], $0xffff  }
0x197: {  	v11 =	vor.u32 v56, v48;
	v3 =	vld.idx.msk [tilespmem:v3+s11+$0x0], $0xffff;
	[tilespmem:s22+$0x12030] =	vst v1  }
0x198: {  	v1 =	vld.idx.msk [tilespmem:v7+s11+$0x0], $0xffff;
	v7 =	vor.u32 v63, v45  }
0x199: {  	s24 =	simm.s32 $0x180;
	s30 =	sadd.s32 $0x400, s10;
	[tilespmem:s21+$0x11C20] =	vst v9;
	v9 =	vor.u32 v18, v6  }
0x19a: {  	s14 =	sand.u32 $0x380, s24;
	s17 =	sand.u32 $0x6000, s30;
	v10 =	vld.idx.msk [tilespmem:v10+s11+$0x0], $0xffff  }
0x19b: {  	s14 =	sor.u32 s14, s17;
	[tilespmem:s12+$0x11810] =	vst v8;
	v8 =	vor.u32 v59, v17  }
0x19c: {  	v11 =	vld.idx.msk [tilespmem:v11+s11+$0x0], $0xffff;
	[tilespmem:s14+$0x11400] =	vst v3  }
0x19d: {  	v3 =	vld.idx.msk [tilespmem:v7+s11+$0x0], $0xffff;
	v7 =	vor.u32 v20, v48;
	[tilespmem:s22+$0x12040] =	vst v1  }
0x19e: {  	v1 =	vld.idx.msk [tilespmem:v9+s11+$0x0], $0xffff;
	v9 =	vor.u32 v16, v45  }
0x19f: {  	[tilespmem:s21+$0x11C30] =	vst v10;
	v10 =	vor.u32 v19, v6  }
0x1a0: {  	v8 =	vld.idx.msk [tilespmem:v8+s11+$0x0], $0xffff  }
0x1a1: {  	[tilespmem:s12+$0x11820] =	vst v11;
	v11 =	vor.u32 v57, v17  }
0x1a2: {  	v7 =	vld.idx.msk [tilespmem:v7+s11+$0x0], $0xffff;
	[tilespmem:s14+$0x11410] =	vst v3  }
0x1a3: {  	v3 =	vld.idx.msk [tilespmem:v9+s11+$0x0], $0xffff;
	v9 =	vor.u32 v21, v48;
	[tilespmem:s22+$0x12050] =	vst v1  }
0x1a4: {  	v1 =	vld.idx.msk [tilespmem:v10+s11+$0x0], $0xffff;
	v10 =	vor.u32 v54, v45  }
0x1a5: {  	[tilespmem:s21+$0x11C40] =	vst v8;
	v8 =	vor.u32 v24, v6  }
0x1a6: {  	v11 =	vld.idx.msk [tilespmem:v11+s11+$0x0], $0xffff  }
0x1a7: {  	[tilespmem:s12+$0x11830] =	vst v7;
	v7 =	vor.u32 v12, v17  }
0x1a8: {  	v9 =	vld.idx.msk [tilespmem:v9+s11+$0x0], $0xffff;
	[tilespmem:s14+$0x11420] =	vst v3  }
0x1a9: {  	v3 =	vld.idx.msk [tilespmem:v10+s11+$0x0], $0xffff;
	v10 =	vor.u32 v23, v48;
	[tilespmem:s22+$0x12060] =	vst v1  }
0x1aa: {  	v1 =	vld.idx.msk [tilespmem:v8+s11+$0x0], $0xffff;
	v8 =	vor.u32 v40, v45  }
0x1ab: {  	[tilespmem:s21+$0x11C50] =	vst v11;
	v11 =	vor.u32 v22, v6  }
0x1ac: {  	v7 =	vld.idx.msk [tilespmem:v7+s11+$0x0], $0xffff  }
0x1ad: {  	[tilespmem:s12+$0x11840] =	vst v9;
	v9 =	vor.u32 v13, v17  }
0x1ae: {  	v10 =	vld.idx.msk [tilespmem:v10+s11+$0x0], $0xffff;
	[tilespmem:s14+$0x11430] =	vst v3  }
0x1af: {  	v3 =	vld.idx.msk [tilespmem:v8+s11+$0x0], $0xffff;
	v8 =	vor.u32 v33, v48;
	[tilespmem:s22+$0x12070] =	vst v1  }
0x1b0: {  	v1 =	vld.idx.msk [tilespmem:v11+s11+$0x0], $0xffff;
	v11 =	vor.u32 v51, v45  }
0x1b1: {  	[tilespmem:s21+$0x11C60] =	vst v7;
	v7 =	vor.u32 v5, v6  }
0x1b2: {  	v9 =	vld.idx.msk [tilespmem:v9+s11+$0x0], $0xffff  }
0x1b3: {  	[tilespmem:s12+$0x11850] =	vst v10;
	v10 =	vor.u32 v14, v17  }
0x1b4: {  	v8 =	vld.idx.msk [tilespmem:v8+s11+$0x0], $0xffff;
	[tilespmem:s14+$0x11440] =	vst v3  }
0x1b5: {  	v3 =	vld.idx.msk [tilespmem:v11+s11+$0x0], $0xffff;
	v11 =	vor.u32 v50, v48;
	[tilespmem:s22+$0x12400] =	vst v1  }
0x1b6: {  	v1 =	vld.idx.msk [tilespmem:v7+s11+$0x0], $0xffff;
	v7 =	vor.u32 v42, v45  }
0x1b7: {  	[tilespmem:s21+$0x11C70] =	vst v9  }
0x1b8: {  	v9 =	vor.u32 v25, v6;
	v10 =	vld.idx.msk [tilespmem:v10+s11+$0x0], $0xffff  }
0x1b9: {  	[tilespmem:s12+$0x11860] =	vst v8;
	v8 =	vor.u32 v15, v17  }
0x1ba: {  	v11 =	vld.idx.msk [tilespmem:v11+s11+$0x0], $0xffff;
	[tilespmem:s14+$0x11450] =	vst v3  }
0x1bb: {  	s19 =	sadd.s32 $0x1, s20;
	v3 =	vld.idx.msk [tilespmem:v7+s11+$0x0], $0xffff;
	v7 =	vor.u32 v41, v48  }
0x1bc: {  	v55 =	vmov v57;
	v57 =	vmov v12;
	v12 =	vmov s19;
	[tilespmem:s22+$0x12410] =	vst v1  }
0x1bd: {  	v1 =	vld.idx.msk [tilespmem:v9+s11+$0x0], $0xffff;
	v9 =	vor.u32 v37, v45;
	[tilespmem:s21+$0x12000] =	vst v10  }
0x1be: {  	v10 =	vor.u32 v28, v6;
	v8 =	vld.idx.msk [tilespmem:v8+s11+$0x0], $0xffff  }
0x1bf: {  	[tilespmem:s12+$0x11870] =	vst v11;
	v11 =	vor.u32 v26, v17  }
0x1c0: {  	v7 =	vld.idx.msk [tilespmem:v7+s11+$0x0], $0xffff  }
0x1c1: {  	v12 =	vld.idx.msk [tilespmem:v12+s3+$0x0], $0xffff;
	[tilespmem:s14+$0x11460] =	vst v3  }
0x1c2: {  	v3 =	vld.idx.msk [tilespmem:v9+s11+$0x0], $0xffff;
	v9 =	vor.u32 v39, v48;
	[tilespmem:s22+$0x12420] =	vst v1  }
0x1c3: {  	v1 =	vld.idx.msk [tilespmem:v10+s11+$0x0], $0xffff;
	v10 =	vor.u32 v34, v45;
	[tilespmem:s21+$0x12010] =	vst v8  }
0x1c4: {  	v8 =	vor.u32 v27, v6;
	v11 =	vld.idx.msk [tilespmem:v11+s11+$0x0], $0xffff  }
0x1c5: {  	[tilespmem:s12+$0x11C00] =	vst v7;
	v7 =	vor.u32 v32, v17;
	_ =	sdelay $0x1  }
0x1c6: {  	v9 =	vld.idx.msk [tilespmem:v9+s11+$0x0], $0xffff;
	[tilespmem:s14+$0x11470] =	vst v3  }
0x1c7: {  	v0 =	vmovc v49;
	v3 =	vld.idx.msk [tilespmem:v10+s11+$0x0], $0xffff;
	v10 =	vor.u32 v49, v48;
	[tilespmem:s22+$0x12430] =	vst v1;
	v49 =	vshll.u32 v12, $0xA;
	v1 =	vshll.u32 v12, $0x7  }
0x1c8: {  	v2 =	vmovc v50;
	v8 =	vld.idx.msk [tilespmem:v8+s11+$0x0], $0xffff;
	v12 =	vand.u32 $0xFFFFF000, v49;
	v50 =	vand.u32 $0x180, v1;
	v1 =	vor.u32 v35, v45;
	[tilespmem:s21+$0x12020] =	vst v11  }
0x1c9: {  	v53 =	vmov v51;
	v51 =	vor.u32 v50, v12;
	v11 =	vor.u32 v62, v6;
	v7 =	vld.idx.msk [tilespmem:v7+s11+$0x0], $0xffff  }
0x1ca: {  	v12 =	vor.u32 v36, v51  }
0x1cb: {  	[tilespmem:s12+$0x11C10] =	vst v9;
	v9 =	vor.u32 v38, v17  }
0x1cc: {  	v10 =	vld.idx.msk [tilespmem:v10+s11+$0x0], $0xffff;
	[tilespmem:s14+$0x11800] =	vst v3  }
0x1cd: {  	v1 =	vld.idx.msk [tilespmem:v1+s11+$0x0], $0xffff;
	[tilespmem:s22+$0x12440] =	vst v8  }
0x1ce: {  	v31 =	vmov v26;
	v26 =	vor.u32 $0x860, v36;
	v3 =	vor.u32 v29, v48;
	v8 =	vld.idx.msk [tilespmem:v11+s11+$0x0], $0xffff;
	[tilespmem:s21+$0x12030] =	vst v7  }
0x1cf: {  	v11 =	vor.u32 v56, v45;
	v12 =	vld.idx.msk [tilespmem:v12+s11+$0x0], $0xffff;
	[tilespmem:$0x1FC30] =	vst v26  }
0x1d0: {  	v7 =	vor.u32 v26, v6;
	v9 =	vld.idx.msk [tilespmem:v9+s11+$0x0], $0xffff  }
0x1d1: {  	v60 =	vmov v13;
	s25 =	simm.s32 $0x200;
	s15 =	sadd.s32 $0x400, s30;
	v13 =	vmov v14;
	v14 =	vor.u32 v63, v51;
	[tilespmem:s12+$0x11C20] =	vst v10  }
0x1d2: {  	s17 =	sand.u32 $0x380, s25;
	s20 =	sand.u32 $0x6000, s15;
	v10 =	vor.u32 v18, v17;
	[tilespmem:s14+$0x11810] =	vst v1  }
0x1d3: {  	s17 =	sor.u32 s17, s20;
	v3 =	vld.idx.msk [tilespmem:v3+s11+$0x0], $0xffff;
	[tilespmem:s22+$0x12450] =	vst v8  }
0x1d4: {  	v1 =	vld.idx.msk [tilespmem:v11+s11+$0x0], $0xffff;
	v11 =	vor.u32 v59, v48;
	[tilespmem:s17+$0x11400] =	vst v12  }
0x1d5: {  	v58 =	vmov v33;
	v33 =	vor.u32 $0x870, v36;
	v8 =	vor.u32 v20, v45;
	v7 =	vld.idx.msk [tilespmem:v7+s11+$0x0], $0xffff;
	[tilespmem:s21+$0x12040] =	vst v9  }
0x1d6: {  	v12 =	vld.idx.msk [tilespmem:v14+s11+$0x0], $0xffff;
	v9 =	vor.u32 v33, v6;
	[tilespmem:$0x1FC80] =	vst v33  }
0x1d7: {  	v14 =	vor.u32 v16, v51;
	v10 =	vld.idx.msk [tilespmem:v10+s11+$0x0], $0xffff  }
0x1d8: {  	[tilespmem:s12+$0x11C30] =	vst v3  }
0x1d9: {  	v3 =	vor.u32 v19, v17;
	[tilespmem:s14+$0x11820] =	vst v1;
	v11 =	vld.idx.msk [tilespmem:v11+s11+$0x0], $0xffff  }
0x1da: {  	v1 =	vld.idx.msk [tilespmem:v8+s11+$0x0], $0xffff;
	[tilespmem:s22+$0x12460] =	vst v7  }
0x1db: {  	v8 =	vor.u32 v55, v48;
	[tilespmem:s17+$0x11410] =	vst v12;
	v7 =	vld.idx.msk [tilespmem:v9+s11+$0x0], $0xffff  }
0x1dc: {  	v61 =	vor.u32 $0xA00, v36;
	v9 =	vor.u32 v21, v45;
	v14 =	vld.idx.msk [tilespmem:v14+s11+$0x0], $0xffff;
	[tilespmem:s21+$0x12050] =	vst v10  }
0x1dd: {  	v10 =	vor.u32 v61, v6;
	[tilespmem:$0x1FCB0] =	vst v61  }
0x1de: {  	v30 =	vmov v16;
	v16 =	vmov v15;
	v15 =	vor.u32 v54, v51;
	v3 =	vld.idx.msk [tilespmem:v3+s11+$0x0], $0xffff;
	[tilespmem:s12+$0x11C40] =	vst v11  }
0x1df: {  	v11 =	vor.u32 v24, v17;
	[tilespmem:s14+$0x11830] =	vst v1  }
0x1e0: {  	v4 =	vor.u32 $0xA10, v36;
	v52 =	vmov v42;
	v8 =	vld.idx.msk [tilespmem:v8+s11+$0x0], $0xffff;
	[tilespmem:s22+$0x12470] =	vst v7  }
0x1e1: {  	v42 =	vmovc v25;
	v25 =	vmov v63;
	v63 =	vmov v18;
	v18 =	vor.u32 v57, v48;
	v1 =	vld.idx.msk [tilespmem:v9+s11+$0x0], $0xffff;
	[tilespmem:s17+$0x11420] =	vst v14  }
0x1e2: {  	v7 =	vld.idx.msk [tilespmem:v10+s11+$0x0], $0xffff;
	v10 =	vor.u32 v23, v45;
	[tilespmem:$0x1FC10] =	vst v4  }
0x1e3: {  	v14 =	vld.idx.msk [tilespmem:v15+s11+$0x0], $0xffff;
	[tilespmem:s21+$0x12060] =	vst v3;
	v3 =	vor.u32 v4, v6  }
0x1e4: {  	v15 =	vor.u32 v40, v51;
	v11 =	vld.idx.msk [tilespmem:v11+s11+$0x0], $0xffff  }
0x1e5: {  	[tilespmem:s12+$0x11C50] =	vst v8  }
0x1e6: {  	[tilespmem:s14+$0x11840] =	vst v1;
	v18 =	vld.idx.msk [tilespmem:v18+s11+$0x0], $0xffff  }
0x1e7: {  	v8 =	vor.u32 v22, v17;
	v10 =	vld.idx.msk [tilespmem:v10+s11+$0x0], $0xffff;
	[tilespmem:s22+$0x12800] =	vst v7  }
0x1e8: {  	v4 =	vmov v19;
	v19 =	vor.u32 v60, v48;
	[tilespmem:s17+$0x11430] =	vst v14;
	v3 =	vld.idx.msk [tilespmem:v3+s11+$0x0], $0xffff  }
0x1e9: {  	v9 =	vmov v27;
	v27 =	vor.u32 $0xA20, v36;
	v7 =	vor.u32 v58, v45;
	v14 =	vld.idx.msk [tilespmem:v15+s11+$0x0], $0xffff;
	[tilespmem:s21+$0x12070] =	vst v11  }
0x1ea: {  	v11 =	vor.u32 v27, v6;
	[tilespmem:$0x1FD00] =	vst v27  }
0x1eb: {  	v15 =	vor.u32 v53, v51;
	[tilespmem:s12+$0x11C60] =	vst v18  }
0x1ec: {  	v8 =	vld.idx.msk [tilespmem:v8+s11+$0x0], $0xffff;
	[tilespmem:s14+$0x11850] =	vst v10  }
0x1ed: {  	v18 =	vor.u32 v5, v17;
	v19 =	vld.idx.msk [tilespmem:v19+s11+$0x0], $0xffff;
	[tilespmem:s22+$0x12810] =	vst v3  }
0x1ee: {  	v1 =	vor.u32 $0xA30, v36;
	v7 =	vld.idx.msk [tilespmem:v7+s11+$0x0], $0xffff;
	[tilespmem:s17+$0x11440] =	vst v14  }
0x1ef: {  	v10 =	vor.u32 v13, v48;
	v3 =	vld.idx.msk [tilespmem:v11+s11+$0x0], $0xffff;
	[tilespmem:$0x1FD30] =	vst v1  }
0x1f0: {  	v11 =	vor.u32 v2, v45;
	v14 =	vld.idx.msk [tilespmem:v15+s11+$0x0], $0xffff  }
0x1f1: {  	[tilespmem:s21+$0x12400] =	vst v8;
	v8 =	vor.u32 v1, v6  }
0x1f2: {  	v60 =	vmov v42;
	v15 =	vld.idx.msk [tilespmem:v18+s11+$0x0], $0xffff;
	v18 =	vor.u32 v52, v51;
	[tilespmem:s12+$0x11C70] =	vst v19  }
0x1f3: {  	s19 =	sadd.s32 $0x1, s19;
	v19 =	vor.u32 v60, v17;
	[tilespmem:s14+$0x11860] =	vst v7  }
0x1f4: {  	v42 =	vmov v20;
	v20 =	vmov s19;
	v10 =	vld.idx.msk [tilespmem:v10+s11+$0x0], $0xffff;
	[tilespmem:s22+$0x12820] =	vst v3  }
0x1f5: {  	v1 =	vor.u32 $0xA40, v36;
	v7 =	vld.idx.msk [tilespmem:v11+s11+$0x0], $0xffff;
	v11 =	vor.u32 v16, v48;
	[tilespmem:s17+$0x11450] =	vst v14  }
0x1f6: {  	v3 =	vld.idx.msk [tilespmem:v8+s11+$0x0], $0xffff;
	v8 =	vor.u32 v41, v45;
	[tilespmem:$0x1FD60] =	vst v1  }
0x1f7: {  	v14 =	vld.idx.msk [tilespmem:v18+s11+$0x0], $0xffff;
	[tilespmem:s21+$0x12410] =	vst v15;
	v15 =	vor.u32 v1, v6  }
0x1f8: {  	v18 =	vld.idx.msk [tilespmem:v19+s11+$0x0], $0xffff;
	v19 =	vor.u32 v37, v51  }
0x1f9: {  	v20 =	vld.idx.msk [tilespmem:v20+s3+$0x0], $0xffff;
	[tilespmem:s12+$0x12000] =	vst v10;
	v10 =	vor.u32 v28, v17  }
0x1fa: {  	v11 =	vld.idx.msk [tilespmem:v11+s11+$0x0], $0xffff;
	[tilespmem:s14+$0x11870] =	vst v7  }
0x1fb: {  	v7 =	vld.idx.msk [tilespmem:v8+s11+$0x0], $0xffff;
	v8 =	vor.u32 v31, v48;
	[tilespmem:s22+$0x12830] =	vst v3  }
0x1fc: {  	v37 =	vor.u32 $0xA50, v36;
	[tilespmem:s17+$0x11460] =	vst v14;
	v3 =	vld.idx.msk [tilespmem:v15+s11+$0x0], $0xffff;
	v14 =	vor.u32 v39, v45  }
0x1fd: {  	v15 =	vld.idx.msk [tilespmem:v19+s11+$0x0], $0xffff;
	[tilespmem:s21+$0x12420] =	vst v18;
	v18 =	vor.u32 v37, v6  }
0x1fe: {  	s24 =	sadd.s32 $0x1, s19;
	v19 =	vor.u32 v34, v51;
	v10 =	vld.idx.msk [tilespmem:v10+s11+$0x0], $0xffff  }
0x1ff: {  	v2 =	vmov v21;
	v21 =	vmov s24;
	[tilespmem:s12+$0x12010] =	vst v11  }
0x200: {  	v11 =	vor.u32 v9, v17;
	v8 =	vld.idx.msk [tilespmem:v8+s11+$0x0], $0xffff;
	[tilespmem:s14+$0x11C00] =	vst v7  }
0x201: {  	v7 =	vld.idx.msk [tilespmem:v14+s11+$0x0], $0xffff;
	v14 =	vor.u32 v32, v48;
	[tilespmem:s22+$0x12840] =	vst v3  }
0x202: {  	v9 =	vor.u32 $0xA60, v36;
	[tilespmem:s17+$0x11470] =	vst v15;
	v3 =	vld.idx.msk [tilespmem:v18+s11+$0x0], $0xffff;
	v18 =	vor.u32 v0, v45  }
0x203: {  	v12 =	vmovc v52;
	v52 =	vshll.u32 v20, $0xA;
	v19 =	vld.idx.msk [tilespmem:v19+s11+$0x0], $0xffff;
	[tilespmem:s21+$0x12430] =	vst v10;
	v10 =	vshll.u32 v20, $0x7;
	v20 =	vor.u32 v9, v6  }
0x204: {  	v15 =	vld.idx.msk [tilespmem:v21+s3+$0x0], $0xffff;
	v53 =	vand.u32 $0x180, v10;
	v10 =	vor.u32 v35, v51  }
0x205: {  	v11 =	vld.idx.msk [tilespmem:v11+s11+$0x0], $0xffff;
	[tilespmem:s12+$0x12020] =	vst v8  }
0x206: {  	v14 =	vld.idx.msk [tilespmem:v14+s11+$0x0], $0xffff;
	[tilespmem:s14+$0x11C10] =	vst v7  }
0x207: {  	v41 =	vmov v22;
	v22 =	vand.u32 $0xFFFFF000, v52;
	v7 =	vld.idx.msk [tilespmem:v18+s11+$0x0], $0xffff;
	[tilespmem:s22+$0x12850] =	vst v3  }
0x208: {  	v58 =	vor.u32 v53, v22;
	[tilespmem:s17+$0x11800] =	vst v19;
	v19 =	vld.idx.msk [tilespmem:v20+s11+$0x0], $0xffff  }
0x209: {  	v21 =	vor.u32 v36, v58;
	v10 =	vld.idx.msk [tilespmem:v10+s11+$0x0], $0xffff  }
0x20a: {  	[tilespmem:s21+$0x12440] =	vst v11  }
0x20b: {  	v13 =	vmov v62;
	[tilespmem:s12+$0x12030] =	vst v14  }
0x20c: {  	v8 =	vor.u32 v13, v17;
	[tilespmem:s14+$0x11C20] =	vst v7  }
0x20d: {  	v18 =	vor.u32 v38, v48;
	[tilespmem:s22+$0x12860] =	vst v19  }
0x20e: {  	v13 =	vor.u32 $0xA70, v36;
	v20 =	vor.u32 v29, v45;
	v21 =	vld.idx.msk [tilespmem:v21+s11+$0x0], $0xffff;
	[tilespmem:s17+$0x11810] =	vst v10  }
0x20f: {  	v6 =	vor.u32 v13, v6;
	v3 =	vld [tilespmem:$0x1FBF0]  }
0x210: {  	v22 =	vor.u32 v25, v58;
	v0 =	vld [tilespmem:$0x1FC00]  }
0x211: {  	s26 =	simm.s32 $0x280;
	s19 =	sadd.s32 $0x400, s15;
	v11 =	vor.u32 v56, v51;
	v8 =	vld.idx.msk [tilespmem:v8+s11+$0x0], $0xffff  }
0x212: {  	s20 =	sand.u32 $0x380, s26;
	s25 =	sand.u32 $0x6000, s19;
	v14 =	vor.u32 v26, v17;
	v18 =	vld.idx.msk [tilespmem:v18+s11+$0x0], $0xffff  }
0x213: {  	s20 =	sor.u32 s20, s25;
	v7 =	vld.idx.msk [tilespmem:v20+s11+$0x0], $0xffff;
	v20 =	vor.u32 v63, v48  }
0x214: {  	v6 =	vld.idx.msk [tilespmem:v6+s11+$0x0], $0xffff;
	v10 =	vor.u32 v59, v45;
	[tilespmem:s20+$0x11400] =	vst v21  }
0x215: {  	v62 =	vmov v16;
	v59 =	vor.u32 $0xC00, v36;
	v19 =	vld.idx.msk [tilespmem:v22+s11+$0x0], $0xffff;
	v16 =	vor.u32 v3, v0  }
0x216: {  	[tilespmem:s21+$0x12450] =	vst v8;
	v0 =	vld.idx.msk [tilespmem:v11+s11+$0x0], $0xffff;
	v8 =	vor.u32 v59, v16  }
0x217: {  	[tilespmem:s12+$0x12040] =	vst v18;
	v11 =	vld.idx.msk [tilespmem:v14+s11+$0x0], $0xffff;
	v14 =	vor.u32 v42, v51  }
0x218: {  	v21 =	vor.u32 v30, v58;
	v20 =	vld.idx.msk [tilespmem:v20+s11+$0x0], $0xffff;
	[tilespmem:s14+$0x11C30] =	vst v7  }
0x219: {  	v7 =	vld.idx.msk [tilespmem:v10+s11+$0x0], $0xffff;
	v10 =	vor.u32 v4, v48;
	[tilespmem:s22+$0x12870] =	vst v6  }
0x21a: {  	v18 =	vor.u32 v33, v17;
	[tilespmem:s20+$0x11410] =	vst v19  }
0x21b: {  	v35 =	vor.u32 $0xC10, v36;
	[tilespmem:s17+$0x11820] =	vst v0;
	v6 =	vld.idx.msk [tilespmem:v8+s11+$0x0], $0xffff;
	v8 =	vor.u32 v55, v45  }
0x21c: {  	[tilespmem:s21+$0x12460] =	vst v11;
	v11 =	vor.u32 v35, v16;
	v14 =	vld.idx.msk [tilespmem:v14+s11+$0x0], $0xffff  }
0x21d: {  	v19 =	vor.u32 v2, v51;
	v21 =	vld.idx.msk [tilespmem:v21+s11+$0x0], $0xffff;
	[tilespmem:s12+$0x12050] =	vst v20  }
0x21e: {  	v10 =	vld.idx.msk [tilespmem:v10+s11+$0x0], $0xffff  }
0x21f: {  	[tilespmem:s14+$0x11C40] =	vst v7;
	v18 =	vld.idx.msk [tilespmem:v18+s11+$0x0], $0xffff  }
0x220: {  	v7 =	vld.idx.msk [tilespmem:v8+s11+$0x0], $0xffff;
	[tilespmem:s22+$0x12C00] =	vst v6  }
0x221: {  	v20 =	vor.u32 v61, v17;
	[tilespmem:s17+$0x11830] =	vst v14;
	v11 =	vld.idx.msk [tilespmem:v11+s11+$0x0], $0xffff  }
0x222: {  	v22 =	vor.u32 v54, v58;
	[tilespmem:s20+$0x11420] =	vst v21;
	v19 =	vld.idx.msk [tilespmem:v19+s11+$0x0], $0xffff  }
0x223: {  	[tilespmem:s12+$0x12060] =	vst v10  }
0x224: {  	[tilespmem:s21+$0x12470] =	vst v18  }
0x225: {  	v14 =	vor.u32 v57, v45;
	v57 =	vld [tilespmem:$0x1FC10];
	[tilespmem:s14+$0x11C50] =	vst v7  }
0x226: {  	v56 =	vmov v42;
	v42 =	vor.u32 $0xC20, v36;
	v8 =	vor.u32 v24, v48;
	v20 =	vld.idx.msk [tilespmem:v20+s11+$0x0], $0xffff;
	[tilespmem:s22+$0x12C10] =	vst v11  }
0x227: {  	v22 =	vld.idx.msk [tilespmem:v22+s11+$0x0], $0xffff;
	v18 =	vor.u32 v42, v16;
	[tilespmem:s17+$0x11840] =	vst v19  }
0x228: {  	v0 =	vld [tilespmem:$0x1FFD0];
	_ =	sdelay $0x2  }
0x229: {  	v8 =	vld.idx.msk [tilespmem:v8+s11+$0x0], $0xffff;
	[tilespmem:s21+$0x12800] =	vst v20  }
0x22a: {  	v21 =	vor.u32 v23, v51;
	v11 =	vld.idx.msk [tilespmem:v18+s11+$0x0], $0xffff;
	[tilespmem:s20+$0x11430] =	vst v22  }
0x22b: {  	v18 =	vor.u32 v0, v45;
	v0 =	vld [tilespmem:$0x1FF00];
	_ =	sdelay $0x1  }
0x22c: {  	v14 =	vld.idx.msk [tilespmem:v14+s11+$0x0], $0xffff  }
0x22d: {  	v10 =	vor.u32 v57, v17  }
0x22e: {  	v55 =	vmov v23;
	v23 =	vor.u32 v40, v58;
	v19 =	vld.idx.msk [tilespmem:v21+s11+$0x0], $0xffff;
	[tilespmem:s12+$0x12070] =	vst v8  }
0x22f: {  	v21 =	vor.u32 v0, v51;
	v0 =	vld [tilespmem:$0x1FEB0];
	_ =	sdelay $0x1  }
0x230: {  	v1 =	vmov v5;
	v5 =	vld [tilespmem:$0x1FF80];
	[tilespmem:s14+$0x11C60] =	vst v14  }
0x231: {  	v10 =	vld.idx.msk [tilespmem:v10+s11+$0x0], $0xffff;
	[tilespmem:s22+$0x12C20] =	vst v11  }
0x232: {  	v24 =	vor.u32 v41, v48;
	v22 =	vld.idx.msk [tilespmem:v23+s11+$0x0], $0xffff;
	[tilespmem:s17+$0x11850] =	vst v19  }
0x233: {  	v25 =	vor.u32 v0, v58;
	v0 =	vld [tilespmem:$0x1FFB0];
	_ =	sdelay $0x1  }
0x234: {  	v41 =	vor.u32 $0xC30, v36  }
0x235: {  	v20 =	vor.u32 v41, v16;
	[tilespmem:s21+$0x12810] =	vst v10  }
0x236: {  	v24 =	vld.idx.msk [tilespmem:v24+s11+$0x0], $0xffff;
	[tilespmem:s20+$0x11440] =	vst v22  }
0x237: {  	v19 =	vor.u32 v0, v45;
	v0 =	vld [tilespmem:$0x1FF10];
	_ =	sdelay $0x1  }
0x238: {  	v23 =	vor.u32 v27, v17;
	v14 =	vld.idx.msk [tilespmem:v18+s11+$0x0], $0xffff  }
0x239: {  	v11 =	vld.idx.msk [tilespmem:v20+s11+$0x0], $0xffff  }
0x23a: {  	v18 =	vor.u32 v1, v48;
	v20 =	vld.idx.msk [tilespmem:v21+s11+$0x0], $0xffff;
	[tilespmem:s12+$0x12400] =	vst v24  }
0x23b: {  	v54 =	vor.u32 $0xC40, v36;
	v22 =	vor.u32 v0, v51;
	v0 =	vld [tilespmem:$0x1FD30]  }
0x23c: {  	v10 =	vor.u32 v54, v16  }
0x23d: {  	v21 =	vld.idx.msk [tilespmem:v23+s11+$0x0], $0xffff  }
0x23e: {  	v23 =	vld.idx.msk [tilespmem:v25+s11+$0x0], $0xffff;
	[tilespmem:s14+$0x11C70] =	vst v14  }
0x23f: {  	v18 =	vld.idx.msk [tilespmem:v18+s11+$0x0], $0xffff;
	[tilespmem:s22+$0x12C30] =	vst v11  }
0x240: {  	[tilespmem:s17+$0x11860] =	vst v20;
	v14 =	vld.idx.msk [tilespmem:v19+s11+$0x0], $0xffff;
	v24 =	vor.u32 v0, v17;
	v0 =	vor.u32 $0xC50, v36  }
0x241: {  	v11 =	vld.idx.msk [tilespmem:v10+s11+$0x0], $0xffff;
	[tilespmem:$0x1FD50] =	vst v0  }
0x242: {  	[tilespmem:s21+$0x12820] =	vst v21  }
0x243: {  	[tilespmem:s20+$0x11450] =	vst v23  }
0x244: {  	v21 =	vor.u32 v0, v16;
	v0 =	vld [tilespmem:$0x1FF20];
	_ =	sdelay $0x3  }
0x245: {  	[tilespmem:s12+$0x12410] =	vst v18;
	v23 =	vld.idx.msk [tilespmem:v24+s11+$0x0], $0xffff  }
0x246: {  	v24 =	vor.u32 v0, v51;
	v0 =	vld [tilespmem:$0x1FD60];
	_ =	sdelay $0x1  }
0x247: {  	v3 =	vmov v60;
	v25 =	vor.u32 v12, v58  }
0x248: {  	v19 =	vor.u32 v3, v48;
	_ =	sdelay $0x1  }
0x249: {  	v18 =	vor.u32 v0, v17;
	v0 =	vld [tilespmem:$0x1FED0]  }
0x24a: {  	v20 =	vor.u32 v62, v45;
	v22 =	vld.idx.msk [tilespmem:v22+s11+$0x0], $0xffff  }
0x24b: {  	v25 =	vld.idx.msk [tilespmem:v25+s11+$0x0], $0xffff  }
0x24c: {  	v19 =	vld.idx.msk [tilespmem:v19+s11+$0x0], $0xffff  }
0x24d: {  	v38 =	vld [tilespmem:$0x1FF90];
	[tilespmem:s22+$0x12C40] =	vst v11  }
0x24e: {  	[tilespmem:s14+$0x12000] =	vst v14;
	v21 =	vld.idx.msk [tilespmem:v21+s11+$0x0], $0xffff;
	v26 =	vor.u32 v0, v58  }
0x24f: {  	[tilespmem:s17+$0x11870] =	vst v22;
	v14 =	vld.idx.msk [tilespmem:v20+s11+$0x0], $0xffff;
	v20 =	vor.u32 v28, v48  }
0x250: {  	v22 =	vor.u32 v31, v45;
	[tilespmem:s21+$0x12830] =	vst v23;
	v24 =	vld.idx.msk [tilespmem:v24+s11+$0x0], $0xffff  }
0x251: {  	[tilespmem:s20+$0x11460] =	vst v25;
	v25 =	vor.u32 v39, v51;
	v0 =	vor.u32 $0xC60, v36  }
0x252: {  	s25 =	sadd.s32 $0x1, s24;
	[tilespmem:s12+$0x12420] =	vst v19;
	v18 =	vld.idx.msk [tilespmem:v18+s11+$0x0], $0xffff;
	v23 =	vor.u32 v0, v16  }
0x253: {  	[tilespmem:s22+$0x12C50] =	vst v21;
	v21 =	vmov s25;
	v26 =	vld.idx.msk [tilespmem:v26+s11+$0x0], $0xffff  }
0x254: {  	v20 =	vld.idx.msk [tilespmem:v20+s11+$0x0], $0xffff;
	[tilespmem:s14+$0x12010] =	vst v14  }
0x255: {  	[tilespmem:s17+$0x11C00] =	vst v24;
	v22 =	vld.idx.msk [tilespmem:v22+s11+$0x0], $0xffff  }
0x256: {  	v24 =	vld.idx.msk [tilespmem:v25+s11+$0x0], $0xffff  }
0x257: {  	v19 =	vor.u32 v37, v17;
	[tilespmem:s21+$0x12840] =	vst v18;
	v23 =	vld.idx.msk [tilespmem:v23+s11+$0x0], $0xffff  }
0x258: {  	v28 =	vor.u32 v5, v48;
	v21 =	vld.idx.msk [tilespmem:v21+s3+$0x0], $0xffff;
	[tilespmem:s20+$0x11470] =	vst v26  }
0x259: {  	v25 =	vor.u32 v32, v45;
	v6 =	vld [tilespmem:$0x1FE60]  }
0x25a: {  	v27 =	vor.u32 v34, v58;
	v4 =	vmov v5;
	v5 =	vor.u32 $0xC70, v36;
	v14 =	vld [tilespmem:$0x1FF40];
	[tilespmem:s12+$0x12430] =	vst v20  }
0x25b: {  	v8 =	vmov v37;
	v37 =	vmov v29;
	v29 =	vor.u32 v5, v16;
	v1 =	vld [tilespmem:$0x1FEE0]  }
0x25c: {  	v26 =	vld.idx.msk [tilespmem:v19+s11+$0x0], $0xffff  }
0x25d: {  	v60 =	vmovc v40;
	v40 =	vmov v0;
	v0 =	vmov v31;
	v31 =	vor.u32 v9, v17;
	v28 =	vld.idx.msk [tilespmem:v28+s11+$0x0], $0xffff;
	[tilespmem:s14+$0x12020] =	vst v22  }
0x25e: {  	v22 =	vld.idx.msk [tilespmem:v25+s11+$0x0], $0xffff;
	v25 =	vor.u32 v38, v48  }
0x25f: {  	v27 =	vld.idx.msk [tilespmem:v27+s11+$0x0], $0xffff;
	[tilespmem:s22+$0x12C60] =	vst v23;
	v30 =	vor.u32 v14, v51  }
0x260: {  	v18 =	vshll.u32 v15, $0xA;
	v15 =	vshll.u32 v15, $0x7;
	[tilespmem:s17+$0x11C10] =	vst v24;
	v24 =	vld.idx.msk [tilespmem:v29+s11+$0x0], $0xffff;
	v62 =	vor.u32 v1, v58  }
0x261: {  	v33 =	vmovc v2;
	v2 =	vmovc v39;
	v39 =	vmov v5;
	v19 =	vand.u32 $0x180, v15;
	v20 =	vand.u32 $0xFFFFF000, v18;
	v5 =	vld [tilespmem:$0x1FFF0];
	[tilespmem:s21+$0x12850] =	vst v26  }
0x262: {  	v20 =	vor.u32 v19, v20;
	v26 =	vld.idx.msk [tilespmem:v31+s11+$0x0], $0xffff;
	[tilespmem:s12+$0x12440] =	vst v28  }
0x263: {  	v23 =	vor.u32 v36, v20;
	v25 =	vld.idx.msk [tilespmem:v25+s11+$0x0], $0xffff  }
0x264: {  	v7 =	vor.u32 $0xE00, v36;
	[tilespmem:s20+$0x11800] =	vst v27;
	v29 =	vld.idx.msk [tilespmem:v30+s11+$0x0], $0xffff  }
0x265: {  	v27 =	vor.u32 v7, v16;
	v31 =	vld.idx.msk [tilespmem:v62+s11+$0x0], $0xffff;
	[tilespmem:$0x1FC20] =	vst v13  }
0x266: {  	v30 =	vor.u32 v5, v45;
	[tilespmem:s14+$0x12030] =	vst v22  }
0x267: {  	v17 =	vor.u32 v13, v17;
	v28 =	vor.u32 v6, v58;
	v6 =	vld [tilespmem:$0x1FC30]  }
0x268: {  	v62 =	vor.u32 v37, v51;
	v23 =	vld.idx.msk [tilespmem:v23+s11+$0x0], $0xffff;
	[tilespmem:s22+$0x12C70] =	vst v24  }
0x269: {  	v10 =	vld [tilespmem:$0x1FE70]  }
0x26a: {  	v27 =	vld.idx.msk [tilespmem:v27+s11+$0x0], $0xffff;
	[tilespmem:s21+$0x12860] =	vst v26  }
0x26b: {  	v22 =	vld.idx.msk [tilespmem:v30+s11+$0x0], $0xffff;
	[tilespmem:s17+$0x11C20] =	vst v29  }
0x26c: {  	v26 =	vld.idx.msk [tilespmem:v17+s11+$0x0], $0xffff;
	[tilespmem:s20+$0x11810] =	vst v31;
	v30 =	vor.u32 v6, v48;
	v6 =	vor.u32 $0xE10, v36  }
0x26d: {  	v29 =	vld.idx.msk [tilespmem:v62+s11+$0x0], $0xffff;
	[tilespmem:$0x1FC40] =	vst v6  }
0x26e: {  	v3 =	vmov v32;
	v32 =	vor.u32 v63, v45;
	v63 =	vld [tilespmem:$0x1FFE0];
	[tilespmem:s12+$0x12450] =	vst v25  }
0x26f: {  	s0 =	simm.s32 $0x300;
	s24 =	sadd.s32 $0x400, s19;
	v31 =	vor.u32 v6, v16;
	v6 =	vld [tilespmem:$0x1FC50]  }
0x270: {  	s26 =	sand.u32 $0x6000, s24;
	v1 =	vmov v38;
	v38 =	vmov v5;
	v5 =	vmov v7;
	s22 =	sand.u32 $0x380, s0;
	v7 =	vld [tilespmem:$0x1FC60]  }
0x271: {  	s22 =	sor.u32 s22, s26  }
0x272: {  	v28 =	vld.idx.msk [tilespmem:v28+s11+$0x0], $0xffff;
	[tilespmem:s22+$0x11400] =	vst v23  }
0x273: {  	v61 =	vmov v9;
	v9 =	vmov v14;
	v14 =	vld.idx.msk [tilespmem:v30+s11+$0x0], $0xffff;
	[tilespmem:$0x1FC70] =	vst v59  }
0x274: {  	s28 =	sand.u32 $0x7, s16;
	[tilespmem:s14+$0x12040] =	vst v22  }
0x275: {  	s0 =	sshll.u32 s28, $0x7;
	v17 =	vor.u32 v6, v7;
	v6 =	vld [tilespmem:$0x1FC80]  }
0x276: {  	s26 =	sadd.s32 s0, s23;
	v24 =	vor.u32 v10, v20  }
0x277: {  	s23 =	sor.u32 $0x1C00, s26  }
0x278: {  	[tilespmem:s23+$0x11400] =	vst v27  }
0x279: {  	v62 =	vor.u32 v63, v51;
	v11 =	vld [tilespmem:$0x1FE80];
	[tilespmem:s17+$0x11C30] =	vst v29  }
0x27a: {  	v23 =	vor.u32 v59, v17;
	v30 =	vor.u32 v6, v48;
	v6 =	vld [tilespmem:$0x1FDE0]  }
0x27b: {  	v24 =	vld.idx.msk [tilespmem:v24+s11+$0x0], $0xffff  }
0x27c: {  	v22 =	vld.idx.msk [tilespmem:v32+s11+$0x0], $0xffff  }
0x27d: {  	v25 =	vor.u32 v56, v58;
	v29 =	vld.idx.msk [tilespmem:v31+s11+$0x0], $0xffff  }
0x27e: {  	v31 =	vld.idx.msk [tilespmem:v62+s11+$0x0], $0xffff;
	[tilespmem:s21+$0x12870] =	vst v26  }
0x27f: {  	v7 =	vmov v56;
	[tilespmem:s20+$0x11820] =	vst v28;
	v23 =	vld.idx.msk [tilespmem:v23+s11+$0x0], $0xffff;
	v56 =	vor.u32 v6, v45;
	v6 =	vor.u32 $0xE20, v36  }
0x280: {  	[tilespmem:$0x1FC90] =	vst v6;
	v26 =	vor.u32 v6, v16;
	v6 =	vld [tilespmem:$0x1FE40]  }
0x281: {  	[tilespmem:s12+$0x12460] =	vst v14  }
0x282: {  	v25 =	vld.idx.msk [tilespmem:v25+s11+$0x0], $0xffff;
	[tilespmem:s22+$0x11410] =	vst v24  }
0x283: {  	v24 =	vld.idx.msk [tilespmem:v30+s11+$0x0], $0xffff;
	[tilespmem:$0x1FCA0] =	vst v35  }
0x284: {  	[tilespmem:s14+$0x12050] =	vst v22  }
0x285: {  	v28 =	vor.u32 v6, v51;
	v6 =	vld [tilespmem:$0x1FCB0];
	_ =	sdelay $0x1  }
0x286: {  	s0 =	sor.u32 $0x1C10, s26  }
0x287: {  	v27 =	vor.u32 v11, v20;
	v22 =	vld.idx.msk [tilespmem:v56+s11+$0x0], $0xffff;
	[tilespmem:s0+$0x11400] =	vst v29  }
0x288: {  	v15 =	vld [tilespmem:$0x1FE90];
	[tilespmem:s17+$0x11C40] =	vst v31  }
0x289: {  	v56 =	vor.u32 v6, v48;
	v6 =	vld [tilespmem:$0x1FDF0]  }
0x28a: {  	v30 =	vor.u32 v35, v17  }
0x28b: {  	v12 =	vmov v33  }
0x28c: {  	v59 =	vor.u32 v12, v58;
	v27 =	vld.idx.msk [tilespmem:v27+s11+$0x0], $0xffff  }
0x28d: {  	v26 =	vld.idx.msk [tilespmem:v26+s11+$0x0], $0xffff;
	[tilespmem:s21+$0x12C00] =	vst v23  }
0x28e: {  	v28 =	vld.idx.msk [tilespmem:v28+s11+$0x0], $0xffff;
	[tilespmem:s20+$0x11830] =	vst v25;
	v31 =	vor.u32 v6, v45;
	v6 =	vor.u32 $0xE30, v36  }
0x28f: {  	v23 =	vld.idx.msk [tilespmem:v30+s11+$0x0], $0xffff;
	[tilespmem:$0x1FCC0] =	vst v6  }
0x290: {  	v25 =	vor.u32 v6, v16;
	v6 =	vld [tilespmem:$0x1FE50];
	[tilespmem:s12+$0x12470] =	vst v24  }
0x291: {  	v30 =	vld.idx.msk [tilespmem:v59+s11+$0x0], $0xffff;
	[tilespmem:s22+$0x11420] =	vst v27  }
0x292: {  	v29 =	vor.u32 v15, v20;
	v24 =	vld.idx.msk [tilespmem:v56+s11+$0x0], $0xffff;
	[tilespmem:$0x1FCD0] =	vst v42  }
0x293: {  	s0 =	sor.u32 $0x1C20, s26;
	[tilespmem:s14+$0x12060] =	vst v22  }
0x294: {  	[tilespmem:s0+$0x11400] =	vst v26  }
0x295: {  	v27 =	vor.u32 v42, v17;
	[tilespmem:s17+$0x11C50] =	vst v28  }
0x296: {  	v59 =	vor.u32 v6, v51;
	v6 =	vld [tilespmem:$0x1FE00]  }
0x297: {  	v29 =	vld.idx.msk [tilespmem:v29+s11+$0x0], $0xffff  }
0x298: {  	v22 =	vld.idx.msk [tilespmem:v31+s11+$0x0], $0xffff  }
0x299: {  	v42 =	vor.u32 v55, v58;
	v25 =	vld.idx.msk [tilespmem:v25+s11+$0x0], $0xffff;
	[tilespmem:s21+$0x12C10] =	vst v23  }
0x29a: {  	v13 =	vmov v55;
	v55 =	vmov v60;
	v31 =	vor.u32 v57, v48;
	v23 =	vld.idx.msk [tilespmem:v27+s11+$0x0], $0xffff  }
0x29b: {  	v26 =	vor.u32 v60, v20;
	[tilespmem:s20+$0x11840] =	vst v30;
	v28 =	vld.idx.msk [tilespmem:v59+s11+$0x0], $0xffff;
	v60 =	vor.u32 v6, v45;
	v6 =	vor.u32 $0xE40, v36  }
0x29c: {  	[tilespmem:$0x1FCE0] =	vst v6;
	v27 =	vor.u32 v6, v16;
	v6 =	vld [tilespmem:$0x1FFD0]  }
0x29d: {  	[tilespmem:s12+$0x12800] =	vst v24  }
0x29e: {  	v30 =	vld.idx.msk [tilespmem:v42+s11+$0x0], $0xffff;
	[tilespmem:s22+$0x11430] =	vst v29  }
0x29f: {  	v24 =	vld.idx.msk [tilespmem:v31+s11+$0x0], $0xffff;
	[tilespmem:$0x1FCF0] =	vst v41  }
0x2a0: {  	v14 =	vld [tilespmem:$0x1FF00];
	[tilespmem:s14+$0x12070] =	vst v22  }
0x2a1: {  	v42 =	vmov v6;
	v57 =	vor.u32 v6, v51;
	v6 =	vld [tilespmem:$0x1FD00];
	_ =	sdelay $0x1  }
0x2a2: {  	s0 =	sor.u32 $0x1C30, s26  }
0x2a3: {  	v22 =	vld.idx.msk [tilespmem:v60+s11+$0x0], $0xffff;
	[tilespmem:s0+$0x11400] =	vst v25  }
0x2a4: {  	v60 =	vld [tilespmem:$0x1FEB0];
	[tilespmem:s17+$0x11C60] =	vst v28  }
0x2a5: {  	v29 =	vor.u32 v41, v17;
	v41 =	vor.u32 v6, v48;
	v6 =	vld [tilespmem:$0x1FE10];
	_ =	sdelay $0x1  }
0x2a6: {  	v26 =	vld.idx.msk [tilespmem:v26+s11+$0x0], $0xffff  }
0x2a7: {  	v27 =	vld.idx.msk [tilespmem:v27+s11+$0x0], $0xffff  }
0x2a8: {  	v59 =	vmov v63;
	v28 =	vld.idx.msk [tilespmem:v57+s11+$0x0], $0xffff;
	[tilespmem:s21+$0x12C20] =	vst v23  }
0x2a9: {  	v31 =	vor.u32 v14, v58;
	[tilespmem:s20+$0x11850] =	vst v30;
	v23 =	vld.idx.msk [tilespmem:v29+s11+$0x0], $0xffff;
	v63 =	vor.u32 v6, v45;
	v6 =	vor.u32 $0xE50, v36  }
0x2aa: {  	[tilespmem:$0x1FD10] =	vst v6;
	v29 =	vor.u32 v6, v16;
	v6 =	vld [tilespmem:$0x1FFB0];
	_ =	sdelay $0x2  }
0x2ab: {  	[tilespmem:s12+$0x12810] =	vst v24  }
0x2ac: {  	v30 =	vld.idx.msk [tilespmem:v31+s11+$0x0], $0xffff;
	[tilespmem:s22+$0x11440] =	vst v26  }
0x2ad: {  	v56 =	vmov v6;
	v31 =	vor.u32 v6, v51;
	v6 =	vld [tilespmem:$0x1FF10];
	_ =	sdelay $0x2  }
0x2ae: {  	v24 =	vld.idx.msk [tilespmem:v41+s11+$0x0], $0xffff;
	[tilespmem:$0x1FD20] =	vst v54  }
0x2af: {  	[tilespmem:s14+$0x12400] =	vst v22  }
0x2b0: {  	v62 =	vmovc v12;
	v12 =	vmov v37;
	v57 =	vmov v6;
	v37 =	vor.u32 v6, v58;
	v6 =	vld [tilespmem:$0x1FD30];
	_ =	sdelay $0x1  }
0x2b1: {  	s0 =	sor.u32 $0x1C40, s26  }
0x2b2: {  	v25 =	vor.u32 v60, v20;
	v41 =	vld.idx.msk [tilespmem:v63+s11+$0x0], $0xffff;
	[tilespmem:s0+$0x11400] =	vst v27  }
0x2b3: {  	v63 =	vld [tilespmem:$0x1FEC0];
	[tilespmem:s17+$0x11C70] =	vst v28  }
0x2b4: {  	v26 =	vor.u32 v54, v17;
	v54 =	vor.u32 v6, v48;
	v6 =	vld [tilespmem:$0x1FE20];
	_ =	sdelay $0x2  }
0x2b5: {  	v25 =	vld.idx.msk [tilespmem:v25+s11+$0x0], $0xffff  }
0x2b6: {  	v28 =	vld.idx.msk [tilespmem:v29+s11+$0x0], $0xffff;
	[tilespmem:s21+$0x12C30] =	vst v23  }
0x2b7: {  	v29 =	vld.idx.msk [tilespmem:v31+s11+$0x0], $0xffff;
	[tilespmem:s20+$0x11860] =	vst v30;
	v31 =	vor.u32 v6, v45;
	v6 =	vor.u32 $0xE60, v36  }
0x2b8: {  	v30 =	vld.idx.msk [tilespmem:v26+s11+$0x0], $0xffff;
	[tilespmem:$0x1FD40] =	vst v6  }
0x2b9: {  	[tilespmem:s12+$0x12820] =	vst v24  }
0x2ba: {  	v26 =	vor.u32 v6, v16;
	v6 =	vld [tilespmem:$0x1FFC0];
	_ =	sdelay $0x3  }
0x2bb: {  	v33 =	vld.idx.msk [tilespmem:v37+s11+$0x0], $0xffff;
	[tilespmem:s22+$0x11450] =	vst v25  }
0x2bc: {  	v37 =	vmov v6;
	v35 =	vor.u32 v6, v51;
	v6 =	vld [tilespmem:$0x1FD50];
	_ =	sdelay $0x2  }
0x2bd: {  	s0 =	sor.u32 $0x1C50, s26;
	[tilespmem:s14+$0x12410] =	vst v41  }
0x2be: {  	[tilespmem:s0+$0x11400] =	vst v28  }
0x2bf: {  	v22 =	vor.u32 v6, v17;
	v6 =	vld [tilespmem:$0x1FF20];
	_ =	sdelay $0x2  }
0x2c0: {  	v27 =	vor.u32 v63, v20;
	v24 =	vld.idx.msk [tilespmem:v54+s11+$0x0], $0xffff;
	[tilespmem:s17+$0x12000] =	vst v29  }
0x2c1: {  	v54 =	vld [tilespmem:$0x1FED0]  }
0x2c2: {  	v41 =	vmov v6;
	v32 =	vor.u32 v6, v58;
	v6 =	vld [tilespmem:$0x1FD60];
	[tilespmem:s21+$0x12C40] =	vst v30  }
0x2c3: {  	[tilespmem:s20+$0x11870] =	vst v33  }
0x2c4: {  	v28 =	vld [tilespmem:$0x1FE30]  }
0x2c5: {  	v27 =	vld.idx.msk [tilespmem:v27+s11+$0x0], $0xffff  }
0x2c6: {  	v23 =	vld.idx.msk [tilespmem:v31+s11+$0x0], $0xffff  }
0x2c7: {  	v25 =	vld.idx.msk [tilespmem:v26+s11+$0x0], $0xffff;
	v31 =	vor.u32 v6, v48;
	v6 =	vor.u32 $0xE70, v36  }
0x2c8: {  	v26 =	vld.idx.msk [tilespmem:v35+s11+$0x0], $0xffff  }
0x2c9: {  	v33 =	vor.u32 v28, v45;
	v28 =	vld.idx.msk [tilespmem:v22+s11+$0x0], $0xffff  }
0x2ca: {  	s29 =	simm.s32 $0x400;
	s28 =	simm.s32 $0x380;
	s23 =	smov.u32 s24;
	v29 =	vor.u32 v54, v20;
	[tilespmem:$0x1FD70] =	vst v6;
	v30 =	vor.u32 v6, v16;
	v16 =	vmovc v60;
	v60 =	vld [tilespmem:$0x1FEE0];
	v6 =	vmov v54  }
.LBB2_14:
0x2cb: {  	_ =	sdelay $0x2  }
0x2cc: {  	v22 =	vld.idx.msk [tilespmem:v32+s11+$0x0], $0xffff;
	[tilespmem:s12+$0x12830] =	vst v24  }
0x2cd: {  	[tilespmem:s22+$0x11460] =	vst v27  }
0x2ce: {  	v32 =	vor.u32 v0, v51;
	v24 =	vld.idx.msk [tilespmem:v31+s11+$0x0], $0xffff  }
0x2cf: {  	s0 =	sor.u32 $0x1C60, s26;
	v29 =	vld.idx.msk [tilespmem:v29+s11+$0x0], $0xffff;
	[tilespmem:s14+$0x12420] =	vst v23  }
0x2d0: {  	v27 =	vor.u32 v40, v17;
	v23 =	vld.idx.msk [tilespmem:v33+s11+$0x0], $0xffff;
	[tilespmem:s0+$0x11400] =	vst v25  }
0x2d1: {  	v31 =	vor.u32 v2, v58;
	[tilespmem:s17+$0x12010] =	vst v26  }
0x2d2: {  	v26 =	vld.idx.msk [tilespmem:v30+s11+$0x0], $0xffff  }
0x2d3: {  	v54 =	vor.u32 v8, v48;
	v30 =	vld.idx.msk [tilespmem:v32+s11+$0x0], $0xffff;
	[tilespmem:s21+$0x12C50] =	vst v28  }
0x2d4: {  	v25 =	vor.u32 v34, v20;
	[tilespmem:s20+$0x11C00] =	vst v22  }
0x2d5: {  	s25 =	sadd.s32 $0x1, s25;
	v32 =	vor.u32 v4, v45;
	v22 =	vld.idx.msk [tilespmem:v27+s11+$0x0], $0xffff  }
0x2d6: {  	v28 =	vmov s25;
	v27 =	vld.idx.msk [tilespmem:v31+s11+$0x0], $0xffff;
	[tilespmem:s12+$0x12840] =	vst v24  }
0x2d7: {  	v31 =	vor.u32 v3, v51;
	[tilespmem:s22+$0x11470] =	vst v29  }
0x2d8: {  	v24 =	vld.idx.msk [tilespmem:v54+s11+$0x0], $0xffff  }
0x2d9: {  	s26 =	sor.u32 $0x1C70, s26;
	v29 =	vor.u32 v39, v17;
	v25 =	vld.idx.msk [tilespmem:v25+s11+$0x0], $0xffff;
	[tilespmem:s14+$0x12430] =	vst v23  }
0x2da: {  	v32 =	vld.idx.msk [tilespmem:v32+s11+$0x0], $0xffff;
	[tilespmem:s26+$0x11400] =	vst v26  }
0x2db: {  	v33 =	vor.u32 v9, v58;
	v23 =	vshll.u32 v21, $0xA;
	v54 =	vmovc v34;
	v34 =	vshll.u32 v21, $0x7;
	v21 =	vld.idx.msk [tilespmem:v28+s3+$0x0], $0xffff;
	[tilespmem:s17+$0x12020] =	vst v30  }
0x2dc: {  	v30 =	vld.idx.msk [tilespmem:v31+s11+$0x0], $0xffff;
	[tilespmem:s21+$0x12C60] =	vst v22  }
0x2dd: {  	v35 =	vor.u32 v61, v48;
	v26 =	vand.u32 $0xFFFFF000, v23;
	v28 =	vand.u32 $0x180, v34;
	[tilespmem:s20+$0x11C10] =	vst v27  }
0x2de: {  	v34 =	vor.u32 v60, v20;
	v26 =	vor.u32 v28, v26;
	v27 =	vld.idx.msk [tilespmem:v29+s11+$0x0], $0xffff  }
0x2df: {  	v22 =	vor.u32 v36, v26;
	v36 =	vld [tilespmem:$0x1FC20]  }
0x2e0: {  	v29 =	vld.idx.msk [tilespmem:v33+s11+$0x0], $0xffff;
	[tilespmem:s12+$0x12850] =	vst v24  }
0x2e1: {  	[tilespmem:s22+$0x11800] =	vst v25  }
0x2e2: {  	v31 =	vor.u32 v1, v45;
	v24 =	vld.idx.msk [tilespmem:v35+s11+$0x0], $0xffff  }
0x2e3: {  	v33 =	vor.u32 v38, v51;
	v35 =	vor.u32 v12, v58;
	v34 =	vld.idx.msk [tilespmem:v34+s11+$0x0], $0xffff  }
0x2e4: {  	[tilespmem:s14+$0x12440] =	vst v32;
	v32 =	vor.u32 v36, v48;
	v48 =	vmovc v45;
	v45 =	vmovc v51;
	v51 =	vmov v58;
	v58 =	vmov v20;
	v20 =	vld [tilespmem:$0x1FE60];
	_ =	sdelay $0x1  }
0x2e5: {  	v25 =	vor.u32 v5, v17  }
0x2e6: {  	v31 =	vld.idx.msk [tilespmem:v31+s11+$0x0], $0xffff  }
0x2e7: {  	v36 =	vld.idx.msk [tilespmem:v22+s11+$0x0], $0xffff;
	[tilespmem:s17+$0x12030] =	vst v30  }
0x2e8: {  	v22 =	vor.u32 v20, v58;
	v20 =	vmov v26;
	v26 =	vld.idx.msk [tilespmem:v33+s11+$0x0], $0xffff;
	[tilespmem:s21+$0x12C70] =	vst v27  }
0x2e9: {  	v30 =	vld [tilespmem:$0x1FC30];
	[tilespmem:s20+$0x11C20] =	vst v29  }
0x2ea: {  	s21 =	smov.u32 s12;
	s12 =	smov.u32 s14;
	v25 =	vld.idx.msk [tilespmem:v25+s11+$0x0], $0xffff  }
0x2eb: {  	s14 =	smov.u32 s17;
	s17 =	smov.u32 s20;
	s20 =	smov.u32 s22;
	v29 =	vld.idx.msk [tilespmem:v35+s11+$0x0], $0xffff;
	[tilespmem:s21+$0x12860] =	vst v24  }
0x2ec: {  	v33 =	vld [tilespmem:$0x1FDD0];
	[tilespmem:s20+$0x11810] =	vst v34  }
0x2ed: {  	v24 =	vld.idx.msk [tilespmem:v32+s11+$0x0], $0xffff  }
0x2ee: {  	v32 =	vld [tilespmem:$0x1FC40]  }
0x2ef: {  	v30 =	vor.u32 v30, v48  }
0x2f0: {  	s24 =	sadd.s32 $0x400, s24;
	v27 =	vor.u32 v10, v20  }
0x2f1: {  	s16 =	sadd.s32 $0x1, s16;
	s0 =	sand.u32 $0x6000, s24;
	s22 =	sand.u32 $0x380, s28;
	v33 =	vor.u32 v33, v45  }
0x2f2: {  	s26 =	sand.u32 $0x7, s16;
	s22 =	sor.u32 s22, s0;
	v34 =	vld.idx.msk [tilespmem:v22+s11+$0x0], $0xffff;
	[tilespmem:s12+$0x12450] =	vst v31  }
0x2f3: {  	s26 =	sshll.u32 s26, $0x7;
	[tilespmem:s22+$0x11400] =	vst v36;
	v31 =	vld [tilespmem:$0x1FC70];
	v32 =	vor.u32 v32, v17  }
0x2f4: {  	s26 =	sadd.s32 s26, s18;
	v35 =	vor.u32 v59, v51;
	v30 =	vld.idx.msk [tilespmem:v30+s11+$0x0], $0xffff  }
0x2f5: {  	s0 =	sor.u32 $0x1C00, s26;
	v22 =	vor.u32 v46, v47;
	v46 =	vmov v43;
	v43 =	vmov v49;
	v27 =	vld.idx.msk [tilespmem:v27+s11+$0x0], $0xffff;
	[tilespmem:s14+$0x12040] =	vst v26  }
0x2f6: {  	v49 =	vmovc v52;
	v36 =	vor.u32 v7, v58;
	v52 =	vmov v18;
	v18 =	vmov v23;
	v23 =	vld.idx.msk [tilespmem:v33+s11+$0x0], $0xffff;
	[tilespmem:s0+$0x11400] =	vst v25  }
0x2f7: {  	v26 =	vld [tilespmem:$0x1FC80];
	[tilespmem:s17+$0x11C30] =	vst v29  }
0x2f8: {  	v31 =	vor.u32 v31, v22;
	v29 =	vld.idx.msk [tilespmem:v32+s11+$0x0], $0xffff  }
0x2f9: {  	v47 =	vmovc v44;
	v44 =	vmovc v50;
	v50 =	vmov v53;
	v53 =	vmov v19;
	v19 =	vmov v28;
	v28 =	vld.idx.msk [tilespmem:v35+s11+$0x0], $0xffff;
	[tilespmem:s21+$0x12870] =	vst v24  }
0x2fa: {  	v32 =	vld [tilespmem:$0x1FDE0];
	[tilespmem:s20+$0x11820] =	vst v34  }
0x2fb: {  	v33 =	vld.idx.msk [tilespmem:v36+s11+$0x0], $0xffff  }
0x2fc: {  	v36 =	vld [tilespmem:$0x1FE40]  }
0x2fd: {  	v24 =	vld.idx.msk [tilespmem:v31+s11+$0x0], $0xffff  }
0x2fe: {  	v31 =	vld [tilespmem:$0x1FC90]  }
0x2ff: {  	v26 =	vor.u32 v26, v48  }
0x300: {  	v25 =	vor.u32 v11, v20  }
0x301: {  	[tilespmem:s22+$0x11410] =	vst v27;
	v27 =	vld [tilespmem:$0x1FCA0];
	v32 =	vor.u32 v32, v45  }
0x302: {  	v34 =	vor.u32 v36, v51;
	v36 =	vld [tilespmem:$0x1FCB0]  }
0x303: {  	[tilespmem:s12+$0x12460] =	vst v30;
	v31 =	vor.u32 v31, v17  }
0x304: {  	v26 =	vld.idx.msk [tilespmem:v26+s11+$0x0], $0xffff  }
0x305: {  	s0 =	sor.u32 $0x1C10, s26;
	v25 =	vld.idx.msk [tilespmem:v25+s11+$0x0], $0xffff;
	[tilespmem:s14+$0x12050] =	vst v23  }
0x306: {  	v27 =	vor.u32 v27, v22;
	v23 =	vld.idx.msk [tilespmem:v32+s11+$0x0], $0xffff;
	[tilespmem:s0+$0x11400] =	vst v29  }
0x307: {  	v32 =	vor.u32 v36, v48;
	[tilespmem:s17+$0x11C40] =	vst v28;
	v36 =	vld [tilespmem:$0x1FDF0]  }
0x308: {  	v28 =	vld.idx.msk [tilespmem:v31+s11+$0x0], $0xffff  }
0x309: {  	v30 =	vor.u32 v62, v58;
	v31 =	vld.idx.msk [tilespmem:v34+s11+$0x0], $0xffff;
	[tilespmem:s21+$0x12C00] =	vst v24  }
0x30a: {  	[tilespmem:s20+$0x11830] =	vst v33  }
0x30b: {  	v24 =	vld.idx.msk [tilespmem:v27+s11+$0x0], $0xffff  }
0x30c: {  	v29 =	vor.u32 v15, v20;
	v27 =	vld [tilespmem:$0x1FCC0]  }
0x30d: {  	v34 =	vor.u32 v36, v45;
	v36 =	vld [tilespmem:$0x1FE50]  }
0x30e: {  	v30 =	vld.idx.msk [tilespmem:v30+s11+$0x0], $0xffff  }
0x30f: {  	[tilespmem:s12+$0x12470] =	vst v26;
	v26 =	vld [tilespmem:$0x1FCD0]  }
0x310: {  	[tilespmem:s22+$0x11420] =	vst v25  }
0x311: {  	v29 =	vld.idx.msk [tilespmem:v29+s11+$0x0], $0xffff;
	v27 =	vor.u32 v27, v17  }
0x312: {  	v25 =	vld.idx.msk [tilespmem:v32+s11+$0x0], $0xffff;
	v33 =	vor.u32 v36, v51  }
0x313: {  	s0 =	sor.u32 $0x1C20, s26;
	[tilespmem:s14+$0x12060] =	vst v23;
	v36 =	vld [tilespmem:$0x1FC10]  }
0x314: {  	v26 =	vor.u32 v26, v22;
	v23 =	vld.idx.msk [tilespmem:v34+s11+$0x0], $0xffff;
	[tilespmem:s0+$0x11400] =	vst v28  }
0x315: {  	[tilespmem:s17+$0x11C50] =	vst v31  }
0x316: {  	v27 =	vld.idx.msk [tilespmem:v27+s11+$0x0], $0xffff  }
0x317: {  	v32 =	vor.u32 v13, v58;
	v31 =	vld.idx.msk [tilespmem:v33+s11+$0x0], $0xffff;
	[tilespmem:s21+$0x12C10] =	vst v24  }
0x318: {  	v34 =	vor.u32 v36, v48;
	v36 =	vld [tilespmem:$0x1FE00];
	[tilespmem:s20+$0x11840] =	vst v30  }
0x319: {  	v24 =	vld.idx.msk [tilespmem:v26+s11+$0x0], $0xffff  }
0x31a: {  	v26 =	vld [tilespmem:$0x1FCE0]  }
0x31b: {  	v28 =	vor.u32 v55, v20  }
0x31c: {  	v30 =	vld.idx.msk [tilespmem:v32+s11+$0x0], $0xffff  }
0x31d: {  	[tilespmem:s22+$0x11430] =	vst v29;
	v29 =	vld [tilespmem:$0x1FCF0];
	v33 =	vor.u32 v36, v45  }
0x31e: {  	v36 =	vld [tilespmem:$0x1FD00]  }
0x31f: {  	[tilespmem:s12+$0x12800] =	vst v25;
	v26 =	vor.u32 v26, v17  }
0x320: {  	v32 =	vor.u32 v42, v51;
	v28 =	vld.idx.msk [tilespmem:v28+s11+$0x0], $0xffff  }
0x321: {  	s0 =	sor.u32 $0x1C30, s26;
	v25 =	vld.idx.msk [tilespmem:v34+s11+$0x0], $0xffff;
	[tilespmem:s14+$0x12070] =	vst v23  }
0x322: {  	v29 =	vor.u32 v29, v22;
	v23 =	vld.idx.msk [tilespmem:v33+s11+$0x0], $0xffff;
	[tilespmem:s0+$0x11400] =	vst v27  }
0x323: {  	v33 =	vor.u32 v36, v48;
	v36 =	vld [tilespmem:$0x1FE10];
	[tilespmem:s17+$0x11C60] =	vst v31  }
0x324: {  	v34 =	vor.u32 v14, v58;
	v26 =	vld.idx.msk [tilespmem:v26+s11+$0x0], $0xffff  }
0x325: {  	v31 =	vld.idx.msk [tilespmem:v32+s11+$0x0], $0xffff;
	[tilespmem:s21+$0x12C20] =	vst v24  }
0x326: {  	[tilespmem:s20+$0x11850] =	vst v30  }
0x327: {  	v24 =	vld.idx.msk [tilespmem:v29+s11+$0x0], $0xffff  }
0x328: {  	v27 =	vor.u32 v16, v20;
	v29 =	vld [tilespmem:$0x1FD10]  }
0x329: {  	v30 =	vld.idx.msk [tilespmem:v34+s11+$0x0], $0xffff  }
0x32a: {  	[tilespmem:s22+$0x11440] =	vst v28;
	v28 =	vld [tilespmem:$0x1FD20];
	v32 =	vor.u32 v36, v45  }
0x32b: {  	[tilespmem:s12+$0x12810] =	vst v25  }
0x32c: {  	v34 =	vor.u32 v56, v51;
	v25 =	vld.idx.msk [tilespmem:v33+s11+$0x0], $0xffff  }
0x32d: {  	v27 =	vld.idx.msk [tilespmem:v27+s11+$0x0], $0xffff;
	v29 =	vor.u32 v29, v17  }
0x32e: {  	s0 =	sor.u32 $0x1C40, s26;
	[tilespmem:s14+$0x12400] =	vst v23;
	v36 =	vld [tilespmem:$0x1FD30]  }
0x32f: {  	v28 =	vor.u32 v28, v22;
	v23 =	vld.idx.msk [tilespmem:v32+s11+$0x0], $0xffff;
	[tilespmem:s0+$0x11400] =	vst v26  }
0x330: {  	v33 =	vor.u32 v57, v58;
	[tilespmem:s17+$0x11C70] =	vst v31;
	v31 =	vld [tilespmem:$0x1FE20]  }
0x331: {  	v34 =	vld.idx.msk [tilespmem:v34+s11+$0x0], $0xffff  }
0x332: {  	v29 =	vld.idx.msk [tilespmem:v29+s11+$0x0], $0xffff;
	[tilespmem:s21+$0x12C30] =	vst v24  }
0x333: {  	[tilespmem:s20+$0x11860] =	vst v30;
	v24 =	vld [tilespmem:$0x1FD40]  }
0x334: {  	v28 =	vld.idx.msk [tilespmem:v28+s11+$0x0], $0xffff  }
0x335: {  	v35 =	vld.idx.msk [tilespmem:v33+s11+$0x0], $0xffff  }
0x336: {  	[tilespmem:s12+$0x12820] =	vst v25;
	v25 =	vld [tilespmem:$0x1FD50]  }
0x337: {  	v26 =	vor.u32 v63, v20  }
0x338: {  	v32 =	vor.u32 v36, v48  }
0x339: {  	v31 =	vor.u32 v31, v45;
	_ =	sdelay $0x1  }
0x33a: {  	[tilespmem:s22+$0x11450] =	vst v27;
	v30 =	vor.u32 v24, v17;
	v36 =	vor.u32 v25, v22;
	v25 =	vld [tilespmem:$0x1FD60]  }
0x33b: {  	v27 =	vld.idx.msk [tilespmem:v26+s11+$0x0], $0xffff  }
0x33c: {  	s0 =	sor.u32 $0x1C50, s26;
	v24 =	vld.idx.msk [tilespmem:v32+s11+$0x0], $0xffff;
	[tilespmem:s14+$0x12410] =	vst v23  }
0x33d: {  	v23 =	vld.idx.msk [tilespmem:v31+s11+$0x0], $0xffff;
	[tilespmem:s0+$0x11400] =	vst v29  }
0x33e: {  	[tilespmem:s17+$0x12000] =	vst v34  }
0x33f: {  	v33 =	vor.u32 v37, v51;
	v31 =	vor.u32 v25, v48;
	v25 =	vld.idx.msk [tilespmem:v30+s11+$0x0], $0xffff  }
0x340: {  	v30 =	vld [tilespmem:$0x1FE30];
	_ =	sdelay $0x3  }
0x341: {  	v26 =	vld.idx.msk [tilespmem:v33+s11+$0x0], $0xffff  }
0x342: {  	p2 =	sne.s32 s29, $0x780;
	v33 =	vor.u32 v30, v45;
	v30 =	vld [tilespmem:$0x1FD70]  }
.Ltmp8:
0x343: {  	_ = 	snop;
	(pc) =	sbr.rel @p2 .LBB2_14-.Ltmp8, $4  }
0x344: {  	_ = 	snop  }
0x345: {  	s18 =	smov.u32 s10;
	s10 =	smov.u32 s30;
	[tilespmem:s21+$0x12C40] =	vst v28  }
0x346: {  	s30 =	smov.u32 s15;
	s15 =	smov.u32 s19;
	s19 =	smov.u32 s23;
	v32 =	vor.u32 v41, v58;
	[tilespmem:s20+$0x11870] =	vst v35  }
0x347: {  	s23 =	smov.u32 s24;
	s28 =	smov.u32 s29;
	s29 =	sadd.s32 $0x80, s29;
	v29 =	vor.u32 v6, v20;
	v34 =	vmovc v54;
	v28 =	vld.idx.msk [tilespmem:v36+s11+$0x0], $0xffff;
	v36 =	vlaneseq.u32;
	v30 =	vor.u32 v30, v17;
	v17 =	vmovc v22  }
0x348: {  	_ =	sdelay $0x2  }
0x349: {  	[tilespmem:s12+$0x12830] =	vst v24  }
0x34a: {  	v22 =	vld.idx.msk [tilespmem:v32+s11+$0x0], $0xffff;
	v32 =	vor.u32 v0, v51;
	[tilespmem:s22+$0x11460] =	vst v27  }
0x34b: {  	v27 =	vor.u32 v40, v17;
	[tilespmem:s14+$0x12420] =	vst v23;
	v24 =	vld.idx.msk [tilespmem:v31+s11+$0x0], $0xffff  }
0x34c: {  	s0 =	sor.u32 $0x1C60, s26;
	[tilespmem:s17+$0x12010] =	vst v26;
	v29 =	vld.idx.msk [tilespmem:v29+s11+$0x0], $0xffff;
	v31 =	vor.u32 v2, v58  }
0x34d: {  	v54 =	vmov v0;
	v0 =	vor.u32 v8, v48;
	v23 =	vld.idx.msk [tilespmem:v33+s11+$0x0], $0xffff;
	[tilespmem:s0+$0x11400] =	vst v25  }
0x34e: {  	v25 =	vor.u32 v34, v20;
	v26 =	vld.idx.msk [tilespmem:v30+s11+$0x0], $0xffff;
	[tilespmem:s21+$0x12C50] =	vst v28  }
0x34f: {  	v30 =	vld.idx.msk [tilespmem:v32+s11+$0x0], $0xffff;
	v32 =	vor.u32 v4, v45;
	[tilespmem:s20+$0x11C00] =	vst v22  }
0x350: {  	v22 =	vld.idx.msk [tilespmem:v27+s11+$0x0], $0xffff;
	[tilespmem:s12+$0x12840] =	vst v24  }
0x351: {  	v28 =	vld.idx.msk [tilespmem:v31+s11+$0x0], $0xffff;
	[tilespmem:s22+$0x11470] =	vst v29  }
0x352: {  	v35 =	vmov v40;
	v40 =	vshll.u32 v21, $0xA;
	v21 =	vshll.u32 v21, $0x7;
	[tilespmem:s14+$0x12430] =	vst v23;
	v29 =	vld.idx.msk [tilespmem:v0+s11+$0x0], $0xffff  }
0x353: {  	v21 =	vand.u32 $0x180, v21;
	v25 =	vld.idx.msk [tilespmem:v25+s11+$0x0], $0xffff;
	[tilespmem:$0x1FBD0] =	vst v40  }
0x354: {  	v32 =	vld.idx.msk [tilespmem:v32+s11+$0x0], $0xffff;
	[tilespmem:$0x1FBE0] =	vst v21  }
0x355: {  	[tilespmem:s21+$0x12C60] =	vst v22;
	v22 =	vor.u32 v1, v45  }
0x356: {  	v27 =	vor.u32 v3, v51  }
0x357: {  	v33 =	vand.u32 $0xFFFFF000, v40;
	v24 =	vor.u32 v39, v17  }
0x358: {  	v31 =	vor.u32 v9, v58;
	[tilespmem:s17+$0x12020] =	vst v30  }
0x359: {  	v23 =	vor.u32 v61, v48;
	v21 =	vor.u32 v21, v33;
	[tilespmem:s14+$0x12440] =	vst v32  }
0x35a: {  	v33 =	vmov v5;
	v30 =	vor.u32 v60, v20;
	[tilespmem:s22+$0x11800] =	vst v25;
	v25 =	vor.u32 v5, v17;
	v5 =	vld.idx.msk [tilespmem:v22+s11+$0x0], $0xffff  }
0x35b: {  	[tilespmem:s20+$0x11C10] =	vst v28;
	v28 =	vor.u32 v36, v21;
	v27 =	vld.idx.msk [tilespmem:v27+s11+$0x0], $0xffff  }
0x35c: {  	v24 =	vld.idx.msk [tilespmem:v24+s11+$0x0], $0xffff  }
0x35d: {  	s29 =	sor.u32 $0x1C70, s26;
	v31 =	vld.idx.msk [tilespmem:v31+s11+$0x0], $0xffff;
	[tilespmem:s12+$0x12850] =	vst v29  }
0x35e: {  	[tilespmem:s29+$0x11400] =	vst v26;
	v23 =	vld.idx.msk [tilespmem:v23+s11+$0x0], $0xffff  }
0x35f: {  	v30 =	vld.idx.msk [tilespmem:v30+s11+$0x0], $0xffff;
	[tilespmem:$0x1FBC0] =	vst v5  }
0x360: {  	v26 =	vld.idx.msk [tilespmem:v28+s11+$0x0], $0xffff  }
0x361: {  	[tilespmem:s21+$0x12C70] =	vst v24;
	v24 =	vor.u32 v10, v21  }
0x362: {  	s21 =	sadd.s32 $0x400, s24  }
0x363: {  	s26 =	sand.u32 $0x380, s28;
	s25 =	sand.u32 $0x6000, s21  }
0x364: {  	s24 =	sor.u32 s26, s25  }
0x365: {  	[tilespmem:s24+$0x11400] =	vst v26  }
0x366: {  	[tilespmem:s12+$0x12860] =	vst v23;
	v23 =	vld.idx.msk [tilespmem:v24+s11+$0x0], $0xffff  }
0x367: {  	v24 =	vor.u32 v11, v21;
	_ =	sdelay $0x3  }
0x368: {  	[tilespmem:s24+$0x11410] =	vst v23  }
0x369: {  	v23 =	vld.idx.msk [tilespmem:v24+s11+$0x0], $0xffff  }
0x36a: {  	v24 =	vor.u32 v15, v21;
	_ =	sdelay $0x3  }
0x36b: {  	[tilespmem:s24+$0x11420] =	vst v23  }
0x36c: {  	v23 =	vld.idx.msk [tilespmem:v24+s11+$0x0], $0xffff  }
0x36d: {  	v24 =	vor.u32 v55, v21;
	_ =	sdelay $0x3  }
0x36e: {  	[tilespmem:s24+$0x11430] =	vst v23  }
0x36f: {  	v23 =	vld.idx.msk [tilespmem:v24+s11+$0x0], $0xffff  }
0x370: {  	v24 =	vor.u32 v16, v21;
	_ =	sdelay $0x3  }
0x371: {  	[tilespmem:s24+$0x11440] =	vst v23  }
0x372: {  	v23 =	vld.idx.msk [tilespmem:v24+s11+$0x0], $0xffff  }
0x373: {  	v24 =	vor.u32 v63, v21;
	_ =	sdelay $0x3  }
0x374: {  	[tilespmem:s24+$0x11450] =	vst v23  }
0x375: {  	v23 =	vld.idx.msk [tilespmem:v24+s11+$0x0], $0xffff  }
0x376: {  	v24 =	vor.u32 v6, v21;
	_ =	sdelay $0x3  }
0x377: {  	[tilespmem:s24+$0x11460] =	vst v23  }
0x378: {  	v23 =	vld.idx.msk [tilespmem:v24+s11+$0x0], $0xffff  }
0x379: {  	v24 =	vor.u32 v34, v21;
	_ =	sdelay $0x3  }
0x37a: {  	[tilespmem:s24+$0x11470] =	vst v23  }
0x37b: {  	v23 =	vld.idx.msk [tilespmem:v24+s11+$0x0], $0xffff;
	_ =	sdelay $0x1  }
0x37c: {  	[tilespmem:s17+$0x12030] =	vst v27  }
0x37d: {  	[tilespmem:s20+$0x11C20] =	vst v31  }
0x37e: {  	[tilespmem:s22+$0x11810] =	vst v30  }
0x37f: {  	[tilespmem:s24+$0x11800] =	vst v23  }
0x380: {  	v30 =	vld [tilespmem:$0x1FE60]  }
0x381: {  	v24 =	vor.u32 v60, v21;
	_ =	sdelay $0x3  }
0x382: {  	v23 =	vor.u32 v30, v20  }
0x383: {  	v24 =	vld.idx.msk [tilespmem:v24+s11+$0x0], $0xffff;
	_ =	sdelay $0x1  }
0x384: {  	v26 =	vor.u32 v30, v21;
	_ =	sdelay $0x1  }
0x385: {  	v23 =	vld.idx.msk [tilespmem:v23+s11+$0x0], $0xffff  }
0x386: {  	[tilespmem:s24+$0x11810] =	vst v24;
	v24 =	vor.u32 v7, v20;
	_ =	sdelay $0x1  }
0x387: {  	v26 =	vld.idx.msk [tilespmem:v26+s11+$0x0], $0xffff  }
0x388: {  	v27 =	vor.u32 v7, v21  }
0x389: {  	[tilespmem:s22+$0x11820] =	vst v23  }
0x38a: {  	v23 =	vld.idx.msk [tilespmem:v24+s11+$0x0], $0xffff  }
0x38b: {  	v24 =	vor.u32 v62, v20  }
0x38c: {  	[tilespmem:s24+$0x11820] =	vst v26  }
0x38d: {  	v26 =	vld.idx.msk [tilespmem:v27+s11+$0x0], $0xffff  }
0x38e: {  	v27 =	vor.u32 v62, v21  }
0x38f: {  	[tilespmem:s22+$0x11830] =	vst v23  }
0x390: {  	v23 =	vld.idx.msk [tilespmem:v24+s11+$0x0], $0xffff  }
0x391: {  	v24 =	vor.u32 v13, v20  }
0x392: {  	[tilespmem:s24+$0x11830] =	vst v26  }
0x393: {  	v26 =	vld.idx.msk [tilespmem:v27+s11+$0x0], $0xffff  }
0x394: {  	v27 =	vor.u32 v13, v21  }
0x395: {  	[tilespmem:s22+$0x11840] =	vst v23  }
0x396: {  	v23 =	vld.idx.msk [tilespmem:v24+s11+$0x0], $0xffff  }
0x397: {  	v24 =	vor.u32 v14, v20  }
0x398: {  	[tilespmem:s24+$0x11840] =	vst v26  }
0x399: {  	v26 =	vld.idx.msk [tilespmem:v27+s11+$0x0], $0xffff  }
0x39a: {  	v27 =	vor.u32 v14, v21  }
0x39b: {  	[tilespmem:s22+$0x11850] =	vst v23  }
0x39c: {  	v23 =	vld.idx.msk [tilespmem:v24+s11+$0x0], $0xffff  }
0x39d: {  	v24 =	vor.u32 v57, v20  }
0x39e: {  	[tilespmem:s24+$0x11850] =	vst v26  }
0x39f: {  	v26 =	vld.idx.msk [tilespmem:v27+s11+$0x0], $0xffff  }
0x3a0: {  	v27 =	vor.u32 v57, v21  }
0x3a1: {  	[tilespmem:s22+$0x11860] =	vst v23  }
0x3a2: {  	v23 =	vld.idx.msk [tilespmem:v24+s11+$0x0], $0xffff  }
0x3a3: {  	v24 =	vor.u32 v41, v20  }
0x3a4: {  	[tilespmem:s24+$0x11860] =	vst v26  }
0x3a5: {  	v26 =	vld.idx.msk [tilespmem:v27+s11+$0x0], $0xffff  }
0x3a6: {  	v27 =	vor.u32 v41, v21  }
0x3a7: {  	[tilespmem:s22+$0x11870] =	vst v23  }
0x3a8: {  	v23 =	vld.idx.msk [tilespmem:v24+s11+$0x0], $0xffff  }
0x3a9: {  	v24 =	vor.u32 v2, v20  }
0x3aa: {  	[tilespmem:s24+$0x11870] =	vst v26  }
0x3ab: {  	v26 =	vld.idx.msk [tilespmem:v27+s11+$0x0], $0xffff  }
0x3ac: {  	v27 =	vor.u32 v2, v21  }
0x3ad: {  	[tilespmem:s22+$0x11C00] =	vst v23  }
0x3ae: {  	v23 =	vld.idx.msk [tilespmem:v24+s11+$0x0], $0xffff  }
0x3af: {  	v24 =	vor.u32 v9, v20  }
0x3b0: {  	[tilespmem:s24+$0x11C00] =	vst v26  }
0x3b1: {  	v29 =	vor.u32 v38, v51;
	v26 =	vld.idx.msk [tilespmem:v27+s11+$0x0], $0xffff  }
0x3b2: {  	v27 =	vor.u32 v9, v21  }
0x3b3: {  	[tilespmem:s22+$0x11C10] =	vst v23  }
0x3b4: {  	v40 =	vor.u32 v12, v58;
	v23 =	vld.idx.msk [tilespmem:v24+s11+$0x0], $0xffff  }
0x3b5: {  	v24 =	vor.u32 v12, v20  }
0x3b6: {  	v22 =	vld.idx.msk [tilespmem:v29+s11+$0x0], $0xffff;
	[tilespmem:s24+$0x11C10] =	vst v26  }
0x3b7: {  	v26 =	vld.idx.msk [tilespmem:v27+s11+$0x0], $0xffff  }
0x3b8: {  	v5 =	vld.idx.msk [tilespmem:v25+s11+$0x0], $0xffff  }
0x3b9: {  	v25 =	vld.idx.msk [tilespmem:v40+s11+$0x0], $0xffff;
	v27 =	vor.u32 v12, v21;
	[tilespmem:s22+$0x11C20] =	vst v23  }
0x3ba: {  	v23 =	vor.u32 v59, v58;
	v24 =	vld.idx.msk [tilespmem:v24+s11+$0x0], $0xffff;
	_ =	sdelay $0x1  }
0x3bb: {  	[tilespmem:s24+$0x11C20] =	vst v26;
	v26 =	vor.u32 v59, v20;
	_ =	sdelay $0x1  }
0x3bc: {  	[tilespmem:s20+$0x11C30] =	vst v25;
	v27 =	vld.idx.msk [tilespmem:v27+s11+$0x0], $0xffff  }
0x3bd: {  	v23 =	vld.idx.msk [tilespmem:v23+s11+$0x0], $0xffff;
	[tilespmem:s22+$0x11C30] =	vst v24  }
0x3be: {  	v57 =	vld [tilespmem:$0x1FE40]  }
0x3bf: {  	v25 =	vld.idx.msk [tilespmem:v26+s11+$0x0], $0xffff;
	_ =	sdelay $0x2  }
0x3c0: {  	[tilespmem:s24+$0x11C30] =	vst v27  }
0x3c1: {  	v28 =	vor.u32 v59, v21;
	[tilespmem:s20+$0x11C40] =	vst v23  }
0x3c2: {  	v24 =	vor.u32 v57, v58;
	[tilespmem:s22+$0x11C40] =	vst v25  }
0x3c3: {  	v41 =	vld [tilespmem:$0x1FE50];
	_ =	sdelay $0x2  }
0x3c4: {  	v27 =	vld.idx.msk [tilespmem:v28+s11+$0x0], $0xffff;
	v26 =	vor.u32 v57, v20  }
0x3c5: {  	v28 =	vor.u32 v57, v21;
	v23 =	vld.idx.msk [tilespmem:v24+s11+$0x0], $0xffff  }
0x3c6: {  	v24 =	vor.u32 v41, v58;
	_ =	sdelay $0x2  }
0x3c7: {  	[tilespmem:s24+$0x11C40] =	vst v27;
	v25 =	vld.idx.msk [tilespmem:v26+s11+$0x0], $0xffff  }
0x3c8: {  	v27 =	vld.idx.msk [tilespmem:v28+s11+$0x0], $0xffff;
	v26 =	vor.u32 v41, v20;
	[tilespmem:s20+$0x11C50] =	vst v23  }
0x3c9: {  	v28 =	vor.u32 v41, v21;
	v23 =	vld.idx.msk [tilespmem:v24+s11+$0x0], $0xffff  }
0x3ca: {  	v24 =	vor.u32 v42, v58;
	_ =	sdelay $0x1  }
0x3cb: {  	[tilespmem:s22+$0x11C50] =	vst v25  }
0x3cc: {  	[tilespmem:s24+$0x11C50] =	vst v27;
	v25 =	vld.idx.msk [tilespmem:v26+s11+$0x0], $0xffff  }
0x3cd: {  	v26 =	vor.u32 v42, v20;
	v27 =	vld.idx.msk [tilespmem:v28+s11+$0x0], $0xffff;
	[tilespmem:s20+$0x11C60] =	vst v23  }
0x3ce: {  	v28 =	vor.u32 v42, v21;
	v23 =	vld.idx.msk [tilespmem:v24+s11+$0x0], $0xffff  }
0x3cf: {  	v24 =	vor.u32 v56, v58;
	_ =	sdelay $0x1  }
0x3d0: {  	[tilespmem:s22+$0x11C60] =	vst v25  }
0x3d1: {  	[tilespmem:s24+$0x11C60] =	vst v27;
	v25 =	vld.idx.msk [tilespmem:v26+s11+$0x0], $0xffff  }
0x3d2: {  	v26 =	vor.u32 v56, v20;
	v27 =	vld.idx.msk [tilespmem:v28+s11+$0x0], $0xffff;
	[tilespmem:s20+$0x11C70] =	vst v23  }
0x3d3: {  	v28 =	vor.u32 v56, v21;
	v23 =	vld.idx.msk [tilespmem:v24+s11+$0x0], $0xffff  }
0x3d4: {  	v24 =	vor.u32 v37, v58;
	_ =	sdelay $0x1  }
0x3d5: {  	[tilespmem:s22+$0x11C70] =	vst v25  }
0x3d6: {  	[tilespmem:s24+$0x11C70] =	vst v27;
	v25 =	vld.idx.msk [tilespmem:v26+s11+$0x0], $0xffff  }
0x3d7: {  	v26 =	vor.u32 v37, v20;
	v27 =	vld.idx.msk [tilespmem:v28+s11+$0x0], $0xffff;
	[tilespmem:s20+$0x12000] =	vst v23  }
0x3d8: {  	v28 =	vor.u32 v37, v21;
	v23 =	vld.idx.msk [tilespmem:v24+s11+$0x0], $0xffff  }
0x3d9: {  	v24 =	vor.u32 v54, v58;
	_ =	sdelay $0x1  }
0x3da: {  	[tilespmem:s22+$0x12000] =	vst v25  }
0x3db: {  	[tilespmem:s24+$0x12000] =	vst v27;
	v25 =	vld.idx.msk [tilespmem:v26+s11+$0x0], $0xffff  }
0x3dc: {  	v26 =	vor.u32 v54, v20;
	v27 =	vld.idx.msk [tilespmem:v28+s11+$0x0], $0xffff;
	[tilespmem:s20+$0x12010] =	vst v23  }
0x3dd: {  	v28 =	vor.u32 v54, v21;
	v23 =	vld.idx.msk [tilespmem:v24+s11+$0x0], $0xffff  }
0x3de: {  	v24 =	vor.u32 v3, v58;
	_ =	sdelay $0x1  }
0x3df: {  	[tilespmem:s22+$0x12010] =	vst v25  }
0x3e0: {  	[tilespmem:s24+$0x12010] =	vst v27;
	v25 =	vld.idx.msk [tilespmem:v26+s11+$0x0], $0xffff  }
0x3e1: {  	v27 =	vld.idx.msk [tilespmem:v28+s11+$0x0], $0xffff;
	[tilespmem:s20+$0x12020] =	vst v23  }
0x3e2: {  	v26 =	vor.u32 v3, v20;
	v23 =	vld.idx.msk [tilespmem:v24+s11+$0x0], $0xffff;
	_ =	sdelay $0x1  }
0x3e3: {  	v28 =	vor.u32 v3, v21  }
0x3e4: {  	[tilespmem:s22+$0x12020] =	vst v25  }
0x3e5: {  	[tilespmem:s24+$0x12020] =	vst v27;
	v24 =	vor.u32 v38, v58  }
0x3e6: {  	v25 =	vld.idx.msk [tilespmem:v26+s11+$0x0], $0xffff;
	[tilespmem:s20+$0x12030] =	vst v23  }
0x3e7: {  	v63 =	vld [tilespmem:$0x1FDD0]  }
0x3e8: {  	v27 =	vld.idx.msk [tilespmem:v28+s11+$0x0], $0xffff  }
0x3e9: {  	v26 =	vor.u32 v38, v20  }
0x3ea: {  	v28 =	vor.u32 v38, v21;
	v24 =	vld.idx.msk [tilespmem:v24+s11+$0x0], $0xffff;
	_ =	sdelay $0x1  }
0x3eb: {  	[tilespmem:s22+$0x12030] =	vst v25;
	v23 =	vor.u32 v63, v51  }
0x3ec: {  	[tilespmem:s24+$0x12030] =	vst v27;
	v25 =	vor.u32 v63, v58  }
0x3ed: {  	[tilespmem:s17+$0x12040] =	vst v22;
	v26 =	vld.idx.msk [tilespmem:v26+s11+$0x0], $0xffff  }
0x3ee: {  	v28 =	vld.idx.msk [tilespmem:v28+s11+$0x0], $0xffff;
	[tilespmem:s20+$0x12040] =	vst v24  }
0x3ef: {  	v54 =	vld [tilespmem:$0x1FDE0]  }
0x3f0: {  	v22 =	vld.idx.msk [tilespmem:v23+s11+$0x0], $0xffff  }
0x3f1: {  	v27 =	vor.u32 v63, v20;
	v24 =	vld.idx.msk [tilespmem:v25+s11+$0x0], $0xffff;
	_ =	sdelay $0x1  }
0x3f2: {  	v29 =	vor.u32 v63, v21;
	[tilespmem:s22+$0x12040] =	vst v26  }
0x3f3: {  	[tilespmem:s24+$0x12040] =	vst v28;
	v23 =	vor.u32 v54, v51  }
0x3f4: {  	v25 =	vor.u32 v54, v58;
	[tilespmem:s17+$0x12050] =	vst v22  }
0x3f5: {  	v26 =	vld.idx.msk [tilespmem:v27+s11+$0x0], $0xffff;
	[tilespmem:s20+$0x12050] =	vst v24  }
0x3f6: {  	v55 =	vld [tilespmem:$0x1FDF0]  }
0x3f7: {  	v28 =	vld.idx.msk [tilespmem:v29+s11+$0x0], $0xffff  }
0x3f8: {  	v27 =	vor.u32 v54, v20;
	v22 =	vld.idx.msk [tilespmem:v23+s11+$0x0], $0xffff  }
0x3f9: {  	v29 =	vor.u32 v54, v21;
	v24 =	vld.idx.msk [tilespmem:v25+s11+$0x0], $0xffff;
	_ =	sdelay $0x1  }
0x3fa: {  	[tilespmem:s22+$0x12050] =	vst v26;
	v23 =	vor.u32 v55, v51  }
0x3fb: {  	[tilespmem:s24+$0x12050] =	vst v28;
	v25 =	vor.u32 v55, v58  }
0x3fc: {  	v26 =	vld.idx.msk [tilespmem:v27+s11+$0x0], $0xffff;
	[tilespmem:s17+$0x12060] =	vst v22  }
0x3fd: {  	v28 =	vld.idx.msk [tilespmem:v29+s11+$0x0], $0xffff;
	[tilespmem:s20+$0x12060] =	vst v24  }
0x3fe: {  	v31 =	vld [tilespmem:$0x1FE00]  }
0x3ff: {  	v22 =	vld.idx.msk [tilespmem:v23+s11+$0x0], $0xffff  }
0x400: {  	v27 =	vor.u32 v55, v20;
	v24 =	vld.idx.msk [tilespmem:v25+s11+$0x0], $0xffff;
	_ =	sdelay $0x1  }
0x401: {  	v29 =	vor.u32 v55, v21;
	[tilespmem:s22+$0x12060] =	vst v26  }
0x402: {  	[tilespmem:s24+$0x12060] =	vst v28;
	v23 =	vor.u32 v31, v51  }
0x403: {  	v25 =	vor.u32 v31, v58;
	[tilespmem:s17+$0x12070] =	vst v22  }
0x404: {  	v26 =	vld.idx.msk [tilespmem:v27+s11+$0x0], $0xffff;
	[tilespmem:s20+$0x12070] =	vst v24  }
0x405: {  	v60 =	vld [tilespmem:$0x1FE10]  }
0x406: {  	v28 =	vld.idx.msk [tilespmem:v29+s11+$0x0], $0xffff  }
0x407: {  	v27 =	vor.u32 v31, v20;
	v22 =	vld.idx.msk [tilespmem:v23+s11+$0x0], $0xffff  }
0x408: {  	v29 =	vor.u32 v31, v21;
	v24 =	vld.idx.msk [tilespmem:v25+s11+$0x0], $0xffff;
	_ =	sdelay $0x1  }
0x409: {  	[tilespmem:s22+$0x12070] =	vst v26;
	v23 =	vor.u32 v60, v51  }
0x40a: {  	[tilespmem:s24+$0x12070] =	vst v28;
	v25 =	vor.u32 v60, v58  }
0x40b: {  	v26 =	vld.idx.msk [tilespmem:v27+s11+$0x0], $0xffff;
	[tilespmem:s17+$0x12400] =	vst v22  }
0x40c: {  	v28 =	vld.idx.msk [tilespmem:v29+s11+$0x0], $0xffff;
	[tilespmem:s20+$0x12400] =	vst v24  }
0x40d: {  	v0 =	vmov v61;
	v61 =	vld [tilespmem:$0x1FE20]  }
0x40e: {  	v22 =	vld.idx.msk [tilespmem:v23+s11+$0x0], $0xffff  }
0x40f: {  	v27 =	vor.u32 v60, v20;
	v24 =	vld.idx.msk [tilespmem:v25+s11+$0x0], $0xffff;
	_ =	sdelay $0x1  }
0x410: {  	v29 =	vor.u32 v60, v21;
	[tilespmem:s22+$0x12400] =	vst v26  }
0x411: {  	[tilespmem:s24+$0x12400] =	vst v28  }
0x412: {  	[tilespmem:s17+$0x12410] =	vst v22  }
0x413: {  	v26 =	vld.idx.msk [tilespmem:v27+s11+$0x0], $0xffff;
	v23 =	vor.u32 v61, v51;
	[tilespmem:s20+$0x12410] =	vst v24  }
0x414: {  	v32 =	vmov v62;
	v25 =	vor.u32 v61, v58;
	v62 =	vld [tilespmem:$0x1FE30]  }
0x415: {  	v28 =	vld.idx.msk [tilespmem:v29+s11+$0x0], $0xffff;
	v27 =	vor.u32 v61, v20  }
0x416: {  	v29 =	vor.u32 v61, v21;
	_ =	sdelay $0x1  }
0x417: {  	v22 =	vld.idx.msk [tilespmem:v23+s11+$0x0], $0xffff  }
0x418: {  	v24 =	vld.idx.msk [tilespmem:v25+s11+$0x0], $0xffff;
	[tilespmem:s22+$0x12410] =	vst v26;
	v23 =	vor.u32 v62, v51  }
0x419: {  	[tilespmem:s24+$0x12410] =	vst v28;
	v26 =	vld.idx.msk [tilespmem:v27+s11+$0x0], $0xffff;
	v25 =	vor.u32 v62, v58  }
0x41a: {  	v28 =	vld.idx.msk [tilespmem:v29+s11+$0x0], $0xffff;
	v27 =	vor.u32 v62, v20  }
0x41b: {  	v29 =	vor.u32 v62, v21  }
0x41c: {  	[tilespmem:s17+$0x12420] =	vst v22  }
0x41d: {  	[tilespmem:s20+$0x12420] =	vst v24;
	v22 =	vld.idx.msk [tilespmem:v23+s11+$0x0], $0xffff  }
0x41e: {  	[tilespmem:s22+$0x12420] =	vst v26;
	v23 =	vor.u32 v4, v51;
	v24 =	vld.idx.msk [tilespmem:v25+s11+$0x0], $0xffff  }
0x41f: {  	[tilespmem:s24+$0x12420] =	vst v28;
	v25 =	vor.u32 v4, v58;
	v26 =	vld.idx.msk [tilespmem:v27+s11+$0x0], $0xffff  }
0x420: {  	v27 =	vor.u32 v4, v20;
	v28 =	vld.idx.msk [tilespmem:v29+s11+$0x0], $0xffff  }
0x421: {  	v29 =	vor.u32 v4, v21  }
0x422: {  	[tilespmem:s17+$0x12430] =	vst v22  }
0x423: {  	[tilespmem:s20+$0x12430] =	vst v24;
	v22 =	vld.idx.msk [tilespmem:v23+s11+$0x0], $0xffff  }
0x424: {  	[tilespmem:s22+$0x12430] =	vst v26;
	v24 =	vld.idx.msk [tilespmem:v25+s11+$0x0], $0xffff  }
0x425: {  	[tilespmem:s24+$0x12430] =	vst v28;
	v26 =	vld.idx.msk [tilespmem:v27+s11+$0x0], $0xffff  }
0x426: {  	v23 =	vor.u32 v1, v51;
	v28 =	vld.idx.msk [tilespmem:v29+s11+$0x0], $0xffff;
	_ =	sdelay $0x1  }
0x427: {  	[tilespmem:s17+$0x12440] =	vst v22  }
0x428: {  	v25 =	vor.u32 v1, v58;
	v27 =	vor.u32 v1, v20;
	v29 =	vor.u32 v1, v21;
	v1 =	vld [tilespmem:$0x1FC30];
	[tilespmem:s20+$0x12440] =	vst v24  }
0x429: {  	[tilespmem:s22+$0x12440] =	vst v26  }
0x42a: {  	v23 =	vld.idx.msk [tilespmem:v23+s11+$0x0], $0xffff;
	[tilespmem:s24+$0x12440] =	vst v28  }
0x42b: {  	v40 =	vmov v42;
	v42 =	vmov v56;
	v56 =	vld [tilespmem:$0x1FBC0];
	_ =	sdelay $0x1  }
0x42c: {  	v22 =	vor.u32 v1, v45  }
0x42d: {  	v25 =	vld.idx.msk [tilespmem:v25+s11+$0x0], $0xffff;
	v24 =	vor.u32 v1, v51  }
0x42e: {  	v27 =	vld.idx.msk [tilespmem:v27+s11+$0x0], $0xffff;
	[tilespmem:s17+$0x12450] =	vst v23  }
0x42f: {  	v29 =	vld.idx.msk [tilespmem:v29+s11+$0x0], $0xffff;
	[tilespmem:s14+$0x12450] =	vst v56  }
0x430: {  	v56 =	vld [tilespmem:$0x1FC80]  }
0x431: {  	v22 =	vld.idx.msk [tilespmem:v22+s11+$0x0], $0xffff  }
0x432: {  	v26 =	vor.u32 v1, v58;
	v24 =	vld.idx.msk [tilespmem:v24+s11+$0x0], $0xffff  }
0x433: {  	[tilespmem:s20+$0x12450] =	vst v25  }
0x434: {  	v28 =	vor.u32 v1, v20;
	[tilespmem:s22+$0x12450] =	vst v27  }
0x435: {  	v13 =	vor.u32 v1, v21;
	[tilespmem:s24+$0x12450] =	vst v29  }
0x436: {  	v23 =	vor.u32 v56, v45;
	[tilespmem:s14+$0x12460] =	vst v22  }
0x437: {  	v26 =	vld.idx.msk [tilespmem:v26+s11+$0x0], $0xffff;
	v25 =	vor.u32 v56, v51;
	[tilespmem:s17+$0x12460] =	vst v24  }
0x438: {  	v3 =	vld [tilespmem:$0x1FC20]  }
0x439: {  	v28 =	vld.idx.msk [tilespmem:v28+s11+$0x0], $0xffff  }
0x43a: {  	v13 =	vld.idx.msk [tilespmem:v13+s11+$0x0], $0xffff;
	v27 =	vor.u32 v56, v58  }
0x43b: {  	s16 =	sadd.s32 $0x1, s16;
	v23 =	vld.idx.msk [tilespmem:v23+s11+$0x0], $0xffff  }
0x43c: {  	s28 =	sand.u32 $0x7, s16;
	[tilespmem:s20+$0x12460] =	vst v26;
	v25 =	vld.idx.msk [tilespmem:v25+s11+$0x0], $0xffff  }
0x43d: {  	s0 =	sshll.u32 s28, $0x7;
	v29 =	vor.u32 v56, v20;
	v22 =	vor.u32 v3, v48;
	v48 =	vld [tilespmem:$0x1FCB0]  }
0x43e: {  	s18 =	sadd.s32 s0, s18;
	[tilespmem:s22+$0x12460] =	vst v28  }
0x43f: {  	s0 =	sor.u32 $0x1C00, s18;
	v16 =	vor.u32 v56, v21;
	v27 =	vld.idx.msk [tilespmem:v27+s11+$0x0], $0xffff;
	[tilespmem:s24+$0x12460] =	vst v13  }
0x440: {  	[tilespmem:s0+$0x11400] =	vst v5  }
0x441: {  	[tilespmem:s14+$0x12470] =	vst v23  }
0x442: {  	v28 =	vld.idx.msk [tilespmem:v29+s11+$0x0], $0xffff;
	[tilespmem:s17+$0x12470] =	vst v25;
	v24 =	vor.u32 v48, v45  }
0x443: {  	v5 =	vld [tilespmem:$0x1FC40];
	v26 =	vor.u32 v48, v51  }
0x444: {  	v16 =	vld.idx.msk [tilespmem:v16+s11+$0x0], $0xffff;
	[tilespmem:s20+$0x12470] =	vst v27  }
0x445: {  	v56 =	vld [tilespmem:$0x1FC10];
	v13 =	vor.u32 v48, v58  }
0x446: {  	v29 =	vor.u32 v48, v20;
	v22 =	vld.idx.msk [tilespmem:v22+s11+$0x0], $0xffff  }
0x447: {  	v12 =	vor.u32 v48, v21;
	v24 =	vld.idx.msk [tilespmem:v24+s11+$0x0], $0xffff  }
0x448: {  	v23 =	vor.u32 v5, v17;
	v26 =	vld.idx.msk [tilespmem:v26+s11+$0x0], $0xffff  }
0x449: {  	[tilespmem:s22+$0x12470] =	vst v28  }
0x44a: {  	[tilespmem:s24+$0x12470] =	vst v16;
	v25 =	vor.u32 v56, v45;
	v13 =	vld.idx.msk [tilespmem:v13+s11+$0x0], $0xffff  }
0x44b: {  	v28 =	vld.idx.msk [tilespmem:v29+s11+$0x0], $0xffff;
	[tilespmem:s12+$0x12870] =	vst v22  }
0x44c: {  	v27 =	vor.u32 v56, v51;
	v29 =	vld.idx.msk [tilespmem:v12+s11+$0x0], $0xffff;
	[tilespmem:s14+$0x12800] =	vst v24  }
0x44d: {  	v16 =	vor.u32 v56, v58;
	v23 =	vld.idx.msk [tilespmem:v23+s11+$0x0], $0xffff;
	[tilespmem:s17+$0x12800] =	vst v26  }
0x44e: {  	v4 =	vld [tilespmem:$0x1FC70]  }
0x44f: {  	v25 =	vld.idx.msk [tilespmem:v25+s11+$0x0], $0xffff;
	[tilespmem:s20+$0x12800] =	vst v13  }
0x450: {  	v22 =	vor.u32 v56, v20;
	v12 =	vor.u32 v46, v47;
	v46 =	vld [tilespmem:$0x1FD00]  }
0x451: {  	v9 =	vor.u32 v56, v21;
	v26 =	vld.idx.msk [tilespmem:v27+s11+$0x0], $0xffff  }
0x452: {  	[tilespmem:s22+$0x12800] =	vst v28;
	v16 =	vld.idx.msk [tilespmem:v16+s11+$0x0], $0xffff  }
0x453: {  	s29 =	sor.u32 $0x1C10, s18;
	[tilespmem:s24+$0x12800] =	vst v29  }
0x454: {  	[tilespmem:s29+$0x11400] =	vst v23;
	v24 =	vor.u32 v4, v12  }
0x455: {  	v22 =	vld.idx.msk [tilespmem:v22+s11+$0x0], $0xffff;
	[tilespmem:s14+$0x12810] =	vst v25;
	v13 =	vor.u32 v46, v45  }
0x456: {  	v9 =	vld.idx.msk [tilespmem:v9+s11+$0x0], $0xffff;
	[tilespmem:s17+$0x12810] =	vst v26;
	v27 =	vor.u32 v46, v51  }
0x457: {  	v48 =	vld [tilespmem:$0x1FC90];
	[tilespmem:s20+$0x12810] =	vst v16  }
0x458: {  	v28 =	vor.u32 v46, v58;
	v2 =	vld [tilespmem:$0x1FD30]  }
0x459: {  	v24 =	vld.idx.msk [tilespmem:v24+s11+$0x0], $0xffff  }
0x45a: {  	v13 =	vld.idx.msk [tilespmem:v13+s11+$0x0], $0xffff  }
0x45b: {  	v23 =	vor.u32 v46, v20;
	v26 =	vld.idx.msk [tilespmem:v27+s11+$0x0], $0xffff  }
0x45c: {  	[tilespmem:s22+$0x12810] =	vst v22  }
0x45d: {  	v1 =	vor.u32 v46, v21;
	[tilespmem:s24+$0x12810] =	vst v9;
	v27 =	vld.idx.msk [tilespmem:v28+s11+$0x0], $0xffff  }
0x45e: {  	[tilespmem:s12+$0x12C00] =	vst v24  }
0x45f: {  	v25 =	vor.u32 v48, v17;
	[tilespmem:s14+$0x12820] =	vst v13  }
0x460: {  	v23 =	vld.idx.msk [tilespmem:v23+s11+$0x0], $0xffff;
	v16 =	vor.u32 v2, v45;
	[tilespmem:s17+$0x12820] =	vst v26  }
0x461: {  	v22 =	vor.u32 v2, v51;
	v6 =	vld [tilespmem:$0x1FCA0]  }
0x462: {  	v1 =	vld.idx.msk [tilespmem:v1+s11+$0x0], $0xffff;
	[tilespmem:s20+$0x12820] =	vst v27  }
0x463: {  	v9 =	vor.u32 v2, v58;
	v47 =	vld [tilespmem:$0x1FD60]  }
0x464: {  	v24 =	vor.u32 v2, v20;
	v13 =	vld.idx.msk [tilespmem:v25+s11+$0x0], $0xffff  }
0x465: {  	v25 =	vor.u32 v2, v21;
	v16 =	vld.idx.msk [tilespmem:v16+s11+$0x0], $0xffff  }
0x466: {  	v22 =	vld.idx.msk [tilespmem:v22+s11+$0x0], $0xffff;
	v26 =	vor.u32 v6, v12  }
0x467: {  	[tilespmem:s22+$0x12820] =	vst v23  }
0x468: {  	s25 =	sor.u32 $0x1C20, s18;
	v9 =	vld.idx.msk [tilespmem:v9+s11+$0x0], $0xffff;
	[tilespmem:s24+$0x12820] =	vst v1;
	v27 =	vor.u32 v47, v45  }
0x469: {  	v24 =	vld.idx.msk [tilespmem:v24+s11+$0x0], $0xffff;
	[tilespmem:s25+$0x11400] =	vst v13;
	v23 =	vor.u32 v47, v51  }
0x46a: {  	v25 =	vld.idx.msk [tilespmem:v25+s11+$0x0], $0xffff;
	[tilespmem:s14+$0x12830] =	vst v16  }
0x46b: {  	[tilespmem:s17+$0x12830] =	vst v22;
	v16 =	vld.idx.msk [tilespmem:v26+s11+$0x0], $0xffff  }
0x46c: {  	v56 =	vor.u32 v47, v58;
	v13 =	vor.u32 v47, v20;
	v26 =	vor.u32 v47, v21;
	v47 =	vld [tilespmem:$0x1FCC0]  }
0x46d: {  	v27 =	vld.idx.msk [tilespmem:v27+s11+$0x0], $0xffff  }
0x46e: {  	[tilespmem:s20+$0x12830] =	vst v9;
	v23 =	vld.idx.msk [tilespmem:v23+s11+$0x0], $0xffff  }
0x46f: {  	[tilespmem:s22+$0x12830] =	vst v24  }
0x470: {  	v9 =	vor.u32 v8, v45;
	[tilespmem:s24+$0x12830] =	vst v25  }
0x471: {  	v24 =	vor.u32 v8, v51;
	v1 =	vld.idx.msk [tilespmem:v56+s11+$0x0], $0xffff;
	[tilespmem:s12+$0x12C10] =	vst v16  }
0x472: {  	v13 =	vld.idx.msk [tilespmem:v13+s11+$0x0], $0xffff;
	v22 =	vor.u32 v47, v17;
	[tilespmem:s14+$0x12840] =	vst v27  }
0x473: {  	v26 =	vld.idx.msk [tilespmem:v26+s11+$0x0], $0xffff;
	[tilespmem:s17+$0x12840] =	vst v23  }
0x474: {  	v25 =	vor.u32 v8, v58;
	v2 =	vld [tilespmem:$0x1FCD0]  }
0x475: {  	v16 =	vor.u32 v8, v20;
	v9 =	vld.idx.msk [tilespmem:v9+s11+$0x0], $0xffff  }
0x476: {  	v27 =	vor.u32 v8, v21;
	v24 =	vld.idx.msk [tilespmem:v24+s11+$0x0], $0xffff  }
0x477: {  	v56 =	vor.u32 v0, v45;
	[tilespmem:s20+$0x12840] =	vst v1;
	v22 =	vld.idx.msk [tilespmem:v22+s11+$0x0], $0xffff  }
0x478: {  	[tilespmem:s22+$0x12840] =	vst v13  }
0x479: {  	v13 =	vor.u32 v0, v51;
	v25 =	vld.idx.msk [tilespmem:v25+s11+$0x0], $0xffff;
	[tilespmem:s24+$0x12840] =	vst v26  }
0x47a: {  	v16 =	vld.idx.msk [tilespmem:v16+s11+$0x0], $0xffff;
	v23 =	vor.u32 v2, v12;
	[tilespmem:s14+$0x12850] =	vst v9  }
0x47b: {  	s26 =	sor.u32 $0x1C30, s18;
	v27 =	vld.idx.msk [tilespmem:v27+s11+$0x0], $0xffff;
	[tilespmem:s17+$0x12850] =	vst v24  }
0x47c: {  	v1 =	vld.idx.msk [tilespmem:v56+s11+$0x0], $0xffff;
	[tilespmem:s26+$0x11400] =	vst v22  }
0x47d: {  	v46 =	vld [tilespmem:$0x1FCE0]  }
0x47e: {  	v26 =	vor.u32 v0, v58;
	v28 =	vld.idx.msk [tilespmem:v13+s11+$0x0], $0xffff  }
0x47f: {  	v22 =	vor.u32 v0, v20;
	[tilespmem:s20+$0x12850] =	vst v25;
	v9 =	vld.idx.msk [tilespmem:v23+s11+$0x0], $0xffff  }
0x480: {  	[tilespmem:s22+$0x12850] =	vst v16  }
0x481: {  	[tilespmem:s24+$0x12850] =	vst v27;
	v23 =	vor.u32 v0, v21  }
0x482: {  	[tilespmem:s14+$0x12860] =	vst v1;
	v24 =	vor.u32 v46, v17  }
0x483: {  	v25 =	vor.u32 v3, v45;
	v26 =	vld.idx.msk [tilespmem:v26+s11+$0x0], $0xffff;
	[tilespmem:s17+$0x12860] =	vst v28  }
0x484: {  	v16 =	vor.u32 v3, v51;
	v22 =	vld.idx.msk [tilespmem:v22+s11+$0x0], $0xffff;
	[tilespmem:s12+$0x12C20] =	vst v9  }
0x485: {  	v27 =	vor.u32 v3, v58;
	v7 =	vld [tilespmem:$0x1FCF0]  }
0x486: {  	v20 =	vor.u32 v3, v20;
	v23 =	vld.idx.msk [tilespmem:v23+s11+$0x0], $0xffff  }
0x487: {  	v21 =	vor.u32 v3, v21;
	v24 =	vld.idx.msk [tilespmem:v24+s11+$0x0], $0xffff  }
0x488: {  	v25 =	vld.idx.msk [tilespmem:v25+s11+$0x0], $0xffff  }
0x489: {  	v29 =	vld.idx.msk [tilespmem:v16+s11+$0x0], $0xffff;
	[tilespmem:s20+$0x12860] =	vst v26  }
0x48a: {  	v27 =	vld.idx.msk [tilespmem:v27+s11+$0x0], $0xffff;
	[tilespmem:s22+$0x12860] =	vst v22;
	v28 =	vor.u32 v7, v12  }
0x48b: {  	s28 =	sor.u32 $0x1C40, s18;
	v13 =	vor.u32 v43, v44;
	v1 =	vor.u32 v18, v19;
	v19 =	vld.idx.msk [tilespmem:v20+s11+$0x0], $0xffff;
	[tilespmem:s24+$0x12860] =	vst v23  }
0x48c: {  	v9 =	vor.u32 v49, v50;
	v26 =	vor.u32 v4, v13;
	v21 =	vld.idx.msk [tilespmem:v21+s11+$0x0], $0xffff;
	[tilespmem:s28+$0x11400] =	vst v24  }
0x48d: {  	v3 =	vor.u32 v52, v53;
	v22 =	vor.u32 v4, v9;
	v52 =	vld [tilespmem:$0x1FBD0]  }
0x48e: {  	v8 =	vld [tilespmem:$0x1FBE0];
	[tilespmem:s14+$0x12870] =	vst v25  }
0x48f: {  	[tilespmem:s17+$0x12870] =	vst v29;
	v23 =	vld.idx.msk [tilespmem:v28+s11+$0x0], $0xffff  }
0x490: {  	v28 =	vld [tilespmem:$0x1FD10]  }
0x491: {  	v18 =	vor.u32 v4, v3;
	v25 =	vld.idx.msk [tilespmem:v26+s11+$0x0], $0xffff  }
0x492: {  	v20 =	vor.u32 v4, v1;
	[tilespmem:s20+$0x12870] =	vst v27;
	v22 =	vld.idx.msk [tilespmem:v22+s11+$0x0], $0xffff  }
0x493: {  	[tilespmem:s22+$0x12870] =	vst v19  }
0x494: {  	v26 =	vor.u32 v6, v13;
	[tilespmem:s24+$0x12870] =	vst v21  }
0x495: {  	v19 =	vor.u32 v6, v9;
	v16 =	vor.u32 v52, v8;
	[tilespmem:s12+$0x12C30] =	vst v23  }
0x496: {  	v18 =	vld.idx.msk [tilespmem:v18+s11+$0x0], $0xffff;
	v4 =	vor.u32 v4, v16;
	[tilespmem:s14+$0x12C00] =	vst v25  }
0x497: {  	v20 =	vld.idx.msk [tilespmem:v20+s11+$0x0], $0xffff;
	v24 =	vor.u32 v28, v17;
	[tilespmem:s17+$0x12C00] =	vst v22  }
0x498: {  	v8 =	vld [tilespmem:$0x1FD20]  }
0x499: {  	v21 =	vor.u32 v6, v3;
	v25 =	vld.idx.msk [tilespmem:v26+s11+$0x0], $0xffff  }
0x49a: {  	v23 =	vor.u32 v6, v1;
	v19 =	vld.idx.msk [tilespmem:v19+s11+$0x0], $0xffff  }
0x49b: {  	v4 =	vld.idx.msk [tilespmem:v4+s11+$0x0], $0xffff  }
0x49c: {  	[tilespmem:s20+$0x12C00] =	vst v18;
	v18 =	vor.u32 v2, v13;
	v24 =	vld.idx.msk [tilespmem:v24+s11+$0x0], $0xffff  }
0x49d: {  	[tilespmem:s22+$0x12C00] =	vst v20  }
0x49e: {  	v20 =	vor.u32 v2, v9;
	v21 =	vld.idx.msk [tilespmem:v21+s11+$0x0], $0xffff;
	[tilespmem:s14+$0x12C10] =	vst v25  }
0x49f: {  	v0 =	vor.u32 v6, v16;
	v23 =	vld.idx.msk [tilespmem:v23+s11+$0x0], $0xffff;
	[tilespmem:s17+$0x12C10] =	vst v19  }
0x4a0: {  	s29 =	sor.u32 $0x1C50, s18;
	v22 =	vor.u32 v8, v12;
	[tilespmem:s24+$0x12C00] =	vst v4  }
0x4a1: {  	v18 =	vld.idx.msk [tilespmem:v18+s11+$0x0], $0xffff;
	v4 =	vor.u32 v2, v3;
	[tilespmem:s29+$0x11400] =	vst v24  }
0x4a2: {  	v24 =	vor.u32 v2, v1;
	v25 =	vld [tilespmem:$0x1FD40]  }
0x4a3: {  	v20 =	vld.idx.msk [tilespmem:v20+s11+$0x0], $0xffff;
	[tilespmem:s20+$0x12C10] =	vst v21;
	v21 =	vor.u32 v7, v13  }
0x4a4: {  	v0 =	vld.idx.msk [tilespmem:v0+s11+$0x0], $0xffff;
	[tilespmem:s22+$0x12C10] =	vst v23;
	v23 =	vor.u32 v7, v9  }
0x4a5: {  	v6 =	vor.u32 v2, v16;
	v22 =	vld.idx.msk [tilespmem:v22+s11+$0x0], $0xffff  }
0x4a6: {  	v4 =	vld.idx.msk [tilespmem:v4+s11+$0x0], $0xffff  }
0x4a7: {  	[tilespmem:s14+$0x12C20] =	vst v18;
	v24 =	vld.idx.msk [tilespmem:v24+s11+$0x0], $0xffff;
	v19 =	vor.u32 v25, v17  }
0x4a8: {  	[tilespmem:s17+$0x12C20] =	vst v20;
	v20 =	vld.idx.msk [tilespmem:v21+s11+$0x0], $0xffff  }
0x4a9: {  	[tilespmem:s24+$0x12C10] =	vst v0;
	v21 =	vld.idx.msk [tilespmem:v23+s11+$0x0], $0xffff  }
0x4aa: {  	[tilespmem:s12+$0x12C40] =	vst v22;
	v6 =	vld.idx.msk [tilespmem:v6+s11+$0x0], $0xffff  }
0x4ab: {  	v56 =	vld [tilespmem:$0x1FD50]  }
0x4ac: {  	[tilespmem:s20+$0x12C20] =	vst v4;
	v18 =	vld.idx.msk [tilespmem:v19+s11+$0x0], $0xffff  }
0x4ad: {  	[tilespmem:s22+$0x12C20] =	vst v24  }
0x4ae: {  	v53 =	vor.u32 v7, v3;
	[tilespmem:s14+$0x12C30] =	vst v20  }
0x4af: {  	v22 =	vor.u32 v7, v1;
	[tilespmem:s17+$0x12C30] =	vst v21  }
0x4b0: {  	s25 =	sor.u32 $0x1C60, s18;
	v7 =	vor.u32 v7, v16;
	[tilespmem:s24+$0x12C20] =	vst v6  }
0x4b1: {  	v19 =	vor.u32 v56, v12;
	[tilespmem:s25+$0x11400] =	vst v18  }
0x4b2: {  	v4 =	vor.u32 v8, v13;
	v24 =	vld [tilespmem:$0x1FD70]  }
0x4b3: {  	v23 =	vor.u32 v8, v9;
	v0 =	vld.idx.msk [tilespmem:v53+s11+$0x0], $0xffff  }
0x4b4: {  	v22 =	vld.idx.msk [tilespmem:v22+s11+$0x0], $0xffff;
	v6 =	vor.u32 v8, v3  }
0x4b5: {  	v7 =	vld.idx.msk [tilespmem:v7+s11+$0x0], $0xffff;
	v18 =	vor.u32 v8, v1  }
0x4b6: {  	v8 =	vor.u32 v8, v16;
	v19 =	vld.idx.msk [tilespmem:v19+s11+$0x0], $0xffff  }
0x4b7: {  	v4 =	vld.idx.msk [tilespmem:v4+s11+$0x0], $0xffff;
	v17 =	vor.u32 v24, v17  }
0x4b8: {  	v58 =	vor.u32 v56, v13;
	v20 =	vld.idx.msk [tilespmem:v23+s11+$0x0], $0xffff;
	[tilespmem:s20+$0x12C30] =	vst v0  }
0x4b9: {  	v21 =	vor.u32 v56, v9;
	[tilespmem:s22+$0x12C30] =	vst v22;
	v6 =	vld.idx.msk [tilespmem:v6+s11+$0x0], $0xffff  }
0x4ba: {  	[tilespmem:s24+$0x12C30] =	vst v7;
	v7 =	vor.u32 v56, v3;
	v18 =	vld.idx.msk [tilespmem:v18+s11+$0x0], $0xffff  }
0x4bb: {  	v8 =	vld.idx.msk [tilespmem:v8+s11+$0x0], $0xffff;
	[tilespmem:s12+$0x12C50] =	vst v19;
	v19 =	vor.u32 v56, v1  }
0x4bc: {  	v10 =	vor.u32 v56, v16;
	[tilespmem:s14+$0x12C40] =	vst v4;
	v4 =	vld.idx.msk [tilespmem:v17+s11+$0x0], $0xffff  }
0x4bd: {  	[tilespmem:s17+$0x12C40] =	vst v20;
	v0 =	vld.idx.msk [tilespmem:v58+s11+$0x0], $0xffff;
	v17 =	vor.u32 v35, v12  }
0x4be: {  	v20 =	vld.idx.msk [tilespmem:v21+s11+$0x0], $0xffff;
	[tilespmem:s20+$0x12C40] =	vst v6;
	v6 =	vor.u32 v35, v13  }
0x4bf: {  	v7 =	vld.idx.msk [tilespmem:v7+s11+$0x0], $0xffff;
	[tilespmem:s22+$0x12C40] =	vst v18;
	v18 =	vor.u32 v35, v9  }
0x4c0: {  	s26 =	sor.u32 $0x1C70, s18;
	[tilespmem:s24+$0x12C40] =	vst v8;
	v8 =	vor.u32 v35, v3;
	v19 =	vld.idx.msk [tilespmem:v19+s11+$0x0], $0xffff  }
0x4c1: {  	v10 =	vld.idx.msk [tilespmem:v10+s11+$0x0], $0xffff;
	[tilespmem:s26+$0x11400] =	vst v4;
	v4 =	vor.u32 v35, v1  }
0x4c2: {  	v11 =	vor.u32 v35, v16;
	[tilespmem:s14+$0x12C50] =	vst v0;
	v43 =	vld.idx.msk [tilespmem:v17+s11+$0x0], $0xffff  }
0x4c3: {  	[tilespmem:s17+$0x12C50] =	vst v20;
	v6 =	vld.idx.msk [tilespmem:v6+s11+$0x0], $0xffff;
	v17 =	vor.u32 v39, v12  }
0x4c4: {  	[tilespmem:s20+$0x12C50] =	vst v7;
	v7 =	vor.u32 v39, v13;
	v18 =	vld.idx.msk [tilespmem:v18+s11+$0x0], $0xffff  }
0x4c5: {  	v8 =	vld.idx.msk [tilespmem:v8+s11+$0x0], $0xffff;
	[tilespmem:s22+$0x12C50] =	vst v19;
	v19 =	vor.u32 v39, v9  }
0x4c6: {  	[tilespmem:s24+$0x12C50] =	vst v10;
	v10 =	vor.u32 v39, v3;
	v4 =	vld.idx.msk [tilespmem:v4+s11+$0x0], $0xffff  }
0x4c7: {  	v44 =	vor.u32 v39, v1;
	v11 =	vld.idx.msk [tilespmem:v11+s11+$0x0], $0xffff;
	[tilespmem:s12+$0x12C60] =	vst v43  }
0x4c8: {  	v14 =	vor.u32 v39, v16;
	[tilespmem:s14+$0x12C60] =	vst v6;
	v6 =	vld.idx.msk [tilespmem:v17+s11+$0x0], $0xffff  }
0x4c9: {  	v7 =	vld.idx.msk [tilespmem:v7+s11+$0x0], $0xffff;
	[tilespmem:s17+$0x12C60] =	vst v18;
	v17 =	vor.u32 v33, v12  }
0x4ca: {  	s28 =	sadd.s32 $0x1, s16;
	[tilespmem:s20+$0x12C60] =	vst v8;
	v8 =	vor.u32 v33, v13;
	v18 =	vld.idx.msk [tilespmem:v19+s11+$0x0], $0xffff  }
0x4cb: {  	s0 =	sadd.s32 $0x1, s28;
	v10 =	vld.idx.msk [tilespmem:v10+s11+$0x0], $0xffff;
	[tilespmem:s22+$0x12C60] =	vst v4;
	v4 =	vor.u32 v33, v9  }
0x4cc: {  	s16 =	sand.u32 $0x7, s0;
	s0 =	sadd.s32 $0x1, s0;
	[tilespmem:s24+$0x12C60] =	vst v11;
	v11 =	vor.u32 v33, v3;
	v0 =	vld.idx.msk [tilespmem:v44+s11+$0x0], $0xffff  }
0x4cd: {  	s18 =	sand.u32 $0x7, s0;
	v14 =	vld.idx.msk [tilespmem:v14+s11+$0x0], $0xffff;
	[tilespmem:s12+$0x12C70] =	vst v6;
	v6 =	vor.u32 v33, v1  }
0x4ce: {  	v15 =	vor.u32 v33, v16;
	[tilespmem:s14+$0x12C70] =	vst v7;
	s14 =	sshll.u32 s18, $0x7;
	v7 =	vld.idx.msk [tilespmem:v17+s11+$0x0], $0xffff  }
0x4cf: {  	s0 =	sadd.s32 $0x1, s0;
	s29 =	sand.u32 $0x7, s28;
	s14 =	sadd.s32 s14, s15;
	v8 =	vld.idx.msk [tilespmem:v8+s11+$0x0], $0xffff;
	[tilespmem:s17+$0x12C70] =	vst v18;
	v17 =	vor.u32 v5, v12  }
0x4d0: {  	s28 =	sor.u32 $0x1C00, s14;
	s17 =	sshll.u32 s16, $0x7;
	[tilespmem:s20+$0x12C70] =	vst v10;
	v10 =	vor.u32 v5, v13;
	s12 =	sshll.u32 s29, $0x7;
	v4 =	vld.idx.msk [tilespmem:v4+s11+$0x0], $0xffff  }
0x4d1: {  	v45 =	vor.u32 v5, v9;
	v11 =	vld.idx.msk [tilespmem:v11+s11+$0x0], $0xffff;
	s29 =	sand.u32 $0x7, s0;
	s0 =	sadd.s32 $0x1, s0;
	s10 =	sadd.s32 s12, s10;
	[tilespmem:s22+$0x12C70] =	vst v0  }
0x4d2: {  	s12 =	sadd.s32 s17, s30;
	[tilespmem:s24+$0x12C70] =	vst v14;
	v14 =	vor.u32 v5, v3;
	s15 =	sshll.u32 s29, $0x7;
	s25 =	sor.u32 $0x1C00, s10;
	v6 =	vld.idx.msk [tilespmem:v6+s11+$0x0], $0xffff  }
0x4d3: {  	s30 =	sand.u32 $0x7, s0;
	s0 =	sadd.s32 $0x1, s0;
	s26 =	sor.u32 $0x1C00, s12;
	v15 =	vld.idx.msk [tilespmem:v15+s11+$0x0], $0xffff;
	[tilespmem:s25+$0x11400] =	vst v7;
	v7 =	vor.u32 v5, v1  }
0x4d4: {  	s15 =	sadd.s32 s15, s19;
	s16 =	sshll.u32 s30, $0x7;
	s0 =	sand.u32 $0x7, s0;
	[tilespmem:s26+$0x11400] =	vst v8;
	v8 =	vld.idx.msk [tilespmem:v17+s11+$0x0], $0xffff;
	v17 =	vor.u32 v5, v16  }
0x4d5: {  	s20 =	sor.u32 $0x1C00, s15;
	s16 =	sadd.s32 s16, s23;
	s0 =	sshll.u32 s0, $0x7;
	v10 =	vld.idx.msk [tilespmem:v10+s11+$0x0], $0xffff;
	[tilespmem:s28+$0x11400] =	vst v4;
	v4 =	vor.u32 v48, v12  }
0x4d6: {  	s17 =	sadd.s32 s0, s21;
	[tilespmem:s20+$0x11400] =	vst v11;
	v11 =	vor.u32 v48, v13;
	s22 =	sor.u32 $0x1C00, s16;
	v0 =	vld.idx.msk [tilespmem:v45+s11+$0x0], $0xffff  }
0x4d7: {  	s0 =	sor.u32 $0x1C00, s17;
	v14 =	vld.idx.msk [tilespmem:v14+s11+$0x0], $0xffff;
	[tilespmem:s22+$0x11400] =	vst v6;
	v6 =	vor.u32 v48, v9  }
0x4d8: {  	s23 =	sor.u32 $0x1C10, s10;
	[tilespmem:s0+$0x11400] =	vst v15;
	v15 =	vor.u32 v48, v3;
	v7 =	vld.idx.msk [tilespmem:v7+s11+$0x0], $0xffff  }
0x4d9: {  	s24 =	sor.u32 $0x1C10, s12;
	[tilespmem:s23+$0x11400] =	vst v8;
	v8 =	vor.u32 v48, v1;
	v17 =	vld.idx.msk [tilespmem:v17+s11+$0x0], $0xffff  }
0x4da: {  	s25 =	sor.u32 $0x1C10, s14;
	[tilespmem:s24+$0x11400] =	vst v10;
	v48 =	vor.u32 v48, v16;
	v4 =	vld.idx.msk [tilespmem:v4+s11+$0x0], $0xffff  }
0x4db: {  	v49 =	vor.u32 v47, v12;
	s26 =	sor.u32 $0x1C10, s15;
	v10 =	vld.idx.msk [tilespmem:v11+s11+$0x0], $0xffff;
	[tilespmem:s25+$0x11400] =	vst v0  }
0x4dc: {  	s28 =	sor.u32 $0x1C10, s16;
	v11 =	vor.u32 v47, v13;
	[tilespmem:s26+$0x11400] =	vst v14;
	v6 =	vld.idx.msk [tilespmem:v6+s11+$0x0], $0xffff  }
0x4dd: {  	s29 =	sor.u32 $0x1C10, s17;
	v14 =	vld.idx.msk [tilespmem:v15+s11+$0x0], $0xffff;
	[tilespmem:s28+$0x11400] =	vst v7;
	v7 =	vor.u32 v47, v9  }
0x4de: {  	s30 =	sor.u32 $0x1C20, s10;
	v15 =	vor.u32 v47, v3;
	[tilespmem:s29+$0x11400] =	vst v17;
	v8 =	vld.idx.msk [tilespmem:v8+s11+$0x0], $0xffff  }
0x4df: {  	s18 =	sor.u32 $0x1C20, s12;
	v2 =	vld.idx.msk [tilespmem:v48+s11+$0x0], $0xffff;
	[tilespmem:s30+$0x11400] =	vst v4;
	v4 =	vor.u32 v47, v1  }
0x4e0: {  	s19 =	sor.u32 $0x1C20, s14;
	v5 =	vor.u32 v47, v16;
	[tilespmem:s18+$0x11400] =	vst v10;
	v0 =	vld.idx.msk [tilespmem:v49+s11+$0x0], $0xffff  }
0x4e1: {  	s20 =	sor.u32 $0x1C20, s15;
	v10 =	vld.idx.msk [tilespmem:v11+s11+$0x0], $0xffff;
	[tilespmem:s19+$0x11400] =	vst v6;
	v6 =	vor.u32 v46, v12  }
0x4e2: {  	s21 =	sor.u32 $0x1C20, s16;
	v11 =	vor.u32 v46, v13;
	[tilespmem:s20+$0x11400] =	vst v14;
	v7 =	vld.idx.msk [tilespmem:v7+s11+$0x0], $0xffff  }
0x4e3: {  	s22 =	sor.u32 $0x1C20, s17;
	v14 =	vld.idx.msk [tilespmem:v15+s11+$0x0], $0xffff;
	[tilespmem:s21+$0x11400] =	vst v8;
	v8 =	vor.u32 v46, v9  }
0x4e4: {  	v50 =	vor.u32 v46, v3;
	s23 =	sor.u32 $0x1C30, s10;
	[tilespmem:s22+$0x11400] =	vst v2;
	v4 =	vld.idx.msk [tilespmem:v4+s11+$0x0], $0xffff  }
0x4e5: {  	v51 =	vor.u32 v46, v1;
	s24 =	sor.u32 $0x1C30, s12;
	v5 =	vld.idx.msk [tilespmem:v5+s11+$0x0], $0xffff;
	[tilespmem:s23+$0x11400] =	vst v0  }
0x4e6: {  	s25 =	sor.u32 $0x1C30, s14;
	[tilespmem:s24+$0x11400] =	vst v10;
	v10 =	vor.u32 v46, v16;
	v6 =	vld.idx.msk [tilespmem:v6+s11+$0x0], $0xffff  }
0x4e7: {  	s26 =	sor.u32 $0x1C30, s15;
	v11 =	vld.idx.msk [tilespmem:v11+s11+$0x0], $0xffff;
	[tilespmem:s25+$0x11400] =	vst v7;
	v7 =	vor.u32 v28, v12  }
0x4e8: {  	s28 =	sor.u32 $0x1C30, s16;
	[tilespmem:s26+$0x11400] =	vst v14;
	v14 =	vor.u32 v28, v13;
	v8 =	vld.idx.msk [tilespmem:v8+s11+$0x0], $0xffff  }
0x4e9: {  	s29 =	sor.u32 $0x1C30, s17;
	v2 =	vld.idx.msk [tilespmem:v50+s11+$0x0], $0xffff;
	[tilespmem:s28+$0x11400] =	vst v4;
	v4 =	vor.u32 v28, v9  }
0x4ea: {  	s30 =	sor.u32 $0x1C40, s10;
	[tilespmem:s29+$0x11400] =	vst v5;
	v5 =	vor.u32 v28, v3;
	v0 =	vld.idx.msk [tilespmem:v51+s11+$0x0], $0xffff  }
0x4eb: {  	s18 =	sor.u32 $0x1C40, s12;
	v10 =	vld.idx.msk [tilespmem:v10+s11+$0x0], $0xffff;
	[tilespmem:s30+$0x11400] =	vst v6;
	v6 =	vor.u32 v28, v1  }
0x4ec: {  	s19 =	sor.u32 $0x1C40, s14;
	[tilespmem:s18+$0x11400] =	vst v11;
	v11 =	vor.u32 v28, v16;
	v7 =	vld.idx.msk [tilespmem:v7+s11+$0x0], $0xffff  }
0x4ed: {  	s20 =	sor.u32 $0x1C40, s15;
	v14 =	vld.idx.msk [tilespmem:v14+s11+$0x0], $0xffff;
	[tilespmem:s19+$0x11400] =	vst v8;
	v8 =	vor.u32 v25, v12  }
0x4ee: {  	v52 =	vor.u32 v25, v13;
	s21 =	sor.u32 $0x1C40, s16;
	[tilespmem:s20+$0x11400] =	vst v2;
	v4 =	vld.idx.msk [tilespmem:v4+s11+$0x0], $0xffff  }
0x4ef: {  	v53 =	vor.u32 v25, v9;
	s22 =	sor.u32 $0x1C40, s17;
	v5 =	vld.idx.msk [tilespmem:v5+s11+$0x0], $0xffff;
	[tilespmem:s21+$0x11400] =	vst v0  }
0x4f0: {  	s23 =	sor.u32 $0x1C50, s10;
	[tilespmem:s22+$0x11400] =	vst v10;
	v10 =	vor.u32 v25, v3;
	v6 =	vld.idx.msk [tilespmem:v6+s11+$0x0], $0xffff  }
0x4f1: {  	s24 =	sor.u32 $0x1C50, s12;
	v11 =	vld.idx.msk [tilespmem:v11+s11+$0x0], $0xffff;
	[tilespmem:s23+$0x11400] =	vst v7;
	v7 =	vor.u32 v25, v1  }
0x4f2: {  	s25 =	sor.u32 $0x1C50, s14;
	[tilespmem:s24+$0x11400] =	vst v14;
	v14 =	vor.u32 v25, v16;
	v8 =	vld.idx.msk [tilespmem:v8+s11+$0x0], $0xffff  }
0x4f3: {  	s26 =	sor.u32 $0x1C50, s15;
	v2 =	vld.idx.msk [tilespmem:v52+s11+$0x0], $0xffff;
	[tilespmem:s25+$0x11400] =	vst v4;
	v4 =	vor.u32 v24, v12  }
0x4f4: {  	s28 =	sor.u32 $0x1C50, s16;
	[tilespmem:s26+$0x11400] =	vst v5;
	v5 =	vor.u32 v24, v13;
	v0 =	vld.idx.msk [tilespmem:v53+s11+$0x0], $0xffff  }
0x4f5: {  	s29 =	sor.u32 $0x1C50, s17;
	[tilespmem:s28+$0x11400] =	vst v6;
	v6 =	vor.u32 v24, v9;
	v9 =	vld.idx.msk [tilespmem:v10+s11+$0x0], $0xffff  }
0x4f6: {  	s30 =	sor.u32 $0x1C60, s10;
	v3 =	vor.u32 v24, v3;
	[tilespmem:s29+$0x11400] =	vst v11;
	v7 =	vld.idx.msk [tilespmem:v7+s11+$0x0], $0xffff  }
0x4f7: {  	s18 =	sor.u32 $0x1C60, s12;
	v1 =	vor.u32 v24, v1;
	[tilespmem:s30+$0x11400] =	vst v8;
	v8 =	vld.idx.msk [tilespmem:v14+s11+$0x0], $0xffff  }
0x4f8: {  	v56 =	vor.u32 v24, v16;
	s19 =	sor.u32 $0x1C60, s14;
	[tilespmem:s18+$0x11400] =	vst v2;
	v4 =	vld.idx.msk [tilespmem:v4+s11+$0x0], $0xffff  }
0x4f9: {  	s20 =	sor.u32 $0x1C60, s15;
	v58 =	vld.idx.msk [tilespmem:v5+s11+$0x0], $0xffff;
	[tilespmem:s19+$0x11400] =	vst v0  }
0x4fa: {  	s21 =	sor.u32 $0x1C60, s16;
	[tilespmem:s20+$0x11400] =	vst v9;
	v5 =	vld.idx.msk [tilespmem:v6+s11+$0x0], $0xffff  }
0x4fb: {  	s22 =	sor.u32 $0x1C60, s17;
	[tilespmem:s21+$0x11400] =	vst v7;
	v3 =	vld.idx.msk [tilespmem:v3+s11+$0x0], $0xffff  }
0x4fc: {  	s23 =	sor.u32 $0x1C70, s10;
	[tilespmem:s22+$0x11400] =	vst v8;
	v1 =	vld.idx.msk [tilespmem:v1+s11+$0x0], $0xffff  }
0x4fd: {  	s24 =	sor.u32 $0x1C70, s12;
	[tilespmem:s23+$0x11400] =	vst v4;
	v2 =	vld.idx.msk [tilespmem:v56+s11+$0x0], $0xffff  }
0x4fe: {  	s25 =	sor.u32 $0x1C70, s14;
	[tilespmem:s24+$0x11400] =	vst v58  }
0x4ff: {  	s26 =	sor.u32 $0x1C70, s15;
	[tilespmem:s25+$0x11400] =	vst v5  }
0x500: {  	s28 =	sor.u32 $0x1C70, s16;
	[tilespmem:s26+$0x11400] =	vst v3  }
0x501: {  	s29 =	sor.u32 $0x1C70, s17;
	[tilespmem:s28+$0x11400] =	vst v1  }
0x502: {  	[tilespmem:s29+$0x11400] =	vst v2  }
0x503: {  	v7 =	vld [tilespmem:$0x1FDB0]  }
0x504: {  	v8 =	vld [tilespmem:$0x1FDC0]  }
0x505: {  	v48 =	vld [tilespmem:$0x1FE70]  }
0x506: {  	v16 =	vld [tilespmem:$0x1FE80]  }
0x507: {  	v17 =	vld [tilespmem:$0x1FE90]  }
0x508: {  	v43 =	vld [tilespmem:$0x1FEA0]  }
0x509: {  	v44 =	vld [tilespmem:$0x1FEB0]  }
0x50a: {  	v45 =	vld [tilespmem:$0x1FEC0]  }
0x50b: {  	v46 =	vld [tilespmem:$0x1FED0]  }
0x50c: {  	v47 =	vld [tilespmem:$0x1FEE0]  }
0x50d: {  	v20 =	vld [tilespmem:$0x1FFA0]  }
0x50e: {  	s30 =	sshll.u32 s4, $0xB;
	v23 =	vld [tilespmem:$0x1FEF0]  }
0x50f: {  	s12 =	simm.s32 @p1 $0x15400;
	s10 =	simm.s32 @p1 $0x0;
	s0 =	sadd.s32 s30, s9;
	v33 =	vld [tilespmem:$0x1FF00]  }
0x510: {  	[hbm4b:s0+s10] =	stream.linear.scatter @p1 [tilespmem:s12], [sflag:$0x6], $0x4000, $0x38;
	v9 =	vld [tilespmem:$0x1FF10]  }
0x511: {  	s4 =	sadd.s32 $0x1, s4;
	s10 =	simm.s32 @!p1 $0x0;
	s12 =	simm.s32 @!p1 $0x11400;
	v10 =	vld [tilespmem:$0x1FF20]  }
0x512: {  	v39 =	vld [tilespmem:$0x1FF30];
	[hbm4b:s0+s10] =	stream.linear.scatter @!p1 [tilespmem:s12], [sflag:$0x5], $0x4000, $0x38  }
0x513: {  	v49 =	vld [tilespmem:$0x1FF40];
	p1 =	sne.s32 s4, $0x20  }
.Ltmp9:
0x514: {  	v29 =	vld [tilespmem:$0x1FF50];
	(pc) =	sbr.rel @p1 .LBB2_2-.Ltmp9, $4  }
0x515: {  	v26 =	vld [tilespmem:$0x1FF60]  }
0x516: {  	v22 =	vmov v31;
	v21 =	vmov v32;
	v19 =	vmov v54;
	v32 =	vld [tilespmem:$0x1FF70]  }
0x517: {  	v18 =	vmovc v63;
	v15 =	vmovc v37;
	v28 =	vmov v62;
	v25 =	vmov v61;
	v12 =	vmov v41;
	v27 =	vld [tilespmem:$0x1FF80]  }
0x518: {  	p0 =	por !p0, !p0;
	s1 =	sadd.s32 $0x10, s1;
	v13 =	vmovc v40;
	v24 =	vmovc v55;
	v14 =	vmov v42;
	v56 =	vmov v30;
	v5 =	vmov v60;
	v62 =	vld [tilespmem:$0x1FF90]  }
0x519: {  	s0 =	simm.s32 $0x5  }
0x51a: {  	_ =	swait.ge [sflag:s0], $0x4000  }
0x51b: {  	[sflag:s0] =	ssyncset.done $0x0  }
0x51c: {  	s29 =	simm.s32 $0x6;
	[sflag:s0] =	ssyncadd.s32 $0xFFFFC000  }
0x51d: {  	_ =	swait.ge [sflag:s29], $0x4000  }
0x51e: {  	[sflag:s29] =	ssyncset.done $0x0  }
0x51f: {  	s1 =	simm.s32 $0x4;
	[sflag:s29] =	ssyncadd.s32 $0xFFFFC000  }
0x520: {  	_ =	swait.ge [sflag:s1], $0x8000  }
0x521: {  	s4 =	rddreg [dreg:$0x6]  }
0x522: {  	s30 =	rddreg [dreg:$0x5];
	s4 =	sadd.s32 $0x1, s4  }
0x523: {  	p0 =	sne.s32 s4, s30  }
.Ltmp10:
0x524: {  	_ = 	snop;
	(pc) =	sbr.rel @p0 .LBB2_1-.Ltmp10, $3  }
0x525: {  	_ =	sdelay $0x1  }
0x526: {  	[sflag:s1] =	ssyncset.done $0x0  }
0x527: {  	[sflag:s1] =	ssyncadd.s32 $0xFFFF8000  }
0x528: {  	_ =	sfence.sel $0x180000  }
0x529: {  	[bflag:$0x0] =	sbarrier.arrive $0xFFFF  }
0x52a: {  	_ =	strace $0x90000047  }
0x52b: {  	s0 =	stileid.u32;
	[bflag:$0x2] =	sbarrier.arrive $0xFFFF  }
0x52c: {  	p0 =	sne.s32 s0, $0x0;
	s0 =	rddreg [dreg:$0x3]  }
0x52d: {  	s0 =	sadd.s32 @!p0 $0x100000, s0  }
0x52e: {  	[sflag:s0] =	ssyncadd.tile.s32 @!p0 $0x1;
	_ =	shalt  }
.Lfunc_end2:
_tile_overlayer_lowered:
.L_overlay_start_2:
0x52f: {  	(tag) =	ssettag $0x2  }
0x530: {  	s0 =	rddreg [dreg:$0x0];
	s2 =	stileid.u32  }
0x531: {  	s1 =	rddreg [dreg:$0x1];
	p0 =	sne.s32 s2, $0x0  }
0x532: {  	s3 =	rddreg [dreg:$0x2];
	[bflag:$0x3] =	sbarrier.arrive $0xFFFF;
	s2 =	simm.s32 @!p0 $0x1C07  }
0x533: {  	[timem:s3], [sflag:s2] =	dma.local @!p0 [hbm:s0], s1  }
0x534: {  	s0 =	simm.s32 @!p0 $0x7  }
0x535: {  	_ =	swait.ge @!p0 [sflag:s0], s1  }
0x536: {  	s1 =	ssub.s32 @!p0 $0x0, s1;
	[sflag:s0] =	ssyncset.done @!p0 $0x0  }
0x537: {  	[sflag:s0] =	ssyncadd.s32 @!p0 s1  }
0x538: {  	[bflag:$0x3] =	sbarrier.arrive $0xFFFF  }
0x539: {  	_ =	shalt  }

</sc_bundles>
